<compile_context>
chip_gen: v7x
topology: tpu7x:2x2x1
jax: 0.10.2.dev20260603
libtpu: 0.0.44.dev20260713+nightly
codegen_flags: <defaults>
</compile_context>

<pallas_src>
import functools

import jax
import jax.numpy as jnp
from jax import lax
from jax.experimental import pallas as pl
from jax.experimental.pallas import tpu as pltpu
from jax.experimental.pallas import tpu_sc as plsc

_N_NODES = 10000
_N_EDGES = 320000
_H = 64
_L = 5

_NC = 2
_NS = 16
_NW = _NC * _NS
_EPW = _N_EDGES // _NW
_C = 80
_NCHUNK = _EPW // _C
_N_PAD = 10240
_RPT = _N_PAD // _NS

_NBLK = 2000
_EBLK = 2000


def _elu(x):
    return jnp.where(x > 0, x, jnp.exp(jnp.minimum(x, 0.0)) - 1.0)


def _ln(x, g, b):
    m = jnp.mean(x, axis=-1, keepdims=True)
    d = x - m
    v = jnp.mean(d * d, axis=-1, keepdims=True)
    return d * lax.rsqrt(v + 1e-5) * g + b


def _dot(a, b):
    return jnp.dot(a, b, preferred_element_type=jnp.float32)


def _qpack(vn, w1, w2):
    p1 = _dot(vn, w1)
    p2 = _dot(vn, w2)
    return jnp.concatenate([p2, p1], axis=1), jnp.concatenate([p1, p2], axis=1)



def _node_init_body(emb, pw, pb, w1, w2, v_ref, q1_ref, q2_ref):
    v = _dot(emb[...], pw[...]) + pb[...]
    v_ref[...] = v
    q1_ref[...], q2_ref[...] = _qpack(v, w1[...], w2[...])


_node_init = pl.pallas_call(
    _node_init_body,
    grid=(_N_NODES // _NBLK,),
    in_specs=[
        pl.BlockSpec((_NBLK, 128), lambda i: (i, 0)),
        pl.BlockSpec((128, _H), lambda i: (0, 0)),
        pl.BlockSpec((1, _H), lambda i: (0, 0)),
        pl.BlockSpec((_H, _H), lambda i: (0, 0)),
        pl.BlockSpec((_H, _H), lambda i: (0, 0)),
    ],
    out_specs=[
        pl.BlockSpec((_NBLK, _H), lambda i: (i, 0)),
        pl.BlockSpec((_NBLK, 128), lambda i: (i, 0)),
        pl.BlockSpec((_NBLK, 128), lambda i: (i, 0)),
    ],
    out_shape=[
        jax.ShapeDtypeStruct((_N_NODES, _H), jnp.float32),
        jax.ShapeDtypeStruct((_N_NODES, 128), jnp.float32),
        jax.ShapeDtypeStruct((_N_NODES, 128), jnp.float32),
    ],
)


def _edge_init_body(emb, pw, pb, w3, eb, es_ref):
    e = _dot(emb[...], pw[...]) + pb[...]
    ew = _dot(e, w3[...]) + eb[...]
    es_ref[...] = jnp.concatenate([ew, e], axis=1)


_edge_init = pl.pallas_call(
    _edge_init_body,
    grid=(_N_EDGES // _EBLK,),
    in_specs=[
        pl.BlockSpec((_EBLK, 16), lambda i: (i, 0)),
        pl.BlockSpec((16, _H), lambda i: (0, 0)),
        pl.BlockSpec((1, _H), lambda i: (0, 0)),
        pl.BlockSpec((_H, _H), lambda i: (0, 0)),
        pl.BlockSpec((1, _H), lambda i: (0, 0)),
    ],
    out_specs=[pl.BlockSpec((_EBLK, 128), lambda i: (i, 0))],
    out_shape=[jax.ShapeDtypeStruct((_N_EDGES, 128), jnp.float32)],
)


def _edge_mid_body(xp, g, b, w3, eb, es_ref):
    x = xp[...][:, :_H]
    e = _elu(_ln(x, g[...], b[...]))
    es_ref[...] = jnp.concatenate([_dot(e, w3[...]) + eb[...], e], axis=1)


_edge_mid = pl.pallas_call(
    _edge_mid_body,
    grid=(_N_EDGES // _EBLK,),
    in_specs=[
        pl.BlockSpec((_EBLK, 128), lambda i: (i, 0)),
        pl.BlockSpec((1, _H), lambda i: (0, 0)),
        pl.BlockSpec((1, _H), lambda i: (0, 0)),
        pl.BlockSpec((_H, _H), lambda i: (0, 0)),
        pl.BlockSpec((1, _H), lambda i: (0, 0)),
    ],
    out_specs=[pl.BlockSpec((_EBLK, 128), lambda i: (i, 0))],
    out_shape=[jax.ShapeDtypeStruct((_N_EDGES, 128), jnp.float32)],
)


def _node_update(aa, ab, v, nw1, nw2, nb, g, b):
    aggr = aa[...][:, :_H] + ab[...][:, :_H]
    vold = v[...]
    vnew = _dot(aggr, nw1[...]) + _dot(vold, nw2[...]) + nb[...] + vold
    return _elu(_ln(vnew, g[...], b[...]))


def _node_mid_body(aa, ab, v, nw1, nw2, nb, g, b, w1n, w2n,
                   v_ref, q1_ref, q2_ref):
    vn = _node_update(aa, ab, v, nw1, nw2, nb, g, b)
    v_ref[...] = vn
    q1_ref[...], q2_ref[...] = _qpack(vn, w1n[...], w2n[...])


def _node_last_body(aa, ab, v, nw1, nw2, nb, g, b, v_ref):
    v_ref[...] = _node_update(aa, ab, v, nw1, nw2, nb, g, b)


_node_specs = [
    pl.BlockSpec((_NBLK, 128), lambda i: (i, 0)),
    pl.BlockSpec((_NBLK, 128), lambda i: (i, 0)),
    pl.BlockSpec((_NBLK, _H), lambda i: (i, 0)),
    pl.BlockSpec((_H, _H), lambda i: (0, 0)),
    pl.BlockSpec((_H, _H), lambda i: (0, 0)),
    pl.BlockSpec((1, _H), lambda i: (0, 0)),
    pl.BlockSpec((1, _H), lambda i: (0, 0)),
    pl.BlockSpec((1, _H), lambda i: (0, 0)),
]

_node_mid = pl.pallas_call(
    _node_mid_body,
    grid=(_N_NODES // _NBLK,),
    in_specs=_node_specs + [
        pl.BlockSpec((_H, _H), lambda i: (0, 0)),
        pl.BlockSpec((_H, _H), lambda i: (0, 0)),
    ],
    out_specs=[
        pl.BlockSpec((_NBLK, _H), lambda i: (i, 0)),
        pl.BlockSpec((_NBLK, 128), lambda i: (i, 0)),
        pl.BlockSpec((_NBLK, 128), lambda i: (i, 0)),
    ],
    out_shape=[
        jax.ShapeDtypeStruct((_N_NODES, _H), jnp.float32),
        jax.ShapeDtypeStruct((_N_NODES, 128), jnp.float32),
        jax.ShapeDtypeStruct((_N_NODES, 128), jnp.float32),
    ],
)

_node_last = pl.pallas_call(
    _node_last_body,
    grid=(_N_NODES // _NBLK,),
    in_specs=_node_specs,
    out_specs=[pl.BlockSpec((_NBLK, _H), lambda i: (i, 0))],
    out_shape=[jax.ShapeDtypeStruct((_N_NODES, _H), jnp.float32)],
)



def _build_sc(with_x):
    mesh = plsc.VectorSubcoreMesh(core_axis_name="c", subcore_axis_name="s")

    out_type = [jax.ShapeDtypeStruct((_NC * _N_PAD, 128), jnp.float32)]
    if with_x:
        out_type.append(jax.ShapeDtypeStruct((_N_EDGES, 128), jnp.float32))

    scratch = [
        pltpu.VMEM((_C,), jnp.int32),
        pltpu.VMEM((_C,), jnp.int32),
        pltpu.VMEM((_C, 128), jnp.float32),
        pltpu.VMEM((_C, 128), jnp.float32),
        pltpu.VMEM((_C, 128), jnp.float32),
        pltpu.VMEM_SHARED((_N_PAD, 128), jnp.float32),
        pltpu.SemaphoreType.DMA,
        pltpu.SemaphoreType.DMA,
    ]

    def body(src_hbm, dst_hbm, es_hbm, q1_hbm, q2_hbm, z_hbm, *rest):
        it = iter(rest)
        aggr_out = next(it)
        x_out = next(it) if with_x else None
        srcv = next(it)
        dstv = next(it)
        esv = next(it)
        qsv = next(it)
        qdv = next(it)
        aggr_sh = next(it)
        sem1 = next(it)
        sem2 = next(it)

        c = lax.axis_index("c")
        s = lax.axis_index("s")
        wid = c * _NS + s
        row0 = s * _RPT

        pltpu.sync_copy(z_hbm, aggr_sh.at[pl.ds(row0, _RPT)])
        plsc.subcore_barrier()

        def chunk(i, carry):
            base = wid * _EPW + i * _C
            pltpu.sync_copy(src_hbm.at[pl.ds(base, _C)], srcv)
            pltpu.sync_copy(dst_hbm.at[pl.ds(base, _C)], dstv)
            pltpu.sync_copy(es_hbm.at[pl.ds(base, _C)], esv)
            g1 = pltpu.async_copy(q1_hbm.at[srcv], qsv, sem1)
            g2 = pltpu.async_copy(q2_hbm.at[dstv], qdv, sem2)
            pltpu.sync_copy(esv, aggr_sh.at[dstv], add=True)
            g1.wait()
            pltpu.sync_copy(qsv, aggr_sh.at[dstv], add=True)
            g2.wait()
            pltpu.sync_copy(qdv, aggr_sh.at[dstv], add=True)
            if with_x:
                def row(r, cc):
                    for k in range(_H // 16):
                        sl = pl.ds(k * 16, 16)
                        sr = pl.ds(_H + k * 16, 16)
                        esv[r, sl] = (esv[r, sl] + esv[r, sr]
                                      + qsv[r, sr] + qdv[r, sr])
                    return cc

                lax.fori_loop(0, _C, row, 0)
                pltpu.sync_copy(esv, x_out.at[pl.ds(base, _C)])
            return carry

        lax.fori_loop(0, _NCHUNK, chunk, 0)

        plsc.subcore_barrier()
        out0 = c * _N_PAD + row0
        pltpu.sync_copy(aggr_sh.at[pl.ds(row0, _RPT)],
                        aggr_out.at[pl.ds(out0, _RPT)])

    return pl.kernel(body, mesh=mesh, out_type=out_type,
                     scratch_types=scratch)


_sc_mid = _build_sc(with_x=True)
_sc_last = _build_sc(with_x=False)



def kernel(emb_nodes, emb_edges, pre_node_W, pre_node_b, pre_edge_W,
           pre_edge_b, edge_W, edge_b, node_W, node_b, lnn_g, lnn_b,
           lne_g, lne_b, edge_index):
    f32 = jnp.float32
    src = edge_index[0]
    dst = edge_index[1]

    w1 = edge_W[:, :_H, :]
    w2 = edge_W[:, _H:2 * _H, :]
    w3 = edge_W[:, 2 * _H:, :]
    nw1 = node_W[:, :_H, :]
    nw2 = node_W[:, _H:, :]

    def row(x):
        return x.reshape(1, _H)

    V, Q1, Q2 = _node_init(emb_nodes, pre_node_W, row(pre_node_b),
                           w1[0], w2[0])
    (ES,) = _edge_init(emb_edges, pre_edge_W, row(pre_edge_b),
                       w3[0], row(edge_b[0]))

    z = jnp.zeros((_RPT, 128), f32)

    for l in range(_L):
        last = l == _L - 1
        if not last:
            aggr2, xp = _sc_mid(src, dst, ES, Q1, Q2, z)
        else:
            (aggr2,) = _sc_last(src, dst, ES, Q1, Q2, z)
        aggra = aggr2[:_N_NODES]
        aggrb = aggr2[_N_PAD:_N_PAD + _N_NODES]
        if not last:
            V, Q1, Q2 = _node_mid(aggra, aggrb, V, nw1[l], nw2[l],
                                  row(node_b[l]), row(lnn_g[l]),
                                  row(lnn_b[l]), w1[l + 1], w2[l + 1])
            (ES,) = _edge_mid(xp, row(lne_g[l]), row(lne_b[l]),
                              w3[l + 1], row(edge_b[l + 1]))
        else:
            (V,) = _node_last(aggra, aggrb, V, nw1[l], nw2[l],
                              row(node_b[l]), row(lnn_g[l]),
                              row(lnn_b[l]))
    return V

# --- scband reference (transcript-rebuilt; emitter-appended) ---
"""Pipeline reference for scband-gnnencoder-57964878627397 (READ-ONLY COPY).

The authoritative reference and input builder live on the scoring server;
editing this copy changes nothing except your own understanding.
"""

import jax, jax.numpy as jnp
import numpy as np

N_NODES = 10000
N_EDGES = 320000
D_NODE_IN = 128
D_EDGE_IN = 16
H = 64
L = 5


def _layer_norm(x, g, b, eps=1e-5):
    m = jnp.mean(x, axis=-1, keepdims=True)
    v = jnp.var(x, axis=-1, keepdims=True)
    return (x - m) / jnp.sqrt(v + eps) * g + b


def setup_inputs(seed: int = 0) -> dict:
    key = jax.random.key(seed)
    ks = jax.random.split(key, 12)
    emb_nodes = jax.random.normal(ks[0], (N_NODES, D_NODE_IN), dtype=jnp.float32)
    emb_edges = jax.random.normal(ks[1], (N_EDGES, D_EDGE_IN), dtype=jnp.float32)
    edge_index = jax.random.randint(ks[2], (2, N_EDGES), 0, N_NODES, dtype=jnp.int32)

    def lin(k, fan_in, fan_out):
        return jax.random.normal(k, (fan_in, fan_out), dtype=jnp.float32) / np.sqrt(fan_in)

    pre_node_W = lin(ks[3], D_NODE_IN, H)
    pre_node_b = jnp.zeros((H,), jnp.float32)
    pre_edge_W = lin(ks[4], D_EDGE_IN, H)
    pre_edge_b = jnp.zeros((H,), jnp.float32)
    edge_W = jax.random.normal(ks[5], (L, 3 * H, H), dtype=jnp.float32) / np.sqrt(3 * H)
    edge_b = jnp.zeros((L, H), jnp.float32)
    node_W = jax.random.normal(ks[6], (L, 2 * H, H), dtype=jnp.float32) / np.sqrt(2 * H)
    node_b = jnp.zeros((L, H), jnp.float32)
    lnn_g = jnp.ones((L, H), jnp.float32)
    lnn_b = jnp.zeros((L, H), jnp.float32)
    lne_g = jnp.ones((L, H), jnp.float32)
    lne_b = jnp.zeros((L, H), jnp.float32)
    return {
        'emb_nodes': emb_nodes, 'emb_edges': emb_edges,
        'pre_node_W': pre_node_W, 'pre_node_b': pre_node_b,
        'pre_edge_W': pre_edge_W, 'pre_edge_b': pre_edge_b,
        'edge_W': edge_W, 'edge_b': edge_b,
        'node_W': node_W, 'node_b': node_b,
        'lnn_g': lnn_g, 'lnn_b': lnn_b, 'lne_g': lne_g, 'lne_b': lne_b,
        'edge_index': edge_index,
    }


def reference(emb_nodes, emb_edges, pre_node_W, pre_node_b, pre_edge_W, pre_edge_b,
              edge_W, edge_b, node_W, node_b, lnn_g, lnn_b, lne_g, lne_b, edge_index):
    src = edge_index[0]
    dst = edge_index[1]
    V = emb_nodes @ pre_node_W + pre_node_b
    E = emb_edges @ pre_edge_W + pre_edge_b
    n = V.shape[0]
    for l in range(L):
        x_j = jnp.take(V, src, axis=0)   # source nodes
        x_i = jnp.take(V, dst, axis=0)   # target nodes
        # GraphNetBlock.message: edge_net(cat[x_i, x_j, edge_attr])
        msg = jnp.concatenate([x_i, x_j, E], axis=-1) @ edge_W[l] + edge_b[l]
        aggr = jax.ops.segment_sum(msg, dst, num_segments=n)
        # update: node_net(cat[aggr_out, x])
        V_new = jnp.concatenate([aggr, V], axis=-1) @ node_W[l] + node_b[l]
        # E_new = edge_net(cat[X[row], X[col], E]) with row=src, col=dst
        E_new = jnp.concatenate([x_j, x_i, E], axis=-1) @ edge_W[l] + edge_b[l]
        V_new = V_new + V
        E_new = E_new + E
        V = jax.nn.elu(_layer_norm(V_new, lnn_g[l], lnn_b[l]))
        E = jax.nn.elu(_layer_norm(E_new, lne_g[l], lne_b[l]))
    return V

if __name__ == "__main__":
    import jax
    _d = setup_inputs()
    print(jax.jit(kernel)(*tuple(_d.values())))

</pallas_src>

<mosaic_0001>
#map = affine_map<(d0, d1) -> (0)>
#map1 = affine_map<(d0, d1) -> (0, 0)>
module attributes {stable_mosaic.version = 14 : i64} {
  func.func @body(%arg0: i32, %arg1: i32, %arg2: memref<320000xi32, #tpu.memory_space<hbm>>, %arg3: memref<320000xi32, #tpu.memory_space<hbm>>, %arg4: memref<320000x128xf32, #tpu.memory_space<hbm>>, %arg5: memref<10000x128xf32, #tpu.memory_space<hbm>>, %arg6: memref<10000x128xf32, #tpu.memory_space<hbm>>, %arg7: memref<640x128xf32, #tpu.memory_space<hbm>>, %arg8: memref<20480x128xf32, #tpu.memory_space<hbm>>, %arg9: memref<320000x128xf32, #tpu.memory_space<hbm>>, %arg10: memref<80xi32, #tpu.memory_space<vmem>>, %arg11: memref<80xi32, #tpu.memory_space<vmem>>, %arg12: memref<80x128xf32, #tpu.memory_space<vmem>>, %arg13: memref<80x128xf32, #tpu.memory_space<vmem>>, %arg14: memref<80x128xf32, #tpu.memory_space<vmem>>, %arg15: memref<10240x128xf32, #tpu.memory_space<vmem_shared>>, %arg16: memref<!tpu.dma_semaphore, #tpu.memory_space<semaphore_mem>>, %arg17: memref<!tpu.dma_semaphore, #tpu.memory_space<semaphore_mem>>) attributes {dimension_semantics = [#tpu.dimension_semantics<core_parallel>, #tpu.dimension_semantics<subcore_parallel>], iteration_bounds = array<i64: 2, 16>, scalar_prefetch = 0 : i64, scratch_operands = 8 : i64, tpu.core_type = #tpu.core_type<sc_vector_subcore>, window_params = [{transform_indices = #map}, {transform_indices = #map}, {transform_indices = #map1}, {transform_indices = #map1}, {transform_indices = #map1}, {transform_indices = #map1}, {transform_indices = #map1}, {transform_indices = #map1}]} {
    %mul3A = arith.constant 16 : i32
    %mul3A_0 = arith.muli %arg0, %mul3A : i32
    %add3A = arith.addi %mul3A_0, %arg1 : i32
    %mul3A_1 = arith.constant 640 : i32
    %mul3A_2 = arith.muli %arg1, %mul3A_1 : i32
    "tpu.region"() ({
      %run_scoped3A = tpu.sem_alloc : memref<!tpu.dma_semaphore, #tpu.memory_space<semaphore_mem>>
      %dma_start3A = arith.constant 0 : i32
      %dma_start3A_12 = tpu.memref_slice %arg15[%mul3A_2, %dma_start3A] : memref<10240x128xf32, #tpu.memory_space<vmem_shared>> -> memref<640x128xf32, #tpu.memory_space<vmem_shared>>
      tpu.enqueue_dma source(%arg7 : memref<640x128xf32, #tpu.memory_space<hbm>>) target(%dma_start3A_12 : memref<640x128xf32, #tpu.memory_space<vmem_shared>>) target_semaphore(%run_scoped3A : memref<!tpu.dma_semaphore, #tpu.memory_space<semaphore_mem>>)
      %dma_wait3A = arith.constant 0 : i32
      %dma_wait3A_13 = tpu.memref_slice %arg15[%mul3A_2, %dma_wait3A] : memref<10240x128xf32, #tpu.memory_space<vmem_shared>> -> memref<640x128xf32, #tpu.memory_space<vmem_shared>>
      tpu.wait_dma2 semaphore(%run_scoped3A : memref<!tpu.dma_semaphore, #tpu.memory_space<semaphore_mem>>) src(%arg7 : memref<640x128xf32, #tpu.memory_space<hbm>>) dst(%dma_wait3A_13 : memref<640x128xf32, #tpu.memory_space<vmem_shared>>)
      tpu.yield
    }) : () -> ()
    %barrier3A = arith.constant 0 : index
    tpu.barrier barrier_id(%barrier3A)
    %scan3A = arith.constant 0 : i32
    %scan3A_3 = arith.constant 0 : i32
    %scan3A_4 = arith.constant 125 : i32
    %scan3A_5 = arith.addi %scan3A_3, %scan3A_4 : i32
    %scan3A_6 = arith.constant 1 : i32
    scf.for %scan3A_12 = %scan3A_3 to %scan3A_5 step %scan3A_6  : i32 {
      %mul3A_13 = arith.constant 10000 : i32
      %mul3A_14 = arith.muli %add3A, %mul3A_13 : i32
      %mul3A_15 = arith.constant 80 : i32
      %mul3A_16 = arith.muli %scan3A_12, %mul3A_15 : i32
      %add3A_17 = arith.addi %mul3A_14, %mul3A_16 : i32
      "tpu.region"() ({
        %run_scoped3A = tpu.sem_alloc : memref<!tpu.dma_semaphore, #tpu.memory_space<semaphore_mem>>
        %dma_start3A_34 = tpu.memref_slice %arg2[%add3A_17] : memref<320000xi32, #tpu.memory_space<hbm>> -> memref<80xi32, #tpu.memory_space<hbm>>
        %dma_start3A_35 = tpu.memref_slice %arg2[%add3A_17] : memref<320000xi32, #tpu.memory_space<hbm>> -> memref<80xi32, #tpu.memory_space<hbm>>
        tpu.enqueue_dma source(%dma_start3A_35 : memref<80xi32, #tpu.memory_space<hbm>>) target(%arg10 : memref<80xi32, #tpu.memory_space<vmem>>) target_semaphore(%run_scoped3A : memref<!tpu.dma_semaphore, #tpu.memory_space<semaphore_mem>>)
        %dma_wait3A_36 = tpu.memref_slice %arg2[%add3A_17] : memref<320000xi32, #tpu.memory_space<hbm>> -> memref<80xi32, #tpu.memory_space<hbm>>
        %dma_wait3A_37 = tpu.memref_slice %arg2[%add3A_17] : memref<320000xi32, #tpu.memory_space<hbm>> -> memref<80xi32, #tpu.memory_space<hbm>>
        tpu.wait_dma2 semaphore(%run_scoped3A : memref<!tpu.dma_semaphore, #tpu.memory_space<semaphore_mem>>) src(%dma_wait3A_37 : memref<80xi32, #tpu.memory_space<hbm>>) dst(%arg10 : memref<80xi32, #tpu.memory_space<vmem>>)
        tpu.yield
      }) : () -> ()
      "tpu.region"() ({
        %run_scoped3A = tpu.sem_alloc : memref<!tpu.dma_semaphore, #tpu.memory_space<semaphore_mem>>
        %dma_start3A_34 = tpu.memref_slice %arg3[%add3A_17] : memref<320000xi32, #tpu.memory_space<hbm>> -> memref<80xi32, #tpu.memory_space<hbm>>
        %dma_start3A_35 = tpu.memref_slice %arg3[%add3A_17] : memref<320000xi32, #tpu.memory_space<hbm>> -> memref<80xi32, #tpu.memory_space<hbm>>
        tpu.enqueue_dma source(%dma_start3A_35 : memref<80xi32, #tpu.memory_space<hbm>>) target(%arg11 : memref<80xi32, #tpu.memory_space<vmem>>) target_semaphore(%run_scoped3A : memref<!tpu.dma_semaphore, #tpu.memory_space<semaphore_mem>>)
        %dma_wait3A_36 = tpu.memref_slice %arg3[%add3A_17] : memref<320000xi32, #tpu.memory_space<hbm>> -> memref<80xi32, #tpu.memory_space<hbm>>
        %dma_wait3A_37 = tpu.memref_slice %arg3[%add3A_17] : memref<320000xi32, #tpu.memory_space<hbm>> -> memref<80xi32, #tpu.memory_space<hbm>>
        tpu.wait_dma2 semaphore(%run_scoped3A : memref<!tpu.dma_semaphore, #tpu.memory_space<semaphore_mem>>) src(%dma_wait3A_37 : memref<80xi32, #tpu.memory_space<hbm>>) dst(%arg11 : memref<80xi32, #tpu.memory_space<vmem>>)
        tpu.yield
      }) : () -> ()
      "tpu.region"() ({
        %run_scoped3A = tpu.sem_alloc : memref<!tpu.dma_semaphore, #tpu.memory_space<semaphore_mem>>
        %dma_start3A_34 = arith.constant 0 : i32
        %dma_start3A_35 = tpu.memref_slice %arg4[%add3A_17, %dma_start3A_34] : memref<320000x128xf32, #tpu.memory_space<hbm>> -> memref<80x128xf32, #tpu.memory_space<hbm>>
        %dma_start3A_36 = arith.constant 0 : i32
        %dma_start3A_37 = tpu.memref_slice %arg4[%add3A_17, %dma_start3A_36] : memref<320000x128xf32, #tpu.memory_space<hbm>> -> memref<80x128xf32, #tpu.memory_space<hbm>>
        tpu.enqueue_dma source(%dma_start3A_37 : memref<80x128xf32, #tpu.memory_space<hbm>>) target(%arg12 : memref<80x128xf32, #tpu.memory_space<vmem>>) target_semaphore(%run_scoped3A : memref<!tpu.dma_semaphore, #tpu.memory_space<semaphore_mem>>)
        %dma_wait3A_38 = arith.constant 0 : i32
        %dma_wait3A_39 = tpu.memref_slice %arg4[%add3A_17, %dma_wait3A_38] : memref<320000x128xf32, #tpu.memory_space<hbm>> -> memref<80x128xf32, #tpu.memory_space<hbm>>
        %dma_wait3A_40 = arith.constant 0 : i32
        %dma_wait3A_41 = tpu.memref_slice %arg4[%add3A_17, %dma_wait3A_40] : memref<320000x128xf32, #tpu.memory_space<hbm>> -> memref<80x128xf32, #tpu.memory_space<hbm>>
        tpu.wait_dma2 semaphore(%run_scoped3A : memref<!tpu.dma_semaphore, #tpu.memory_space<semaphore_mem>>) src(%dma_wait3A_41 : memref<80x128xf32, #tpu.memory_space<hbm>>) dst(%arg12 : memref<80x128xf32, #tpu.memory_space<vmem>>)
        tpu.yield
      }) : () -> ()
      %dma_start3A = arith.constant 0 : i32
      %dma_start3A_18 = arith.constant 0 : i32
      %dma_start3A_19 = tpu.memref_slice %arg5[%dma_start3A, %dma_start3A_18] : memref<10000x128xf32, #tpu.memory_space<hbm>> -> memref<10000x128xf32, #tpu.memory_space<hbm>>
      tpu.enqueue_indirect_dma source(%dma_start3A_19 : memref<10000x128xf32, #tpu.memory_space<hbm>>) target(%arg13 : memref<80x128xf32, #tpu.memory_space<vmem>>) offsets(%arg10 : memref<80xi32, #tpu.memory_space<vmem>>) semaphore(%arg16 : memref<!tpu.dma_semaphore, #tpu.memory_space<semaphore_mem>>)
      %dma_start3A_20 = arith.constant 0 : i32
      %dma_start3A_21 = arith.constant 0 : i32
      %dma_start3A_22 = tpu.memref_slice %arg6[%dma_start3A_20, %dma_start3A_21] : memref<10000x128xf32, #tpu.memory_space<hbm>> -> memref<10000x128xf32, #tpu.memory_space<hbm>>
      tpu.enqueue_indirect_dma source(%dma_start3A_22 : memref<10000x128xf32, #tpu.memory_space<hbm>>) target(%arg14 : memref<80x128xf32, #tpu.memory_space<vmem>>) offsets(%arg11 : memref<80xi32, #tpu.memory_space<vmem>>) semaphore(%arg17 : memref<!tpu.dma_semaphore, #tpu.memory_space<semaphore_mem>>)
      "tpu.region"() ({
        %run_scoped3A = tpu.sem_alloc : memref<!tpu.dma_semaphore, #tpu.memory_space<semaphore_mem>>
        %dma_start3A_34 = arith.constant 0 : i32
        %dma_start3A_35 = arith.constant 0 : i32
        %dma_start3A_36 = tpu.memref_slice %arg15[%dma_start3A_34, %dma_start3A_35] : memref<10240x128xf32, #tpu.memory_space<vmem_shared>> -> memref<10240x128xf32, #tpu.memory_space<vmem_shared>>
        tpu.enqueue_indirect_dma source(%arg12 : memref<80x128xf32, #tpu.memory_space<vmem>>) target(%dma_start3A_36 : memref<10240x128xf32, #tpu.memory_space<vmem_shared>>) offsets(%arg11 : memref<80xi32, #tpu.memory_space<vmem>>) semaphore(%run_scoped3A : memref<!tpu.dma_semaphore, #tpu.memory_space<semaphore_mem>>) {add = true}
        %dma_wait3A_37 = arith.constant 0 : i32
        %dma_wait3A_38 = arith.constant 0 : i32
        %dma_wait3A_39 = tpu.memref_slice %arg15[%dma_wait3A_37, %dma_wait3A_38] : memref<10240x128xf32, #tpu.memory_space<vmem_shared>> -> memref<10240x128xf32, #tpu.memory_space<vmem_shared>>
        tpu.wait_indirect_dma semaphore(%run_scoped3A : memref<!tpu.dma_semaphore, #tpu.memory_space<semaphore_mem>>) src(%arg12 : memref<80x128xf32, #tpu.memory_space<vmem>>) dst(%dma_wait3A_39 : memref<10240x128xf32, #tpu.memory_space<vmem_shared>>)
        tpu.yield
      }) : () -> ()
      %dma_wait3A = arith.constant 0 : i32
      %dma_wait3A_23 = arith.constant 0 : i32
      %dma_wait3A_24 = tpu.memref_slice %arg5[%dma_wait3A, %dma_wait3A_23] : memref<10000x128xf32, #tpu.memory_space<hbm>> -> memref<10000x128xf32, #tpu.memory_space<hbm>>
      tpu.wait_indirect_dma semaphore(%arg16 : memref<!tpu.dma_semaphore, #tpu.memory_space<semaphore_mem>>) src(%dma_wait3A_24 : memref<10000x128xf32, #tpu.memory_space<hbm>>) dst(%arg13 : memref<80x128xf32, #tpu.memory_space<vmem>>)
      "tpu.region"() ({
        %run_scoped3A = tpu.sem_alloc : memref<!tpu.dma_semaphore, #tpu.memory_space<semaphore_mem>>
        %dma_start3A_34 = arith.constant 0 : i32
        %dma_start3A_35 = arith.constant 0 : i32
        %dma_start3A_36 = tpu.memref_slice %arg15[%dma_start3A_34, %dma_start3A_35] : memref<10240x128xf32, #tpu.memory_space<vmem_shared>> -> memref<10240x128xf32, #tpu.memory_space<vmem_shared>>
        tpu.enqueue_indirect_dma source(%arg13 : memref<80x128xf32, #tpu.memory_space<vmem>>) target(%dma_start3A_36 : memref<10240x128xf32, #tpu.memory_space<vmem_shared>>) offsets(%arg11 : memref<80xi32, #tpu.memory_space<vmem>>) semaphore(%run_scoped3A : memref<!tpu.dma_semaphore, #tpu.memory_space<semaphore_mem>>) {add = true}
        %dma_wait3A_37 = arith.constant 0 : i32
        %dma_wait3A_38 = arith.constant 0 : i32
        %dma_wait3A_39 = tpu.memref_slice %arg15[%dma_wait3A_37, %dma_wait3A_38] : memref<10240x128xf32, #tpu.memory_space<vmem_shared>> -> memref<10240x128xf32, #tpu.memory_space<vmem_shared>>
        tpu.wait_indirect_dma semaphore(%run_scoped3A : memref<!tpu.dma_semaphore, #tpu.memory_space<semaphore_mem>>) src(%arg13 : memref<80x128xf32, #tpu.memory_space<vmem>>) dst(%dma_wait3A_39 : memref<10240x128xf32, #tpu.memory_space<vmem_shared>>)
        tpu.yield
      }) : () -> ()
      %dma_wait3A_25 = arith.constant 0 : i32
      %dma_wait3A_26 = arith.constant 0 : i32
      %dma_wait3A_27 = tpu.memref_slice %arg6[%dma_wait3A_25, %dma_wait3A_26] : memref<10000x128xf32, #tpu.memory_space<hbm>> -> memref<10000x128xf32, #tpu.memory_space<hbm>>
      tpu.wait_indirect_dma semaphore(%arg17 : memref<!tpu.dma_semaphore, #tpu.memory_space<semaphore_mem>>) src(%dma_wait3A_27 : memref<10000x128xf32, #tpu.memory_space<hbm>>) dst(%arg14 : memref<80x128xf32, #tpu.memory_space<vmem>>)
      "tpu.region"() ({
        %run_scoped3A = tpu.sem_alloc : memref<!tpu.dma_semaphore, #tpu.memory_space<semaphore_mem>>
        %dma_start3A_34 = arith.constant 0 : i32
        %dma_start3A_35 = arith.constant 0 : i32
        %dma_start3A_36 = tpu.memref_slice %arg15[%dma_start3A_34, %dma_start3A_35] : memref<10240x128xf32, #tpu.memory_space<vmem_shared>> -> memref<10240x128xf32, #tpu.memory_space<vmem_shared>>
        tpu.enqueue_indirect_dma source(%arg14 : memref<80x128xf32, #tpu.memory_space<vmem>>) target(%dma_start3A_36 : memref<10240x128xf32, #tpu.memory_space<vmem_shared>>) offsets(%arg11 : memref<80xi32, #tpu.memory_space<vmem>>) semaphore(%run_scoped3A : memref<!tpu.dma_semaphore, #tpu.memory_space<semaphore_mem>>) {add = true}
        %dma_wait3A_37 = arith.constant 0 : i32
        %dma_wait3A_38 = arith.constant 0 : i32
        %dma_wait3A_39 = tpu.memref_slice %arg15[%dma_wait3A_37, %dma_wait3A_38] : memref<10240x128xf32, #tpu.memory_space<vmem_shared>> -> memref<10240x128xf32, #tpu.memory_space<vmem_shared>>
        tpu.wait_indirect_dma semaphore(%run_scoped3A : memref<!tpu.dma_semaphore, #tpu.memory_space<semaphore_mem>>) src(%arg14 : memref<80x128xf32, #tpu.memory_space<vmem>>) dst(%dma_wait3A_39 : memref<10240x128xf32, #tpu.memory_space<vmem_shared>>)
        tpu.yield
      }) : () -> ()
      %scan3A_28 = arith.constant 0 : i32
      %scan3A_29 = arith.constant 0 : i32
      %scan3A_30 = arith.constant 80 : i32
      %scan3A_31 = arith.addi %scan3A_29, %scan3A_30 : i32
      %scan3A_32 = arith.constant 1 : i32
      scf.for %scan3A_34 = %scan3A_29 to %scan3A_31 step %scan3A_32  : i32 {
        %get3A = arith.index_cast %scan3A_34 : i32 to index
        %get3A_35 = arith.constant 0 : index
        %get3A_36 = tpu.vector_load %arg12[%get3A, %get3A_35] {strides = array<i32>} : memref<80x128xf32, #tpu.memory_space<vmem>>, vector<1x16xf32>,
        %get3A_37 = vector.shape_cast %get3A_36 : vector<1x16xf32> to vector<16xf32>
        %get3A_38 = arith.index_cast %scan3A_34 : i32 to index
        %get3A_39 = arith.constant 64 : index
        %get3A_40 = tpu.vector_load %arg12[%get3A_38, %get3A_39] {strides = array<i32>} : memref<80x128xf32, #tpu.memory_space<vmem>>, vector<1x16xf32>,
        %get3A_41 = vector.shape_cast %get3A_40 : vector<1x16xf32> to vector<16xf32>
        %add3A_42 = arith.addf %get3A_37, %get3A_41 : vector<16xf32>
        %get3A_43 = arith.index_cast %scan3A_34 : i32 to index
        %get3A_44 = arith.constant 64 : index
        %get3A_45 = tpu.vector_load %arg13[%get3A_43, %get3A_44] {strides = array<i32>} : memref<80x128xf32, #tpu.memory_space<vmem>>, vector<1x16xf32>,
        %get3A_46 = vector.shape_cast %get3A_45 : vector<1x16xf32> to vector<16xf32>
        %add3A_47 = arith.addf %add3A_42, %get3A_46 : vector<16xf32>
        %get3A_48 = arith.index_cast %scan3A_34 : i32 to index
        %get3A_49 = arith.constant 64 : index
        %get3A_50 = tpu.vector_load %arg14[%get3A_48, %get3A_49] {strides = array<i32>} : memref<80x128xf32, #tpu.memory_space<vmem>>, vector<1x16xf32>,
        %get3A_51 = vector.shape_cast %get3A_50 : vector<1x16xf32> to vector<16xf32>
        %add3A_52 = arith.addf %add3A_47, %get3A_51 : vector<16xf32>
        %swap3A = arith.index_cast %scan3A_34 : i32 to index
        %swap3A_53 = arith.constant 0 : index
        %swap3A_54 = tpu.vector_load %arg12[%swap3A, %swap3A_53] {strides = array<i32>} : memref<80x128xf32, #tpu.memory_space<vmem>>, vector<1x16xf32>,
        %swap3A_55 = vector.shape_cast %swap3A_54 : vector<1x16xf32> to vector<16xf32>
        %swap3A_56 = vector.shape_cast %add3A_52 : vector<16xf32> to vector<1x16xf32>
        tpu.vector_store %arg12[%swap3A, %swap3A_53], %swap3A_56 {strides = array<i32>} : memref<80x128xf32, #tpu.memory_space<vmem>>, vector<1x16xf32>,
        %get3A_57 = arith.index_cast %scan3A_34 : i32 to index
        %get3A_58 = arith.constant 16 : index
        %get3A_59 = tpu.vector_load %arg12[%get3A_57, %get3A_58] {strides = array<i32>} : memref<80x128xf32, #tpu.memory_space<vmem>>, vector<1x16xf32>,
        %get3A_60 = vector.shape_cast %get3A_59 : vector<1x16xf32> to vector<16xf32>
        %get3A_61 = arith.index_cast %scan3A_34 : i32 to index
        %get3A_62 = arith.constant 80 : index
        %get3A_63 = tpu.vector_load %arg12[%get3A_61, %get3A_62] {strides = array<i32>} : memref<80x128xf32, #tpu.memory_space<vmem>>, vector<1x16xf32>,
        %get3A_64 = vector.shape_cast %get3A_63 : vector<1x16xf32> to vector<16xf32>
        %add3A_65 = arith.addf %get3A_60, %get3A_64 : vector<16xf32>
        %get3A_66 = arith.index_cast %scan3A_34 : i32 to index
        %get3A_67 = arith.constant 80 : index
        %get3A_68 = tpu.vector_load %arg13[%get3A_66, %get3A_67] {strides = array<i32>} : memref<80x128xf32, #tpu.memory_space<vmem>>, vector<1x16xf32>,
        %get3A_69 = vector.shape_cast %get3A_68 : vector<1x16xf32> to vector<16xf32>
        %add3A_70 = arith.addf %add3A_65, %get3A_69 : vector<16xf32>
        %get3A_71 = arith.index_cast %scan3A_34 : i32 to index
        %get3A_72 = arith.constant 80 : index
        %get3A_73 = tpu.vector_load %arg14[%get3A_71, %get3A_72] {strides = array<i32>} : memref<80x128xf32, #tpu.memory_space<vmem>>, vector<1x16xf32>,
        %get3A_74 = vector.shape_cast %get3A_73 : vector<1x16xf32> to vector<16xf32>
        %add3A_75 = arith.addf %add3A_70, %get3A_74 : vector<16xf32>
        %swap3A_76 = arith.index_cast %scan3A_34 : i32 to index
        %swap3A_77 = arith.constant 16 : index
        %swap3A_78 = tpu.vector_load %arg12[%swap3A_76, %swap3A_77] {strides = array<i32>} : memref<80x128xf32, #tpu.memory_space<vmem>>, vector<1x16xf32>,
        %swap3A_79 = vector.shape_cast %swap3A_78 : vector<1x16xf32> to vector<16xf32>
        %swap3A_80 = vector.shape_cast %add3A_75 : vector<16xf32> to vector<1x16xf32>
        tpu.vector_store %arg12[%swap3A_76, %swap3A_77], %swap3A_80 {strides = array<i32>} : memref<80x128xf32, #tpu.memory_space<vmem>>, vector<1x16xf32>,
        %get3A_81 = arith.index_cast %scan3A_34 : i32 to index
        %get3A_82 = arith.constant 32 : index
        %get3A_83 = tpu.vector_load %arg12[%get3A_81, %get3A_82] {strides = array<i32>} : memref<80x128xf32, #tpu.memory_space<vmem>>, vector<1x16xf32>,
        %get3A_84 = vector.shape_cast %get3A_83 : vector<1x16xf32> to vector<16xf32>
        %get3A_85 = arith.index_cast %scan3A_34 : i32 to index
        %get3A_86 = arith.constant 96 : index
        %get3A_87 = tpu.vector_load %arg12[%get3A_85, %get3A_86] {strides = array<i32>} : memref<80x128xf32, #tpu.memory_space<vmem>>, vector<1x16xf32>,
        %get3A_88 = vector.shape_cast %get3A_87 : vector<1x16xf32> to vector<16xf32>
        %add3A_89 = arith.addf %get3A_84, %get3A_88 : vector<16xf32>
        %get3A_90 = arith.index_cast %scan3A_34 : i32 to index
        %get3A_91 = arith.constant 96 : index
        %get3A_92 = tpu.vector_load %arg13[%get3A_90, %get3A_91] {strides = array<i32>} : memref<80x128xf32, #tpu.memory_space<vmem>>, vector<1x16xf32>,
        %get3A_93 = vector.shape_cast %get3A_92 : vector<1x16xf32> to vector<16xf32>
        %add3A_94 = arith.addf %add3A_89, %get3A_93 : vector<16xf32>
        %get3A_95 = arith.index_cast %scan3A_34 : i32 to index
        %get3A_96 = arith.constant 96 : index
        %get3A_97 = tpu.vector_load %arg14[%get3A_95, %get3A_96] {strides = array<i32>} : memref<80x128xf32, #tpu.memory_space<vmem>>, vector<1x16xf32>,
        %get3A_98 = vector.shape_cast %get3A_97 : vector<1x16xf32> to vector<16xf32>
        %add3A_99 = arith.addf %add3A_94, %get3A_98 : vector<16xf32>
        %swap3A_100 = arith.index_cast %scan3A_34 : i32 to index
        %swap3A_101 = arith.constant 32 : index
        %swap3A_102 = tpu.vector_load %arg12[%swap3A_100, %swap3A_101] {strides = array<i32>} : memref<80x128xf32, #tpu.memory_space<vmem>>, vector<1x16xf32>,
        %swap3A_103 = vector.shape_cast %swap3A_102 : vector<1x16xf32> to vector<16xf32>
        %swap3A_104 = vector.shape_cast %add3A_99 : vector<16xf32> to vector<1x16xf32>
        tpu.vector_store %arg12[%swap3A_100, %swap3A_101], %swap3A_104 {strides = array<i32>} : memref<80x128xf32, #tpu.memory_space<vmem>>, vector<1x16xf32>,
        %get3A_105 = arith.index_cast %scan3A_34 : i32 to index
        %get3A_106 = arith.constant 48 : index
        %get3A_107 = tpu.vector_load %arg12[%get3A_105, %get3A_106] {strides = array<i32>} : memref<80x128xf32, #tpu.memory_space<vmem>>, vector<1x16xf32>,
        %get3A_108 = vector.shape_cast %get3A_107 : vector<1x16xf32> to vector<16xf32>
        %get3A_109 = arith.index_cast %scan3A_34 : i32 to index
        %get3A_110 = arith.constant 112 : index
        %get3A_111 = tpu.vector_load %arg12[%get3A_109, %get3A_110] {strides = array<i32>} : memref<80x128xf32, #tpu.memory_space<vmem>>, vector<1x16xf32>,
        %get3A_112 = vector.shape_cast %get3A_111 : vector<1x16xf32> to vector<16xf32>
        %add3A_113 = arith.addf %get3A_108, %get3A_112 : vector<16xf32>
        %get3A_114 = arith.index_cast %scan3A_34 : i32 to index
        %get3A_115 = arith.constant 112 : index
        %get3A_116 = tpu.vector_load %arg13[%get3A_114, %get3A_115] {strides = array<i32>} : memref<80x128xf32, #tpu.memory_space<vmem>>, vector<1x16xf32>,
        %get3A_117 = vector.shape_cast %get3A_116 : vector<1x16xf32> to vector<16xf32>
        %add3A_118 = arith.addf %add3A_113, %get3A_117 : vector<16xf32>
        %get3A_119 = arith.index_cast %scan3A_34 : i32 to index
        %get3A_120 = arith.constant 112 : index
        %get3A_121 = tpu.vector_load %arg14[%get3A_119, %get3A_120] {strides = array<i32>} : memref<80x128xf32, #tpu.memory_space<vmem>>, vector<1x16xf32>,
        %get3A_122 = vector.shape_cast %get3A_121 : vector<1x16xf32> to vector<16xf32>
        %add3A_123 = arith.addf %add3A_118, %get3A_122 : vector<16xf32>
        %swap3A_124 = arith.index_cast %scan3A_34 : i32 to index
        %swap3A_125 = arith.constant 48 : index
        %swap3A_126 = tpu.vector_load %arg12[%swap3A_124, %swap3A_125] {strides = array<i32>} : memref<80x128xf32, #tpu.memory_space<vmem>>, vector<1x16xf32>,
        %swap3A_127 = vector.shape_cast %swap3A_126 : vector<1x16xf32> to vector<16xf32>
        %swap3A_128 = vector.shape_cast %add3A_123 : vector<16xf32> to vector<1x16xf32>
        tpu.vector_store %arg12[%swap3A_124, %swap3A_125], %swap3A_128 {strides = array<i32>} : memref<80x128xf32, #tpu.memory_space<vmem>>, vector<1x16xf32>,
      }
      %scan3A_33 = arith.constant 80 : i32
      "tpu.region"() ({
        %run_scoped3A = tpu.sem_alloc : memref<!tpu.dma_semaphore, #tpu.memory_space<semaphore_mem>>
        %dma_start3A_34 = arith.constant 0 : i32
        %dma_start3A_35 = tpu.memref_slice %arg9[%add3A_17, %dma_start3A_34] : memref<320000x128xf32, #tpu.memory_space<hbm>> -> memref<80x128xf32, #tpu.memory_space<hbm>>
        %dma_start3A_36 = arith.constant 0 : i32
        %dma_start3A_37 = tpu.memref_slice %arg9[%add3A_17, %dma_start3A_36] : memref<320000x128xf32, #tpu.memory_space<hbm>> -> memref<80x128xf32, #tpu.memory_space<hbm>>
        tpu.enqueue_dma source(%arg12 : memref<80x128xf32, #tpu.memory_space<vmem>>) target(%dma_start3A_37 : memref<80x128xf32, #tpu.memory_space<hbm>>) target_semaphore(%run_scoped3A : memref<!tpu.dma_semaphore, #tpu.memory_space<semaphore_mem>>)
        %dma_wait3A_38 = arith.constant 0 : i32
        %dma_wait3A_39 = tpu.memref_slice %arg9[%add3A_17, %dma_wait3A_38] : memref<320000x128xf32, #tpu.memory_space<hbm>> -> memref<80x128xf32, #tpu.memory_space<hbm>>
        %dma_wait3A_40 = arith.constant 0 : i32
        %dma_wait3A_41 = tpu.memref_slice %arg9[%add3A_17, %dma_wait3A_40] : memref<320000x128xf32, #tpu.memory_space<hbm>> -> memref<80x128xf32, #tpu.memory_space<hbm>>
        tpu.wait_dma2 semaphore(%run_scoped3A : memref<!tpu.dma_semaphore, #tpu.memory_space<semaphore_mem>>) src(%arg12 : memref<80x128xf32, #tpu.memory_space<vmem>>) dst(%dma_wait3A_41 : memref<80x128xf32, #tpu.memory_space<hbm>>)
        tpu.yield
      }) : () -> ()
    }
    %scan3A_7 = arith.constant 125 : i32
    %barrier3A_8 = arith.constant 0 : index
    tpu.barrier barrier_id(%barrier3A_8)
    %mul3A_9 = arith.constant 10240 : i32
    %mul3A_10 = arith.muli %arg0, %mul3A_9 : i32
    %add3A_11 = arith.addi %mul3A_10, %mul3A_2 : i32
    "tpu.region"() ({
      %run_scoped3A = tpu.sem_alloc : memref<!tpu.dma_semaphore, #tpu.memory_space<semaphore_mem>>
      %dma_start3A = arith.constant 0 : i32
      %dma_start3A_12 = tpu.memref_slice %arg8[%add3A_11, %dma_start3A] : memref<20480x128xf32, #tpu.memory_space<hbm>> -> memref<640x128xf32, #tpu.memory_space<hbm>>
      %dma_start3A_13 = arith.constant 0 : i32
      %dma_start3A_14 = tpu.memref_slice %arg15[%mul3A_2, %dma_start3A_13] : memref<10240x128xf32, #tpu.memory_space<vmem_shared>> -> memref<640x128xf32, #tpu.memory_space<vmem_shared>>
      tpu.enqueue_dma source(%dma_start3A_14 : memref<640x128xf32, #tpu.memory_space<vmem_shared>>) target(%dma_start3A_12 : memref<640x128xf32, #tpu.memory_space<hbm>>) target_semaphore(%run_scoped3A : memref<!tpu.dma_semaphore, #tpu.memory_space<semaphore_mem>>)
      %dma_wait3A = arith.constant 0 : i32
      %dma_wait3A_15 = tpu.memref_slice %arg8[%add3A_11, %dma_wait3A] : memref<20480x128xf32, #tpu.memory_space<hbm>> -> memref<640x128xf32, #tpu.memory_space<hbm>>
      %dma_wait3A_16 = arith.constant 0 : i32
      %dma_wait3A_17 = tpu.memref_slice %arg15[%mul3A_2, %dma_wait3A_16] : memref<10240x128xf32, #tpu.memory_space<vmem_shared>> -> memref<640x128xf32, #tpu.memory_space<vmem_shared>>
      tpu.wait_dma2 semaphore(%run_scoped3A : memref<!tpu.dma_semaphore, #tpu.memory_space<semaphore_mem>>) src(%dma_wait3A_17 : memref<640x128xf32, #tpu.memory_space<vmem_shared>>) dst(%dma_wait3A_15 : memref<640x128xf32, #tpu.memory_space<hbm>>)
      tpu.yield
    }) : () -> ()
    return
  }
}

#map = affine_map<(d0, d1) -> (0)>
#map1 = affine_map<(d0, d1) -> (0, 0)>
module attributes {stable_mosaic.version = 14 : i64} {
  func.func @body(%arg0: i32, %arg1: i32, %arg2: memref<320000xi32, #tpu.memory_space<hbm>>, %arg3: memref<320000xi32, #tpu.memory_space<hbm>>, %arg4: memref<320000x128xf32, #tpu.memory_space<hbm>>, %arg5: memref<10000x128xf32, #tpu.memory_space<hbm>>, %arg6: memref<10000x128xf32, #tpu.memory_space<hbm>>, %arg7: memref<640x128xf32, #tpu.memory_space<hbm>>, %arg8: memref<20480x128xf32, #tpu.memory_space<hbm>>, %arg9: memref<320000x128xf32, #tpu.memory_space<hbm>>, %arg10: memref<80xi32, #tpu.memory_space<vmem>>, %arg11: memref<80xi32, #tpu.memory_space<vmem>>, %arg12: memref<80x128xf32, #tpu.memory_space<vmem>>, %arg13: memref<80x128xf32, #tpu.memory_space<vmem>>, %arg14: memref<80x128xf32, #tpu.memory_space<vmem>>, %arg15: memref<10240x128xf32, #tpu.memory_space<vmem_shared>>, %arg16: memref<!tpu.dma_semaphore, #tpu.memory_space<semaphore_mem>>, %arg17: memref<!tpu.dma_semaphore, #tpu.memory_space<semaphore_mem>>) attributes {dimension_semantics = [#tpu.dimension_semantics<core_parallel>, #tpu.dimension_semantics<subcore_parallel>], iteration_bounds = array<i64: 2, 16>, scalar_prefetch = 0 : i64, scratch_operands = 8 : i64, tpu.core_type = #tpu.core_type<sc_vector_subcore>, window_params = [{transform_indices = #map}, {transform_indices = #map}, {transform_indices = #map1}, {transform_indices = #map1}, {transform_indices = #map1}, {transform_indices = #map1}, {transform_indices = #map1}, {transform_indices = #map1}]} {
    %mul3A = arith.constant 16 : i32
    %mul3A_0 = arith.muli %arg0, %mul3A : i32
    %add3A = arith.addi %mul3A_0, %arg1 : i32
    %mul3A_1 = arith.constant 640 : i32
    %mul3A_2 = arith.muli %arg1, %mul3A_1 : i32
    "tpu.region"() ({
      %run_scoped3A = tpu.sem_alloc : memref<!tpu.dma_semaphore, #tpu.memory_space<semaphore_mem>>
      %dma_start3A = arith.constant 0 : i32
      %dma_start3A_12 = tpu.memref_slice %arg15[%mul3A_2, %dma_start3A] : memref<10240x128xf32, #tpu.memory_space<vmem_shared>> -> memref<640x128xf32, #tpu.memory_space<vmem_shared>>
      tpu.enqueue_dma source(%arg7 : memref<640x128xf32, #tpu.memory_space<hbm>>) target(%dma_start3A_12 : memref<640x128xf32, #tpu.memory_space<vmem_shared>>) target_semaphore(%run_scoped3A : memref<!tpu.dma_semaphore, #tpu.memory_space<semaphore_mem>>)
      %dma_wait3A = arith.constant 0 : i32
      %dma_wait3A_13 = tpu.memref_slice %arg15[%mul3A_2, %dma_wait3A] : memref<10240x128xf32, #tpu.memory_space<vmem_shared>> -> memref<640x128xf32, #tpu.memory_space<vmem_shared>>
      tpu.wait_dma2 semaphore(%run_scoped3A : memref<!tpu.dma_semaphore, #tpu.memory_space<semaphore_mem>>) src(%arg7 : memref<640x128xf32, #tpu.memory_space<hbm>>) dst(%dma_wait3A_13 : memref<640x128xf32, #tpu.memory_space<vmem_shared>>)
      tpu.yield
    }) : () -> ()
    %barrier3A = arith.constant 0 : index
    tpu.barrier barrier_id(%barrier3A)
    %scan3A = arith.constant 0 : i32
    %scan3A_3 = arith.constant 0 : i32
    %scan3A_4 = arith.constant 125 : i32
    %scan3A_5 = arith.addi %scan3A_3, %scan3A_4 : i32
    %scan3A_6 = arith.constant 1 : i32
    scf.for %scan3A_12 = %scan3A_3 to %scan3A_5 step %scan3A_6  : i32 {
      %mul3A_13 = arith.constant 10000 : i32
      %mul3A_14 = arith.muli %add3A, %mul3A_13 : i32
      %mul3A_15 = arith.constant 80 : i32
      %mul3A_16 = arith.muli %scan3A_12, %mul3A_15 : i32
      %add3A_17 = arith.addi %mul3A_14, %mul3A_16 : i32
      "tpu.region"() ({
        %run_scoped3A = tpu.sem_alloc : memref<!tpu.dma_semaphore, #tpu.memory_space<semaphore_mem>>
        %dma_start3A_34 = tpu.memref_slice %arg2[%add3A_17] : memref<320000xi32, #tpu.memory_space<hbm>> -> memref<80xi32, #tpu.memory_space<hbm>>
        %dma_start3A_35 = tpu.memref_slice %arg2[%add3A_17] : memref<320000xi32, #tpu.memory_space<hbm>> -> memref<80xi32, #tpu.memory_space<hbm>>
        tpu.enqueue_dma source(%dma_start3A_35 : memref<80xi32, #tpu.memory_space<hbm>>) target(%arg10 : memref<80xi32, #tpu.memory_space<vmem>>) target_semaphore(%run_scoped3A : memref<!tpu.dma_semaphore, #tpu.memory_space<semaphore_mem>>)
        %dma_wait3A_36 = tpu.memref_slice %arg2[%add3A_17] : memref<320000xi32, #tpu.memory_space<hbm>> -> memref<80xi32, #tpu.memory_space<hbm>>
        %dma_wait3A_37 = tpu.memref_slice %arg2[%add3A_17] : memref<320000xi32, #tpu.memory_space<hbm>> -> memref<80xi32, #tpu.memory_space<hbm>>
        tpu.wait_dma2 semaphore(%run_scoped3A : memref<!tpu.dma_semaphore, #tpu.memory_space<semaphore_mem>>) src(%dma_wait3A_37 : memref<80xi32, #tpu.memory_space<hbm>>) dst(%arg10 : memref<80xi32, #tpu.memory_space<vmem>>)
        tpu.yield
      }) : () -> ()
      "tpu.region"() ({
        %run_scoped3A = tpu.sem_alloc : memref<!tpu.dma_semaphore, #tpu.memory_space<semaphore_mem>>
        %dma_start3A_34 = tpu.memref_slice %arg3[%add3A_17] : memref<320000xi32, #tpu.memory_space<hbm>> -> memref<80xi32, #tpu.memory_space<hbm>>
        %dma_start3A_35 = tpu.memref_slice %arg3[%add3A_17] : memref<320000xi32, #tpu.memory_space<hbm>> -> memref<80xi32, #tpu.memory_space<hbm>>
        tpu.enqueue_dma source(%dma_start3A_35 : memref<80xi32, #tpu.memory_space<hbm>>) target(%arg11 : memref<80xi32, #tpu.memory_space<vmem>>) target_semaphore(%run_scoped3A : memref<!tpu.dma_semaphore, #tpu.memory_space<semaphore_mem>>)
        %dma_wait3A_36 = tpu.memref_slice %arg3[%add3A_17] : memref<320000xi32, #tpu.memory_space<hbm>> -> memref<80xi32, #tpu.memory_space<hbm>>
        %dma_wait3A_37 = tpu.memref_slice %arg3[%add3A_17] : memref<320000xi32, #tpu.memory_space<hbm>> -> memref<80xi32, #tpu.memory_space<hbm>>
        tpu.wait_dma2 semaphore(%run_scoped3A : memref<!tpu.dma_semaphore, #tpu.memory_space<semaphore_mem>>) src(%dma_wait3A_37 : memref<80xi32, #tpu.memory_space<hbm>>) dst(%arg11 : memref<80xi32, #tpu.memory_space<vmem>>)
        tpu.yield
      }) : () -> ()
      "tpu.region"() ({
        %run_scoped3A = tpu.sem_alloc : memref<!tpu.dma_semaphore, #tpu.memory_space<semaphore_mem>>
        %dma_start3A_34 = arith.constant 0 : i32
        %dma_start3A_35 = tpu.memref_slice %arg4[%add3A_17, %dma_start3A_34] : memref<320000x128xf32, #tpu.memory_space<hbm>> -> memref<80x128xf32, #tpu.memory_space<hbm>>
        %dma_start3A_36 = arith.constant 0 : i32
        %dma_start3A_37 = tpu.memref_slice %arg4[%add3A_17, %dma_start3A_36] : memref<320000x128xf32, #tpu.memory_space<hbm>> -> memref<80x128xf32, #tpu.memory_space<hbm>>
        tpu.enqueue_dma source(%dma_start3A_37 : memref<80x128xf32, #tpu.memory_space<hbm>>) target(%arg12 : memref<80x128xf32, #tpu.memory_space<vmem>>) target_semaphore(%run_scoped3A : memref<!tpu.dma_semaphore, #tpu.memory_space<semaphore_mem>>)
        %dma_wait3A_38 = arith.constant 0 : i32
        %dma_wait3A_39 = tpu.memref_slice %arg4[%add3A_17, %dma_wait3A_38] : memref<320000x128xf32, #tpu.memory_space<hbm>> -> memref<80x128xf32, #tpu.memory_space<hbm>>
        %dma_wait3A_40 = arith.constant 0 : i32
        %dma_wait3A_41 = tpu.memref_slice %arg4[%add3A_17, %dma_wait3A_40] : memref<320000x128xf32, #tpu.memory_space<hbm>> -> memref<80x128xf32, #tpu.memory_space<hbm>>
        tpu.wait_dma2 semaphore(%run_scoped3A : memref<!tpu.dma_semaphore, #tpu.memory_space<semaphore_mem>>) src(%dma_wait3A_41 : memref<80x128xf32, #tpu.memory_space<hbm>>) dst(%arg12 : memref<80x128xf32, #tpu.memory_space<vmem>>)
        tpu.yield
      }) : () -> ()
      %dma_start3A = arith.constant 0 : i32
      %dma_start3A_18 = arith.constant 0 : i32
      %dma_start3A_19 = tpu.memref_slice %arg5[%dma_start3A, %dma_start3A_18] : memref<10000x128xf32, #tpu.memory_space<hbm>> -> memref<10000x128xf32, #tpu.memory_space<hbm>>
      tpu.enqueue_indirect_dma source(%dma_start3A_19 : memref<10000x128xf32, #tpu.memory_space<hbm>>) target(%arg13 : memref<80x128xf32, #tpu.memory_space<vmem>>) offsets(%arg10 : memref<80xi32, #tpu.memory_space<vmem>>) semaphore(%arg16 : memref<!tpu.dma_semaphore, #tpu.memory_space<semaphore_mem>>)
      %dma_start3A_20 = arith.constant 0 : i32
      %dma_start3A_21 = arith.constant 0 : i32
      %dma_start3A_22 = tpu.memref_slice %arg6[%dma_start3A_20, %dma_start3A_21] : memref<10000x128xf32, #tpu.memory_space<hbm>> -> memref<10000x128xf32, #tpu.memory_space<hbm>>
      tpu.enqueue_indirect_dma source(%dma_start3A_22 : memref<10000x128xf32, #tpu.memory_space<hbm>>) target(%arg14 : memref<80x128xf32, #tpu.memory_space<vmem>>) offsets(%arg11 : memref<80xi32, #tpu.memory_space<vmem>>) semaphore(%arg17 : memref<!tpu.dma_semaphore, #tpu.memory_space<semaphore_mem>>)
      "tpu.region"() ({
        %run_scoped3A = tpu.sem_alloc : memref<!tpu.dma_semaphore, #tpu.memory_space<semaphore_mem>>
        %dma_start3A_34 = arith.constant 0 : i32
        %dma_start3A_35 = arith.constant 0 : i32
        %dma_start3A_36 = tpu.memref_slice %arg15[%dma_start3A_34, %dma_start3A_35] : memref<10240x128xf32, #tpu.memory_space<vmem_shared>> -> memref<10240x128xf32, #tpu.memory_space<vmem_shared>>
        tpu.enqueue_indirect_dma source(%arg12 : memref<80x128xf32, #tpu.memory_space<vmem>>) target(%dma_start3A_36 : memref<10240x128xf32, #tpu.memory_space<vmem_shared>>) offsets(%arg11 : memref<80xi32, #tpu.memory_space<vmem>>) semaphore(%run_scoped3A : memref<!tpu.dma_semaphore, #tpu.memory_space<semaphore_mem>>) {add = true}
        %dma_wait3A_37 = arith.constant 0 : i32
        %dma_wait3A_38 = arith.constant 0 : i32
        %dma_wait3A_39 = tpu.memref_slice %arg15[%dma_wait3A_37, %dma_wait3A_38] : memref<10240x128xf32, #tpu.memory_space<vmem_shared>> -> memref<10240x128xf32, #tpu.memory_space<vmem_shared>>
        tpu.wait_indirect_dma semaphore(%run_scoped3A : memref<!tpu.dma_semaphore, #tpu.memory_space<semaphore_mem>>) src(%arg12 : memref<80x128xf32, #tpu.memory_space<vmem>>) dst(%dma_wait3A_39 : memref<10240x128xf32, #tpu.memory_space<vmem_shared>>)
        tpu.yield
      }) : () -> ()
      %dma_wait3A = arith.constant 0 : i32
      %dma_wait3A_23 = arith.constant 0 : i32
      %dma_wait3A_24 = tpu.memref_slice %arg5[%dma_wait3A, %dma_wait3A_23] : memref<10000x128xf32, #tpu.memory_space<hbm>> -> memref<10000x128xf32, #tpu.memory_space<hbm>>
      tpu.wait_indirect_dma semaphore(%arg16 : memref<!tpu.dma_semaphore, #tpu.memory_space<semaphore_mem>>) src(%dma_wait3A_24 : memref<10000x128xf32, #tpu.memory_space<hbm>>) dst(%arg13 : memref<80x128xf32, #tpu.memory_space<vmem>>)
      "tpu.region"() ({
        %run_scoped3A = tpu.sem_alloc : memref<!tpu.dma_semaphore, #tpu.memory_space<semaphore_mem>>
        %dma_start3A_34 = arith.constant 0 : i32
        %dma_start3A_35 = arith.constant 0 : i32
        %dma_start3A_36 = tpu.memref_slice %arg15[%dma_start3A_34, %dma_start3A_35] : memref<10240x128xf32, #tpu.memory_space<vmem_shared>> -> memref<10240x128xf32, #tpu.memory_space<vmem_shared>>
        tpu.enqueue_indirect_dma source(%arg13 : memref<80x128xf32, #tpu.memory_space<vmem>>) target(%dma_start3A_36 : memref<10240x128xf32, #tpu.memory_space<vmem_shared>>) offsets(%arg11 : memref<80xi32, #tpu.memory_space<vmem>>) semaphore(%run_scoped3A : memref<!tpu.dma_semaphore, #tpu.memory_space<semaphore_mem>>) {add = true}
        %dma_wait3A_37 = arith.constant 0 : i32
        %dma_wait3A_38 = arith.constant 0 : i32
        %dma_wait3A_39 = tpu.memref_slice %arg15[%dma_wait3A_37, %dma_wait3A_38] : memref<10240x128xf32, #tpu.memory_space<vmem_shared>> -> memref<10240x128xf32, #tpu.memory_space<vmem_shared>>
        tpu.wait_indirect_dma semaphore(%run_scoped3A : memref<!tpu.dma_semaphore, #tpu.memory_space<semaphore_mem>>) src(%arg13 : memref<80x128xf32, #tpu.memory_space<vmem>>) dst(%dma_wait3A_39 : memref<10240x128xf32, #tpu.memory_space<vmem_shared>>)
        tpu.yield
      }) : () -> ()
      %dma_wait3A_25 = arith.constant 0 : i32
      %dma_wait3A_26 = arith.constant 0 : i32
      %dma_wait3A_27 = tpu.memref_slice %arg6[%dma_wait3A_25, %dma_wait3A_26] : memref<10000x128xf32, #tpu.memory_space<hbm>> -> memref<10000x128xf32, #tpu.memory_space<hbm>>
      tpu.wait_indirect_dma semaphore(%arg17 : memref<!tpu.dma_semaphore, #tpu.memory_space<semaphore_mem>>) src(%dma_wait3A_27 : memref<10000x128xf32, #tpu.memory_space<hbm>>) dst(%arg14 : memref<80x128xf32, #tpu.memory_space<vmem>>)
      "tpu.region"() ({
        %run_scoped3A = tpu.sem_alloc : memref<!tpu.dma_semaphore, #tpu.memory_space<semaphore_mem>>
        %dma_start3A_34 = arith.constant 0 : i32
        %dma_start3A_35 = arith.constant 0 : i32
        %dma_start3A_36 = tpu.memref_slice %arg15[%dma_start3A_34, %dma_start3A_35] : memref<10240x128xf32, #tpu.memory_space<vmem_shared>> -> memref<10240x128xf32, #tpu.memory_space<vmem_shared>>
        tpu.enqueue_indirect_dma source(%arg14 : memref<80x128xf32, #tpu.memory_space<vmem>>) target(%dma_start3A_36 : memref<10240x128xf32, #tpu.memory_space<vmem_shared>>) offsets(%arg11 : memref<80xi32, #tpu.memory_space<vmem>>) semaphore(%run_scoped3A : memref<!tpu.dma_semaphore, #tpu.memory_space<semaphore_mem>>) {add = true}
        %dma_wait3A_37 = arith.constant 0 : i32
        %dma_wait3A_38 = arith.constant 0 : i32
        %dma_wait3A_39 = tpu.memref_slice %arg15[%dma_wait3A_37, %dma_wait3A_38] : memref<10240x128xf32, #tpu.memory_space<vmem_shared>> -> memref<10240x128xf32, #tpu.memory_space<vmem_shared>>
        tpu.wait_indirect_dma semaphore(%run_scoped3A : memref<!tpu.dma_semaphore, #tpu.memory_space<semaphore_mem>>) src(%arg14 : memref<80x128xf32, #tpu.memory_space<vmem>>) dst(%dma_wait3A_39 : memref<10240x128xf32, #tpu.memory_space<vmem_shared>>)
        tpu.yield
      }) : () -> ()
      %scan3A_28 = arith.constant 0 : i32
      %scan3A_29 = arith.constant 0 : i32
      %scan3A_30 = arith.constant 80 : i32
      %scan3A_31 = arith.addi %scan3A_29, %scan3A_30 : i32
      %scan3A_32 = arith.constant 1 : i32
      scf.for %scan3A_34 = %scan3A_29 to %scan3A_31 step %scan3A_32  : i32 {
        %get3A = arith.index_cast %scan3A_34 : i32 to index
        %get3A_35 = arith.constant 0 : index
        %get3A_36 = tpu.vector_load %arg12[%get3A, %get3A_35] {strides = array<i32>} : memref<80x128xf32, #tpu.memory_space<vmem>>, vector<1x16xf32>,
        %get3A_37 = vector.shape_cast %get3A_36 : vector<1x16xf32> to vector<16xf32>
        %get3A_38 = arith.index_cast %scan3A_34 : i32 to index
        %get3A_39 = arith.constant 64 : index
        %get3A_40 = tpu.vector_load %arg12[%get3A_38, %get3A_39] {strides = array<i32>} : memref<80x128xf32, #tpu.memory_space<vmem>>, vector<1x16xf32>,
        %get3A_41 = vector.shape_cast %get3A_40 : vector<1x16xf32> to vector<16xf32>
        %add3A_42 = arith.addf %get3A_37, %get3A_41 : vector<16xf32>
        %get3A_43 = arith.index_cast %scan3A_34 : i32 to index
        %get3A_44 = arith.constant 64 : index
        %get3A_45 = tpu.vector_load %arg13[%get3A_43, %get3A_44] {strides = array<i32>} : memref<80x128xf32, #tpu.memory_space<vmem>>, vector<1x16xf32>,
        %get3A_46 = vector.shape_cast %get3A_45 : vector<1x16xf32> to vector<16xf32>
        %add3A_47 = arith.addf %add3A_42, %get3A_46 : vector<16xf32>
        %get3A_48 = arith.index_cast %scan3A_34 : i32 to index
        %get3A_49 = arith.constant 64 : index
        %get3A_50 = tpu.vector_load %arg14[%get3A_48, %get3A_49] {strides = array<i32>} : memref<80x128xf32, #tpu.memory_space<vmem>>, vector<1x16xf32>,
        %get3A_51 = vector.shape_cast %get3A_50 : vector<1x16xf32> to vector<16xf32>
        %add3A_52 = arith.addf %add3A_47, %get3A_51 : vector<16xf32>
        %swap3A = arith.index_cast %scan3A_34 : i32 to index
        %swap3A_53 = arith.constant 0 : index
        %swap3A_54 = tpu.vector_load %arg12[%swap3A, %swap3A_53] {strides = array<i32>} : memref<80x128xf32, #tpu.memory_space<vmem>>, vector<1x16xf32>,
        %swap3A_55 = vector.shape_cast %swap3A_54 : vector<1x16xf32> to vector<16xf32>
        %swap3A_56 = vector.shape_cast %add3A_52 : vector<16xf32> to vector<1x16xf32>
        tpu.vector_store %arg12[%swap3A, %swap3A_53], %swap3A_56 {strides = array<i32>} : memref<80x128xf32, #tpu.memory_space<vmem>>, vector<1x16xf32>,
        %get3A_57 = arith.index_cast %scan3A_34 : i32 to index
        %get3A_58 = arith.constant 16 : index
        %get3A_59 = tpu.vector_load %arg12[%get3A_57, %get3A_58] {strides = array<i32>} : memref<80x128xf32, #tpu.memory_space<vmem>>, vector<1x16xf32>,
        %get3A_60 = vector.shape_cast %get3A_59 : vector<1x16xf32> to vector<16xf32>
        %get3A_61 = arith.index_cast %scan3A_34 : i32 to index
        %get3A_62 = arith.constant 80 : index
        %get3A_63 = tpu.vector_load %arg12[%get3A_61, %get3A_62] {strides = array<i32>} : memref<80x128xf32, #tpu.memory_space<vmem>>, vector<1x16xf32>,
        %get3A_64 = vector.shape_cast %get3A_63 : vector<1x16xf32> to vector<16xf32>
        %add3A_65 = arith.addf %get3A_60, %get3A_64 : vector<16xf32>
        %get3A_66 = arith.index_cast %scan3A_34 : i32 to index
        %get3A_67 = arith.constant 80 : index
        %get3A_68 = tpu.vector_load %arg13[%get3A_66, %get3A_67] {strides = array<i32>} : memref<80x128xf32, #tpu.memory_space<vmem>>, vector<1x16xf32>,
        %get3A_69 = vector.shape_cast %get3A_68 : vector<1x16xf32> to vector<16xf32>
        %add3A_70 = arith.addf %add3A_65, %get3A_69 : vector<16xf32>
        %get3A_71 = arith.index_cast %scan3A_34 : i32 to index
        %get3A_72 = arith.constant 80 : index
        %get3A_73 = tpu.vector_load %arg14[%get3A_71, %get3A_72] {strides = array<i32>} : memref<80x128xf32, #tpu.memory_space<vmem>>, vector<1x16xf32>,
        %get3A_74 = vector.shape_cast %get3A_73 : vector<1x16xf32> to vector<16xf32>
        %add3A_75 = arith.addf %add3A_70, %get3A_74 : vector<16xf32>
        %swap3A_76 = arith.index_cast %scan3A_34 : i32 to index
        %swap3A_77 = arith.constant 16 : index
        %swap3A_78 = tpu.vector_load %arg12[%swap3A_76, %swap3A_77] {strides = array<i32>} : memref<80x128xf32, #tpu.memory_space<vmem>>, vector<1x16xf32>,
        %swap3A_79 = vector.shape_cast %swap3A_78 : vector<1x16xf32> to vector<16xf32>
        %swap3A_80 = vector.shape_cast %add3A_75 : vector<16xf32> to vector<1x16xf32>
        tpu.vector_store %arg12[%swap3A_76, %swap3A_77], %swap3A_80 {strides = array<i32>} : memref<80x128xf32, #tpu.memory_space<vmem>>, vector<1x16xf32>,
        %get3A_81 = arith.index_cast %scan3A_34 : i32 to index
        %get3A_82 = arith.constant 32 : index
        %get3A_83 = tpu.vector_load %arg12[%get3A_81, %get3A_82] {strides = array<i32>} : memref<80x128xf32, #tpu.memory_space<vmem>>, vector<1x16xf32>,
        %get3A_84 = vector.shape_cast %get3A_83 : vector<1x16xf32> to vector<16xf32>
        %get3A_85 = arith.index_cast %scan3A_34 : i32 to index
        %get3A_86 = arith.constant 96 : index
        %get3A_87 = tpu.vector_load %arg12[%get3A_85, %get3A_86] {strides = array<i32>} : memref<80x128xf32, #tpu.memory_space<vmem>>, vector<1x16xf32>,
        %get3A_88 = vector.shape_cast %get3A_87 : vector<1x16xf32> to vector<16xf32>
        %add3A_89 = arith.addf %get3A_84, %get3A_88 : vector<16xf32>
        %get3A_90 = arith.index_cast %scan3A_34 : i32 to index
        %get3A_91 = arith.constant 96 : index
        %get3A_92 = tpu.vector_load %arg13[%get3A_90, %get3A_91] {strides = array<i32>} : memref<80x128xf32, #tpu.memory_space<vmem>>, vector<1x16xf32>,
        %get3A_93 = vector.shape_cast %get3A_92 : vector<1x16xf32> to vector<16xf32>
        %add3A_94 = arith.addf %add3A_89, %get3A_93 : vector<16xf32>
        %get3A_95 = arith.index_cast %scan3A_34 : i32 to index
        %get3A_96 = arith.constant 96 : index
        %get3A_97 = tpu.vector_load %arg14[%get3A_95, %get3A_96] {strides = array<i32>} : memref<80x128xf32, #tpu.memory_space<vmem>>, vector<1x16xf32>,
        %get3A_98 = vector.shape_cast %get3A_97 : vector<1x16xf32> to vector<16xf32>
        %add3A_99 = arith.addf %add3A_94, %get3A_98 : vector<16xf32>
        %swap3A_100 = arith.index_cast %scan3A_34 : i32 to index
        %swap3A_101 = arith.constant 32 : index
        %swap3A_102 = tpu.vector_load %arg12[%swap3A_100, %swap3A_101] {strides = array<i32>} : memref<80x128xf32, #tpu.memory_space<vmem>>, vector<1x16xf32>,
        %swap3A_103 = vector.shape_cast %swap3A_102 : vector<1x16xf32> to vector<16xf32>
        %swap3A_104 = vector.shape_cast %add3A_99 : vector<16xf32> to vector<1x16xf32>
        tpu.vector_store %arg12[%swap3A_100, %swap3A_101], %swap3A_104 {strides = array<i32>} : memref<80x128xf32, #tpu.memory_space<vmem>>, vector<1x16xf32>,
        %get3A_105 = arith.index_cast %scan3A_34 : i32 to index
        %get3A_106 = arith.constant 48 : index
        %get3A_107 = tpu.vector_load %arg12[%get3A_105, %get3A_106] {strides = array<i32>} : memref<80x128xf32, #tpu.memory_space<vmem>>, vector<1x16xf32>,
        %get3A_108 = vector.shape_cast %get3A_107 : vector<1x16xf32> to vector<16xf32>
        %get3A_109 = arith.index_cast %scan3A_34 : i32 to index
        %get3A_110 = arith.constant 112 : index
        %get3A_111 = tpu.vector_load %arg12[%get3A_109, %get3A_110] {strides = array<i32>} : memref<80x128xf32, #tpu.memory_space<vmem>>, vector<1x16xf32>,
        %get3A_112 = vector.shape_cast %get3A_111 : vector<1x16xf32> to vector<16xf32>
        %add3A_113 = arith.addf %get3A_108, %get3A_112 : vector<16xf32>
        %get3A_114 = arith.index_cast %scan3A_34 : i32 to index
        %get3A_115 = arith.constant 112 : index
        %get3A_116 = tpu.vector_load %arg13[%get3A_114, %get3A_115] {strides = array<i32>} : memref<80x128xf32, #tpu.memory_space<vmem>>, vector<1x16xf32>,
        %get3A_117 = vector.shape_cast %get3A_116 : vector<1x16xf32> to vector<16xf32>
        %add3A_118 = arith.addf %add3A_113, %get3A_117 : vector<16xf32>
        %get3A_119 = arith.index_cast %scan3A_34 : i32 to index
        %get3A_120 = arith.constant 112 : index
        %get3A_121 = tpu.vector_load %arg14[%get3A_119, %get3A_120] {strides = array<i32>} : memref<80x128xf32, #tpu.memory_space<vmem>>, vector<1x16xf32>,
        %get3A_122 = vector.shape_cast %get3A_121 : vector<1x16xf32> to vector<16xf32>
        %add3A_123 = arith.addf %add3A_118, %get3A_122 : vector<16xf32>
        %swap3A_124 = arith.index_cast %scan3A_34 : i32 to index
        %swap3A_125 = arith.constant 48 : index
        %swap3A_126 = tpu.vector_load %arg12[%swap3A_124, %swap3A_125] {strides = array<i32>} : memref<80x128xf32, #tpu.memory_space<vmem>>, vector<1x16xf32>,
        %swap3A_127 = vector.shape_cast %swap3A_126 : vector<1x16xf32> to vector<16xf32>
        %swap3A_128 = vector.shape_cast %add3A_123 : vector<16xf32> to vector<1x16xf32>
        tpu.vector_store %arg12[%swap3A_124, %swap3A_125], %swap3A_128 {strides = array<i32>} : memref<80x128xf32, #tpu.memory_space<vmem>>, vector<1x16xf32>,
      }
      %scan3A_33 = arith.constant 80 : i32
      "tpu.region"() ({
        %run_scoped3A = tpu.sem_alloc : memref<!tpu.dma_semaphore, #tpu.memory_space<semaphore_mem>>
        %dma_start3A_34 = arith.constant 0 : i32
        %dma_start3A_35 = tpu.memref_slice %arg9[%add3A_17, %dma_start3A_34] : memref<320000x128xf32, #tpu.memory_space<hbm>> -> memref<80x128xf32, #tpu.memory_space<hbm>>
        %dma_start3A_36 = arith.constant 0 : i32
        %dma_start3A_37 = tpu.memref_slice %arg9[%add3A_17, %dma_start3A_36] : memref<320000x128xf32, #tpu.memory_space<hbm>> -> memref<80x128xf32, #tpu.memory_space<hbm>>
        tpu.enqueue_dma source(%arg12 : memref<80x128xf32, #tpu.memory_space<vmem>>) target(%dma_start3A_37 : memref<80x128xf32, #tpu.memory_space<hbm>>) target_semaphore(%run_scoped3A : memref<!tpu.dma_semaphore, #tpu.memory_space<semaphore_mem>>)
        %dma_wait3A_38 = arith.constant 0 : i32
        %dma_wait3A_39 = tpu.memref_slice %arg9[%add3A_17, %dma_wait3A_38] : memref<320000x128xf32, #tpu.memory_space<hbm>> -> memref<80x128xf32, #tpu.memory_space<hbm>>
        %dma_wait3A_40 = arith.constant 0 : i32
        %dma_wait3A_41 = tpu.memref_slice %arg9[%add3A_17, %dma_wait3A_40] : memref<320000x128xf32, #tpu.memory_space<hbm>> -> memref<80x128xf32, #tpu.memory_space<hbm>>
        tpu.wait_dma2 semaphore(%run_scoped3A : memref<!tpu.dma_semaphore, #tpu.memory_space<semaphore_mem>>) src(%arg12 : memref<80x128xf32, #tpu.memory_space<vmem>>) dst(%dma_wait3A_41 : memref<80x128xf32, #tpu.memory_space<hbm>>)
        tpu.yield
      }) : () -> ()
    }
    %scan3A_7 = arith.constant 125 : i32
    %barrier3A_8 = arith.constant 0 : index
    tpu.barrier barrier_id(%barrier3A_8)
    %mul3A_9 = arith.constant 10240 : i32
    %mul3A_10 = arith.muli %arg0, %mul3A_9 : i32
    %add3A_11 = arith.addi %mul3A_10, %mul3A_2 : i32
    "tpu.region"() ({
      %run_scoped3A = tpu.sem_alloc : memref<!tpu.dma_semaphore, #tpu.memory_space<semaphore_mem>>
      %dma_start3A = arith.constant 0 : i32
      %dma_start3A_12 = tpu.memref_slice %arg8[%add3A_11, %dma_start3A] : memref<20480x128xf32, #tpu.memory_space<hbm>> -> memref<640x128xf32, #tpu.memory_space<hbm>>
      %dma_start3A_13 = arith.constant 0 : i32
      %dma_start3A_14 = tpu.memref_slice %arg15[%mul3A_2, %dma_start3A_13] : memref<10240x128xf32, #tpu.memory_space<vmem_shared>> -> memref<640x128xf32, #tpu.memory_space<vmem_shared>>
      tpu.enqueue_dma source(%dma_start3A_14 : memref<640x128xf32, #tpu.memory_space<vmem_shared>>) target(%dma_start3A_12 : memref<640x128xf32, #tpu.memory_space<hbm>>) target_semaphore(%run_scoped3A : memref<!tpu.dma_semaphore, #tpu.memory_space<semaphore_mem>>)
      %dma_wait3A = arith.constant 0 : i32
      %dma_wait3A_15 = tpu.memref_slice %arg8[%add3A_11, %dma_wait3A] : memref<20480x128xf32, #tpu.memory_space<hbm>> -> memref<640x128xf32, #tpu.memory_space<hbm>>
      %dma_wait3A_16 = arith.constant 0 : i32
      %dma_wait3A_17 = tpu.memref_slice %arg15[%mul3A_2, %dma_wait3A_16] : memref<10240x128xf32, #tpu.memory_space<vmem_shared>> -> memref<640x128xf32, #tpu.memory_space<vmem_shared>>
      tpu.wait_dma2 semaphore(%run_scoped3A : memref<!tpu.dma_semaphore, #tpu.memory_space<semaphore_mem>>) src(%dma_wait3A_17 : memref<640x128xf32, #tpu.memory_space<vmem_shared>>) dst(%dma_wait3A_15 : memref<640x128xf32, #tpu.memory_space<hbm>>)
      tpu.yield
    }) : () -> ()
    return
  }
}

#map = affine_map<(d0, d1) -> (0)>
#map1 = affine_map<(d0, d1) -> (0, 0)>
module attributes {stable_mosaic.version = 14 : i64} {
  func.func @body(%arg0: i32, %arg1: i32, %arg2: memref<320000xi32, #tpu.memory_space<hbm>>, %arg3: memref<320000xi32, #tpu.memory_space<hbm>>, %arg4: memref<320000x128xf32, #tpu.memory_space<hbm>>, %arg5: memref<10000x128xf32, #tpu.memory_space<hbm>>, %arg6: memref<10000x128xf32, #tpu.memory_space<hbm>>, %arg7: memref<640x128xf32, #tpu.memory_space<hbm>>, %arg8: memref<20480x128xf32, #tpu.memory_space<hbm>>, %arg9: memref<320000x128xf32, #tpu.memory_space<hbm>>, %arg10: memref<80xi32, #tpu.memory_space<vmem>>, %arg11: memref<80xi32, #tpu.memory_space<vmem>>, %arg12: memref<80x128xf32, #tpu.memory_space<vmem>>, %arg13: memref<80x128xf32, #tpu.memory_space<vmem>>, %arg14: memref<80x128xf32, #tpu.memory_space<vmem>>, %arg15: memref<10240x128xf32, #tpu.memory_space<vmem_shared>>, %arg16: memref<!tpu.dma_semaphore, #tpu.memory_space<semaphore_mem>>, %arg17: memref<!tpu.dma_semaphore, #tpu.memory_space<semaphore_mem>>) attributes {dimension_semantics = [#tpu.dimension_semantics<core_parallel>, #tpu.dimension_semantics<subcore_parallel>], iteration_bounds = array<i64: 2, 16>, scalar_prefetch = 0 : i64, scratch_operands = 8 : i64, tpu.core_type = #tpu.core_type<sc_vector_subcore>, window_params = [{transform_indices = #map}, {transform_indices = #map}, {transform_indices = #map1}, {transform_indices = #map1}, {transform_indices = #map1}, {transform_indices = #map1}, {transform_indices = #map1}, {transform_indices = #map1}]} {
    %mul3A = arith.constant 16 : i32
    %mul3A_0 = arith.muli %arg0, %mul3A : i32
    %add3A = arith.addi %mul3A_0, %arg1 : i32
    %mul3A_1 = arith.constant 640 : i32
    %mul3A_2 = arith.muli %arg1, %mul3A_1 : i32
    "tpu.region"() ({
      %run_scoped3A = tpu.sem_alloc : memref<!tpu.dma_semaphore, #tpu.memory_space<semaphore_mem>>
      %dma_start3A = arith.constant 0 : i32
      %dma_start3A_12 = tpu.memref_slice %arg15[%mul3A_2, %dma_start3A] : memref<10240x128xf32, #tpu.memory_space<vmem_shared>> -> memref<640x128xf32, #tpu.memory_space<vmem_shared>>
      tpu.enqueue_dma source(%arg7 : memref<640x128xf32, #tpu.memory_space<hbm>>) target(%dma_start3A_12 : memref<640x128xf32, #tpu.memory_space<vmem_shared>>) target_semaphore(%run_scoped3A : memref<!tpu.dma_semaphore, #tpu.memory_space<semaphore_mem>>)
      %dma_wait3A = arith.constant 0 : i32
      %dma_wait3A_13 = tpu.memref_slice %arg15[%mul3A_2, %dma_wait3A] : memref<10240x128xf32, #tpu.memory_space<vmem_shared>> -> memref<640x128xf32, #tpu.memory_space<vmem_shared>>
      tpu.wait_dma2 semaphore(%run_scoped3A : memref<!tpu.dma_semaphore, #tpu.memory_space<semaphore_mem>>) src(%arg7 : memref<640x128xf32, #tpu.memory_space<hbm>>) dst(%dma_wait3A_13 : memref<640x128xf32, #tpu.memory_space<vmem_shared>>)
      tpu.yield
    }) : () -> ()
    %barrier3A = arith.constant 0 : index
    tpu.barrier barrier_id(%barrier3A)
    %scan3A = arith.constant 0 : i32
    %scan3A_3 = arith.constant 0 : i32
    %scan3A_4 = arith.constant 125 : i32
    %scan3A_5 = arith.addi %scan3A_3, %scan3A_4 : i32
    %scan3A_6 = arith.constant 1 : i32
    scf.for %scan3A_12 = %scan3A_3 to %scan3A_5 step %scan3A_6  : i32 {
      %mul3A_13 = arith.constant 10000 : i32
      %mul3A_14 = arith.muli %add3A, %mul3A_13 : i32
      %mul3A_15 = arith.constant 80 : i32
      %mul3A_16 = arith.muli %scan3A_12, %mul3A_15 : i32
      %add3A_17 = arith.addi %mul3A_14, %mul3A_16 : i32
      "tpu.region"() ({
        %run_scoped3A = tpu.sem_alloc : memref<!tpu.dma_semaphore, #tpu.memory_space<semaphore_mem>>
        %dma_start3A_34 = tpu.memref_slice %arg2[%add3A_17] : memref<320000xi32, #tpu.memory_space<hbm>> -> memref<80xi32, #tpu.memory_space<hbm>>
        %dma_start3A_35 = tpu.memref_slice %arg2[%add3A_17] : memref<320000xi32, #tpu.memory_space<hbm>> -> memref<80xi32, #tpu.memory_space<hbm>>
        tpu.enqueue_dma source(%dma_start3A_35 : memref<80xi32, #tpu.memory_space<hbm>>) target(%arg10 : memref<80xi32, #tpu.memory_space<vmem>>) target_semaphore(%run_scoped3A : memref<!tpu.dma_semaphore, #tpu.memory_space<semaphore_mem>>)
        %dma_wait3A_36 = tpu.memref_slice %arg2[%add3A_17] : memref<320000xi32, #tpu.memory_space<hbm>> -> memref<80xi32, #tpu.memory_space<hbm>>
        %dma_wait3A_37 = tpu.memref_slice %arg2[%add3A_17] : memref<320000xi32, #tpu.memory_space<hbm>> -> memref<80xi32, #tpu.memory_space<hbm>>
        tpu.wait_dma2 semaphore(%run_scoped3A : memref<!tpu.dma_semaphore, #tpu.memory_space<semaphore_mem>>) src(%dma_wait3A_37 : memref<80xi32, #tpu.memory_space<hbm>>) dst(%arg10 : memref<80xi32, #tpu.memory_space<vmem>>)
        tpu.yield
      }) : () -> ()
      "tpu.region"() ({
        %run_scoped3A = tpu.sem_alloc : memref<!tpu.dma_semaphore, #tpu.memory_space<semaphore_mem>>
        %dma_start3A_34 = tpu.memref_slice %arg3[%add3A_17] : memref<320000xi32, #tpu.memory_space<hbm>> -> memref<80xi32, #tpu.memory_space<hbm>>
        %dma_start3A_35 = tpu.memref_slice %arg3[%add3A_17] : memref<320000xi32, #tpu.memory_space<hbm>> -> memref<80xi32, #tpu.memory_space<hbm>>
        tpu.enqueue_dma source(%dma_start3A_35 : memref<80xi32, #tpu.memory_space<hbm>>) target(%arg11 : memref<80xi32, #tpu.memory_space<vmem>>) target_semaphore(%run_scoped3A : memref<!tpu.dma_semaphore, #tpu.memory_space<semaphore_mem>>)
        %dma_wait3A_36 = tpu.memref_slice %arg3[%add3A_17] : memref<320000xi32, #tpu.memory_space<hbm>> -> memref<80xi32, #tpu.memory_space<hbm>>
        %dma_wait3A_37 = tpu.memref_slice %arg3[%add3A_17] : memref<320000xi32, #tpu.memory_space<hbm>> -> memref<80xi32, #tpu.memory_space<hbm>>
        tpu.wait_dma2 semaphore(%run_scoped3A : memref<!tpu.dma_semaphore, #tpu.memory_space<semaphore_mem>>) src(%dma_wait3A_37 : memref<80xi32, #tpu.memory_space<hbm>>) dst(%arg11 : memref<80xi32, #tpu.memory_space<vmem>>)
        tpu.yield
      }) : () -> ()
      "tpu.region"() ({
        %run_scoped3A = tpu.sem_alloc : memref<!tpu.dma_semaphore, #tpu.memory_space<semaphore_mem>>
        %dma_start3A_34 = arith.constant 0 : i32
        %dma_start3A_35 = tpu.memref_slice %arg4[%add3A_17, %dma_start3A_34] : memref<320000x128xf32, #tpu.memory_space<hbm>> -> memref<80x128xf32, #tpu.memory_space<hbm>>
        %dma_start3A_36 = arith.constant 0 : i32
        %dma_start3A_37 = tpu.memref_slice %arg4[%add3A_17, %dma_start3A_36] : memref<320000x128xf32, #tpu.memory_space<hbm>> -> memref<80x128xf32, #tpu.memory_space<hbm>>
        tpu.enqueue_dma source(%dma_start3A_37 : memref<80x128xf32, #tpu.memory_space<hbm>>) target(%arg12 : memref<80x128xf32, #tpu.memory_space<vmem>>) target_semaphore(%run_scoped3A : memref<!tpu.dma_semaphore, #tpu.memory_space<semaphore_mem>>)
        %dma_wait3A_38 = arith.constant 0 : i32
        %dma_wait3A_39 = tpu.memref_slice %arg4[%add3A_17, %dma_wait3A_38] : memref<320000x128xf32, #tpu.memory_space<hbm>> -> memref<80x128xf32, #tpu.memory_space<hbm>>
        %dma_wait3A_40 = arith.constant 0 : i32
        %dma_wait3A_41 = tpu.memref_slice %arg4[%add3A_17, %dma_wait3A_40] : memref<320000x128xf32, #tpu.memory_space<hbm>> -> memref<80x128xf32, #tpu.memory_space<hbm>>
        tpu.wait_dma2 semaphore(%run_scoped3A : memref<!tpu.dma_semaphore, #tpu.memory_space<semaphore_mem>>) src(%dma_wait3A_41 : memref<80x128xf32, #tpu.memory_space<hbm>>) dst(%arg12 : memref<80x128xf32, #tpu.memory_space<vmem>>)
        tpu.yield
      }) : () -> ()
      %dma_start3A = arith.constant 0 : i32
      %dma_start3A_18 = arith.constant 0 : i32
      %dma_start3A_19 = tpu.memref_slice %arg5[%dma_start3A, %dma_start3A_18] : memref<10000x128xf32, #tpu.memory_space<hbm>> -> memref<10000x128xf32, #tpu.memory_space<hbm>>
      tpu.enqueue_indirect_dma source(%dma_start3A_19 : memref<10000x128xf32, #tpu.memory_space<hbm>>) target(%arg13 : memref<80x128xf32, #tpu.memory_space<vmem>>) offsets(%arg10 : memref<80xi32, #tpu.memory_space<vmem>>) semaphore(%arg16 : memref<!tpu.dma_semaphore, #tpu.memory_space<semaphore_mem>>)
      %dma_start3A_20 = arith.constant 0 : i32
      %dma_start3A_21 = arith.constant 0 : i32
      %dma_start3A_22 = tpu.memref_slice %arg6[%dma_start3A_20, %dma_start3A_21] : memref<10000x128xf32, #tpu.memory_space<hbm>> -> memref<10000x128xf32, #tpu.memory_space<hbm>>
      tpu.enqueue_indirect_dma source(%dma_start3A_22 : memref<10000x128xf32, #tpu.memory_space<hbm>>) target(%arg14 : memref<80x128xf32, #tpu.memory_space<vmem>>) offsets(%arg11 : memref<80xi32, #tpu.memory_space<vmem>>) semaphore(%arg17 : memref<!tpu.dma_semaphore, #tpu.memory_space<semaphore_mem>>)
      "tpu.region"() ({
        %run_scoped3A = tpu.sem_alloc : memref<!tpu.dma_semaphore, #tpu.memory_space<semaphore_mem>>
        %dma_start3A_34 = arith.constant 0 : i32
        %dma_start3A_35 = arith.constant 0 : i32
        %dma_start3A_36 = tpu.memref_slice %arg15[%dma_start3A_34, %dma_start3A_35] : memref<10240x128xf32, #tpu.memory_space<vmem_shared>> -> memref<10240x128xf32, #tpu.memory_space<vmem_shared>>
        tpu.enqueue_indirect_dma source(%arg12 : memref<80x128xf32, #tpu.memory_space<vmem>>) target(%dma_start3A_36 : memref<10240x128xf32, #tpu.memory_space<vmem_shared>>) offsets(%arg11 : memref<80xi32, #tpu.memory_space<vmem>>) semaphore(%run_scoped3A : memref<!tpu.dma_semaphore, #tpu.memory_space<semaphore_mem>>) {add = true}
        %dma_wait3A_37 = arith.constant 0 : i32
        %dma_wait3A_38 = arith.constant 0 : i32
        %dma_wait3A_39 = tpu.memref_slice %arg15[%dma_wait3A_37, %dma_wait3A_38] : memref<10240x128xf32, #tpu.memory_space<vmem_shared>> -> memref<10240x128xf32, #tpu.memory_space<vmem_shared>>
        tpu.wait_indirect_dma semaphore(%run_scoped3A : memref<!tpu.dma_semaphore, #tpu.memory_space<semaphore_mem>>) src(%arg12 : memref<80x128xf32, #tpu.memory_space<vmem>>) dst(%dma_wait3A_39 : memref<10240x128xf32, #tpu.memory_space<vmem_shared>>)
        tpu.yield
      }) : () -> ()
      %dma_wait3A = arith.constant 0 : i32
      %dma_wait3A_23 = arith.constant 0 : i32
      %dma_wait3A_24 = tpu.memref_slice %arg5[%dma_wait3A, %dma_wait3A_23] : memref<10000x128xf32, #tpu.memory_space<hbm>> -> memref<10000x128xf32, #tpu.memory_space<hbm>>
      tpu.wait_indirect_dma semaphore(%arg16 : memref<!tpu.dma_semaphore, #tpu.memory_space<semaphore_mem>>) src(%dma_wait3A_24 : memref<10000x128xf32, #tpu.memory_space<hbm>>) dst(%arg13 : memref<80x128xf32, #tpu.memory_space<vmem>>)
      "tpu.region"() ({
        %run_scoped3A = tpu.sem_alloc : memref<!tpu.dma_semaphore, #tpu.memory_space<semaphore_mem>>
        %dma_start3A_34 = arith.constant 0 : i32
        %dma_start3A_35 = arith.constant 0 : i32
        %dma_start3A_36 = tpu.memref_slice %arg15[%dma_start3A_34, %dma_start3A_35] : memref<10240x128xf32, #tpu.memory_space<vmem_shared>> -> memref<10240x128xf32, #tpu.memory_space<vmem_shared>>
        tpu.enqueue_indirect_dma source(%arg13 : memref<80x128xf32, #tpu.memory_space<vmem>>) target(%dma_start3A_36 : memref<10240x128xf32, #tpu.memory_space<vmem_shared>>) offsets(%arg11 : memref<80xi32, #tpu.memory_space<vmem>>) semaphore(%run_scoped3A : memref<!tpu.dma_semaphore, #tpu.memory_space<semaphore_mem>>) {add = true}
        %dma_wait3A_37 = arith.constant 0 : i32
        %dma_wait3A_38 = arith.constant 0 : i32
        %dma_wait3A_39 = tpu.memref_slice %arg15[%dma_wait3A_37, %dma_wait3A_38] : memref<10240x128xf32, #tpu.memory_space<vmem_shared>> -> memref<10240x128xf32, #tpu.memory_space<vmem_shared>>
        tpu.wait_indirect_dma semaphore(%run_scoped3A : memref<!tpu.dma_semaphore, #tpu.memory_space<semaphore_mem>>) src(%arg13 : memref<80x128xf32, #tpu.memory_space<vmem>>) dst(%dma_wait3A_39 : memref<10240x128xf32, #tpu.memory_space<vmem_shared>>)
        tpu.yield
      }) : () -> ()
      %dma_wait3A_25 = arith.constant 0 : i32
      %dma_wait3A_26 = arith.constant 0 : i32
      %dma_wait3A_27 = tpu.memref_slice %arg6[%dma_wait3A_25, %dma_wait3A_26] : memref<10000x128xf32, #tpu.memory_space<hbm>> -> memref<10000x128xf32, #tpu.memory_space<hbm>>
      tpu.wait_indirect_dma semaphore(%arg17 : memref<!tpu.dma_semaphore, #tpu.memory_space<semaphore_mem>>) src(%dma_wait3A_27 : memref<10000x128xf32, #tpu.memory_space<hbm>>) dst(%arg14 : memref<80x128xf32, #tpu.memory_space<vmem>>)
      "tpu.region"() ({
        %run_scoped3A = tpu.sem_alloc : memref<!tpu.dma_semaphore, #tpu.memory_space<semaphore_mem>>
        %dma_start3A_34 = arith.constant 0 : i32
        %dma_start3A_35 = arith.constant 0 : i32
        %dma_start3A_36 = tpu.memref_slice %arg15[%dma_start3A_34, %dma_start3A_35] : memref<10240x128xf32, #tpu.memory_space<vmem_shared>> -> memref<10240x128xf32, #tpu.memory_space<vmem_shared>>
        tpu.enqueue_indirect_dma source(%arg14 : memref<80x128xf32, #tpu.memory_space<vmem>>) target(%dma_start3A_36 : memref<10240x128xf32, #tpu.memory_space<vmem_shared>>) offsets(%arg11 : memref<80xi32, #tpu.memory_space<vmem>>) semaphore(%run_scoped3A : memref<!tpu.dma_semaphore, #tpu.memory_space<semaphore_mem>>) {add = true}
        %dma_wait3A_37 = arith.constant 0 : i32
        %dma_wait3A_38 = arith.constant 0 : i32
        %dma_wait3A_39 = tpu.memref_slice %arg15[%dma_wait3A_37, %dma_wait3A_38] : memref<10240x128xf32, #tpu.memory_space<vmem_shared>> -> memref<10240x128xf32, #tpu.memory_space<vmem_shared>>
        tpu.wait_indirect_dma semaphore(%run_scoped3A : memref<!tpu.dma_semaphore, #tpu.memory_space<semaphore_mem>>) src(%arg14 : memref<80x128xf32, #tpu.memory_space<vmem>>) dst(%dma_wait3A_39 : memref<10240x128xf32, #tpu.memory_space<vmem_shared>>)
        tpu.yield
      }) : () -> ()
      %scan3A_28 = arith.constant 0 : i32
      %scan3A_29 = arith.constant 0 : i32
      %scan3A_30 = arith.constant 80 : i32
      %scan3A_31 = arith.addi %scan3A_29, %scan3A_30 : i32
      %scan3A_32 = arith.constant 1 : i32
      scf.for %scan3A_34 = %scan3A_29 to %scan3A_31 step %scan3A_32  : i32 {
        %get3A = arith.index_cast %scan3A_34 : i32 to index
        %get3A_35 = arith.constant 0 : index
        %get3A_36 = tpu.vector_load %arg12[%get3A, %get3A_35] {strides = array<i32>} : memref<80x128xf32, #tpu.memory_space<vmem>>, vector<1x16xf32>,
        %get3A_37 = vector.shape_cast %get3A_36 : vector<1x16xf32> to vector<16xf32>
        %get3A_38 = arith.index_cast %scan3A_34 : i32 to index
        %get3A_39 = arith.constant 64 : index
        %get3A_40 = tpu.vector_load %arg12[%get3A_38, %get3A_39] {strides = array<i32>} : memref<80x128xf32, #tpu.memory_space<vmem>>, vector<1x16xf32>,
        %get3A_41 = vector.shape_cast %get3A_40 : vector<1x16xf32> to vector<16xf32>
        %add3A_42 = arith.addf %get3A_37, %get3A_41 : vector<16xf32>
        %get3A_43 = arith.index_cast %scan3A_34 : i32 to index
        %get3A_44 = arith.constant 64 : index
        %get3A_45 = tpu.vector_load %arg13[%get3A_43, %get3A_44] {strides = array<i32>} : memref<80x128xf32, #tpu.memory_space<vmem>>, vector<1x16xf32>,
        %get3A_46 = vector.shape_cast %get3A_45 : vector<1x16xf32> to vector<16xf32>
        %add3A_47 = arith.addf %add3A_42, %get3A_46 : vector<16xf32>
        %get3A_48 = arith.index_cast %scan3A_34 : i32 to index
        %get3A_49 = arith.constant 64 : index
        %get3A_50 = tpu.vector_load %arg14[%get3A_48, %get3A_49] {strides = array<i32>} : memref<80x128xf32, #tpu.memory_space<vmem>>, vector<1x16xf32>,
        %get3A_51 = vector.shape_cast %get3A_50 : vector<1x16xf32> to vector<16xf32>
        %add3A_52 = arith.addf %add3A_47, %get3A_51 : vector<16xf32>
        %swap3A = arith.index_cast %scan3A_34 : i32 to index
        %swap3A_53 = arith.constant 0 : index
        %swap3A_54 = tpu.vector_load %arg12[%swap3A, %swap3A_53] {strides = array<i32>} : memref<80x128xf32, #tpu.memory_space<vmem>>, vector<1x16xf32>,
        %swap3A_55 = vector.shape_cast %swap3A_54 : vector<1x16xf32> to vector<16xf32>
        %swap3A_56 = vector.shape_cast %add3A_52 : vector<16xf32> to vector<1x16xf32>
        tpu.vector_store %arg12[%swap3A, %swap3A_53], %swap3A_56 {strides = array<i32>} : memref<80x128xf32, #tpu.memory_space<vmem>>, vector<1x16xf32>,
        %get3A_57 = arith.index_cast %scan3A_34 : i32 to index
        %get3A_58 = arith.constant 16 : index
        %get3A_59 = tpu.vector_load %arg12[%get3A_57, %get3A_58] {strides = array<i32>} : memref<80x128xf32, #tpu.memory_space<vmem>>, vector<1x16xf32>,
        %get3A_60 = vector.shape_cast %get3A_59 : vector<1x16xf32> to vector<16xf32>
        %get3A_61 = arith.index_cast %scan3A_34 : i32 to index
        %get3A_62 = arith.constant 80 : index
        %get3A_63 = tpu.vector_load %arg12[%get3A_61, %get3A_62] {strides = array<i32>} : memref<80x128xf32, #tpu.memory_space<vmem>>, vector<1x16xf32>,
        %get3A_64 = vector.shape_cast %get3A_63 : vector<1x16xf32> to vector<16xf32>
        %add3A_65 = arith.addf %get3A_60, %get3A_64 : vector<16xf32>
        %get3A_66 = arith.index_cast %scan3A_34 : i32 to index
        %get3A_67 = arith.constant 80 : index
        %get3A_68 = tpu.vector_load %arg13[%get3A_66, %get3A_67] {strides = array<i32>} : memref<80x128xf32, #tpu.memory_space<vmem>>, vector<1x16xf32>,
        %get3A_69 = vector.shape_cast %get3A_68 : vector<1x16xf32> to vector<16xf32>
        %add3A_70 = arith.addf %add3A_65, %get3A_69 : vector<16xf32>
        %get3A_71 = arith.index_cast %scan3A_34 : i32 to index
        %get3A_72 = arith.constant 80 : index
        %get3A_73 = tpu.vector_load %arg14[%get3A_71, %get3A_72] {strides = array<i32>} : memref<80x128xf32, #tpu.memory_space<vmem>>, vector<1x16xf32>,
        %get3A_74 = vector.shape_cast %get3A_73 : vector<1x16xf32> to vector<16xf32>
        %add3A_75 = arith.addf %add3A_70, %get3A_74 : vector<16xf32>
        %swap3A_76 = arith.index_cast %scan3A_34 : i32 to index
        %swap3A_77 = arith.constant 16 : index
        %swap3A_78 = tpu.vector_load %arg12[%swap3A_76, %swap3A_77] {strides = array<i32>} : memref<80x128xf32, #tpu.memory_space<vmem>>, vector<1x16xf32>,
        %swap3A_79 = vector.shape_cast %swap3A_78 : vector<1x16xf32> to vector<16xf32>
        %swap3A_80 = vector.shape_cast %add3A_75 : vector<16xf32> to vector<1x16xf32>
        tpu.vector_store %arg12[%swap3A_76, %swap3A_77], %swap3A_80 {strides = array<i32>} : memref<80x128xf32, #tpu.memory_space<vmem>>, vector<1x16xf32>,
        %get3A_81 = arith.index_cast %scan3A_34 : i32 to index
        %get3A_82 = arith.constant 32 : index
        %get3A_83 = tpu.vector_load %arg12[%get3A_81, %get3A_82] {strides = array<i32>} : memref<80x128xf32, #tpu.memory_space<vmem>>, vector<1x16xf32>,
        %get3A_84 = vector.shape_cast %get3A_83 : vector<1x16xf32> to vector<16xf32>
        %get3A_85 = arith.index_cast %scan3A_34 : i32 to index
        %get3A_86 = arith.constant 96 : index
        %get3A_87 = tpu.vector_load %arg12[%get3A_85, %get3A_86] {strides = array<i32>} : memref<80x128xf32, #tpu.memory_space<vmem>>, vector<1x16xf32>,
        %get3A_88 = vector.shape_cast %get3A_87 : vector<1x16xf32> to vector<16xf32>
        %add3A_89 = arith.addf %get3A_84, %get3A_88 : vector<16xf32>
        %get3A_90 = arith.index_cast %scan3A_34 : i32 to index
        %get3A_91 = arith.constant 96 : index
        %get3A_92 = tpu.vector_load %arg13[%get3A_90, %get3A_91] {strides = array<i32>} : memref<80x128xf32, #tpu.memory_space<vmem>>, vector<1x16xf32>,
        %get3A_93 = vector.shape_cast %get3A_92 : vector<1x16xf32> to vector<16xf32>
        %add3A_94 = arith.addf %add3A_89, %get3A_93 : vector<16xf32>
        %get3A_95 = arith.index_cast %scan3A_34 : i32 to index
        %get3A_96 = arith.constant 96 : index
        %get3A_97 = tpu.vector_load %arg14[%get3A_95, %get3A_96] {strides = array<i32>} : memref<80x128xf32, #tpu.memory_space<vmem>>, vector<1x16xf32>,
        %get3A_98 = vector.shape_cast %get3A_97 : vector<1x16xf32> to vector<16xf32>
        %add3A_99 = arith.addf %add3A_94, %get3A_98 : vector<16xf32>
        %swap3A_100 = arith.index_cast %scan3A_34 : i32 to index
        %swap3A_101 = arith.constant 32 : index
        %swap3A_102 = tpu.vector_load %arg12[%swap3A_100, %swap3A_101] {strides = array<i32>} : memref<80x128xf32, #tpu.memory_space<vmem>>, vector<1x16xf32>,
        %swap3A_103 = vector.shape_cast %swap3A_102 : vector<1x16xf32> to vector<16xf32>
        %swap3A_104 = vector.shape_cast %add3A_99 : vector<16xf32> to vector<1x16xf32>
        tpu.vector_store %arg12[%swap3A_100, %swap3A_101], %swap3A_104 {strides = array<i32>} : memref<80x128xf32, #tpu.memory_space<vmem>>, vector<1x16xf32>,
        %get3A_105 = arith.index_cast %scan3A_34 : i32 to index
        %get3A_106 = arith.constant 48 : index
        %get3A_107 = tpu.vector_load %arg12[%get3A_105, %get3A_106] {strides = array<i32>} : memref<80x128xf32, #tpu.memory_space<vmem>>, vector<1x16xf32>,
        %get3A_108 = vector.shape_cast %get3A_107 : vector<1x16xf32> to vector<16xf32>
        %get3A_109 = arith.index_cast %scan3A_34 : i32 to index
        %get3A_110 = arith.constant 112 : index
        %get3A_111 = tpu.vector_load %arg12[%get3A_109, %get3A_110] {strides = array<i32>} : memref<80x128xf32, #tpu.memory_space<vmem>>, vector<1x16xf32>,
        %get3A_112 = vector.shape_cast %get3A_111 : vector<1x16xf32> to vector<16xf32>
        %add3A_113 = arith.addf %get3A_108, %get3A_112 : vector<16xf32>
        %get3A_114 = arith.index_cast %scan3A_34 : i32 to index
        %get3A_115 = arith.constant 112 : index
        %get3A_116 = tpu.vector_load %arg13[%get3A_114, %get3A_115] {strides = array<i32>} : memref<80x128xf32, #tpu.memory_space<vmem>>, vector<1x16xf32>,
        %get3A_117 = vector.shape_cast %get3A_116 : vector<1x16xf32> to vector<16xf32>
        %add3A_118 = arith.addf %add3A_113, %get3A_117 : vector<16xf32>
        %get3A_119 = arith.index_cast %scan3A_34 : i32 to index
        %get3A_120 = arith.constant 112 : index
        %get3A_121 = tpu.vector_load %arg14[%get3A_119, %get3A_120] {strides = array<i32>} : memref<80x128xf32, #tpu.memory_space<vmem>>, vector<1x16xf32>,
        %get3A_122 = vector.shape_cast %get3A_121 : vector<1x16xf32> to vector<16xf32>
        %add3A_123 = arith.addf %add3A_118, %get3A_122 : vector<16xf32>
        %swap3A_124 = arith.index_cast %scan3A_34 : i32 to index
        %swap3A_125 = arith.constant 48 : index
        %swap3A_126 = tpu.vector_load %arg12[%swap3A_124, %swap3A_125] {strides = array<i32>} : memref<80x128xf32, #tpu.memory_space<vmem>>, vector<1x16xf32>,
        %swap3A_127 = vector.shape_cast %swap3A_126 : vector<1x16xf32> to vector<16xf32>
        %swap3A_128 = vector.shape_cast %add3A_123 : vector<16xf32> to vector<1x16xf32>
        tpu.vector_store %arg12[%swap3A_124, %swap3A_125], %swap3A_128 {strides = array<i32>} : memref<80x128xf32, #tpu.memory_space<vmem>>, vector<1x16xf32>,
      }
      %scan3A_33 = arith.constant 80 : i32
      "tpu.region"() ({
        %run_scoped3A = tpu.sem_alloc : memref<!tpu.dma_semaphore, #tpu.memory_space<semaphore_mem>>
        %dma_start3A_34 = arith.constant 0 : i32
        %dma_start3A_35 = tpu.memref_slice %arg9[%add3A_17, %dma_start3A_34] : memref<320000x128xf32, #tpu.memory_space<hbm>> -> memref<80x128xf32, #tpu.memory_space<hbm>>
        %dma_start3A_36 = arith.constant 0 : i32
        %dma_start3A_37 = tpu.memref_slice %arg9[%add3A_17, %dma_start3A_36] : memref<320000x128xf32, #tpu.memory_space<hbm>> -> memref<80x128xf32, #tpu.memory_space<hbm>>
        tpu.enqueue_dma source(%arg12 : memref<80x128xf32, #tpu.memory_space<vmem>>) target(%dma_start3A_37 : memref<80x128xf32, #tpu.memory_space<hbm>>) target_semaphore(%run_scoped3A : memref<!tpu.dma_semaphore, #tpu.memory_space<semaphore_mem>>)
        %dma_wait3A_38 = arith.constant 0 : i32
        %dma_wait3A_39 = tpu.memref_slice %arg9[%add3A_17, %dma_wait3A_38] : memref<320000x128xf32, #tpu.memory_space<hbm>> -> memref<80x128xf32, #tpu.memory_space<hbm>>
        %dma_wait3A_40 = arith.constant 0 : i32
        %dma_wait3A_41 = tpu.memref_slice %arg9[%add3A_17, %dma_wait3A_40] : memref<320000x128xf32, #tpu.memory_space<hbm>> -> memref<80x128xf32, #tpu.memory_space<hbm>>
        tpu.wait_dma2 semaphore(%run_scoped3A : memref<!tpu.dma_semaphore, #tpu.memory_space<semaphore_mem>>) src(%arg12 : memref<80x128xf32, #tpu.memory_space<vmem>>) dst(%dma_wait3A_41 : memref<80x128xf32, #tpu.memory_space<hbm>>)
        tpu.yield
      }) : () -> ()
    }
    %scan3A_7 = arith.constant 125 : i32
    %barrier3A_8 = arith.constant 0 : index
    tpu.barrier barrier_id(%barrier3A_8)
    %mul3A_9 = arith.constant 10240 : i32
    %mul3A_10 = arith.muli %arg0, %mul3A_9 : i32
    %add3A_11 = arith.addi %mul3A_10, %mul3A_2 : i32
    "tpu.region"() ({
      %run_scoped3A = tpu.sem_alloc : memref<!tpu.dma_semaphore, #tpu.memory_space<semaphore_mem>>
      %dma_start3A = arith.constant 0 : i32
      %dma_start3A_12 = tpu.memref_slice %arg8[%add3A_11, %dma_start3A] : memref<20480x128xf32, #tpu.memory_space<hbm>> -> memref<640x128xf32, #tpu.memory_space<hbm>>
      %dma_start3A_13 = arith.constant 0 : i32
      %dma_start3A_14 = tpu.memref_slice %arg15[%mul3A_2, %dma_start3A_13] : memref<10240x128xf32, #tpu.memory_space<vmem_shared>> -> memref<640x128xf32, #tpu.memory_space<vmem_shared>>
      tpu.enqueue_dma source(%dma_start3A_14 : memref<640x128xf32, #tpu.memory_space<vmem_shared>>) target(%dma_start3A_12 : memref<640x128xf32, #tpu.memory_space<hbm>>) target_semaphore(%run_scoped3A : memref<!tpu.dma_semaphore, #tpu.memory_space<semaphore_mem>>)
      %dma_wait3A = arith.constant 0 : i32
      %dma_wait3A_15 = tpu.memref_slice %arg8[%add3A_11, %dma_wait3A] : memref<20480x128xf32, #tpu.memory_space<hbm>> -> memref<640x128xf32, #tpu.memory_space<hbm>>
      %dma_wait3A_16 = arith.constant 0 : i32
      %dma_wait3A_17 = tpu.memref_slice %arg15[%mul3A_2, %dma_wait3A_16] : memref<10240x128xf32, #tpu.memory_space<vmem_shared>> -> memref<640x128xf32, #tpu.memory_space<vmem_shared>>
      tpu.wait_dma2 semaphore(%run_scoped3A : memref<!tpu.dma_semaphore, #tpu.memory_space<semaphore_mem>>) src(%dma_wait3A_17 : memref<640x128xf32, #tpu.memory_space<vmem_shared>>) dst(%dma_wait3A_15 : memref<640x128xf32, #tpu.memory_space<hbm>>)
      tpu.yield
    }) : () -> ()
    return
  }
}

#map = affine_map<(d0, d1) -> (0)>
#map1 = affine_map<(d0, d1) -> (0, 0)>
module attributes {stable_mosaic.version = 14 : i64} {
  func.func @body(%arg0: i32, %arg1: i32, %arg2: memref<320000xi32, #tpu.memory_space<hbm>>, %arg3: memref<320000xi32, #tpu.memory_space<hbm>>, %arg4: memref<320000x128xf32, #tpu.memory_space<hbm>>, %arg5: memref<10000x128xf32, #tpu.memory_space<hbm>>, %arg6: memref<10000x128xf32, #tpu.memory_space<hbm>>, %arg7: memref<640x128xf32, #tpu.memory_space<hbm>>, %arg8: memref<20480x128xf32, #tpu.memory_space<hbm>>, %arg9: memref<320000x128xf32, #tpu.memory_space<hbm>>, %arg10: memref<80xi32, #tpu.memory_space<vmem>>, %arg11: memref<80xi32, #tpu.memory_space<vmem>>, %arg12: memref<80x128xf32, #tpu.memory_space<vmem>>, %arg13: memref<80x128xf32, #tpu.memory_space<vmem>>, %arg14: memref<80x128xf32, #tpu.memory_space<vmem>>, %arg15: memref<10240x128xf32, #tpu.memory_space<vmem_shared>>, %arg16: memref<!tpu.dma_semaphore, #tpu.memory_space<semaphore_mem>>, %arg17: memref<!tpu.dma_semaphore, #tpu.memory_space<semaphore_mem>>) attributes {dimension_semantics = [#tpu.dimension_semantics<core_parallel>, #tpu.dimension_semantics<subcore_parallel>], iteration_bounds = array<i64: 2, 16>, scalar_prefetch = 0 : i64, scratch_operands = 8 : i64, tpu.core_type = #tpu.core_type<sc_vector_subcore>, window_params = [{transform_indices = #map}, {transform_indices = #map}, {transform_indices = #map1}, {transform_indices = #map1}, {transform_indices = #map1}, {transform_indices = #map1}, {transform_indices = #map1}, {transform_indices = #map1}]} {
    %mul3A = arith.constant 16 : i32
    %mul3A_0 = arith.muli %arg0, %mul3A : i32
    %add3A = arith.addi %mul3A_0, %arg1 : i32
    %mul3A_1 = arith.constant 640 : i32
    %mul3A_2 = arith.muli %arg1, %mul3A_1 : i32
    "tpu.region"() ({
      %run_scoped3A = tpu.sem_alloc : memref<!tpu.dma_semaphore, #tpu.memory_space<semaphore_mem>>
      %dma_start3A = arith.constant 0 : i32
      %dma_start3A_12 = tpu.memref_slice %arg15[%mul3A_2, %dma_start3A] : memref<10240x128xf32, #tpu.memory_space<vmem_shared>> -> memref<640x128xf32, #tpu.memory_space<vmem_shared>>
      tpu.enqueue_dma source(%arg7 : memref<640x128xf32, #tpu.memory_space<hbm>>) target(%dma_start3A_12 : memref<640x128xf32, #tpu.memory_space<vmem_shared>>) target_semaphore(%run_scoped3A : memref<!tpu.dma_semaphore, #tpu.memory_space<semaphore_mem>>)
      %dma_wait3A = arith.constant 0 : i32
      %dma_wait3A_13 = tpu.memref_slice %arg15[%mul3A_2, %dma_wait3A] : memref<10240x128xf32, #tpu.memory_space<vmem_shared>> -> memref<640x128xf32, #tpu.memory_space<vmem_shared>>
      tpu.wait_dma2 semaphore(%run_scoped3A : memref<!tpu.dma_semaphore, #tpu.memory_space<semaphore_mem>>) src(%arg7 : memref<640x128xf32, #tpu.memory_space<hbm>>) dst(%dma_wait3A_13 : memref<640x128xf32, #tpu.memory_space<vmem_shared>>)
      tpu.yield
    }) : () -> ()
    %barrier3A = arith.constant 0 : index
    tpu.barrier barrier_id(%barrier3A)
    %scan3A = arith.constant 0 : i32
    %scan3A_3 = arith.constant 0 : i32
    %scan3A_4 = arith.constant 125 : i32
    %scan3A_5 = arith.addi %scan3A_3, %scan3A_4 : i32
    %scan3A_6 = arith.constant 1 : i32
    scf.for %scan3A_12 = %scan3A_3 to %scan3A_5 step %scan3A_6  : i32 {
      %mul3A_13 = arith.constant 10000 : i32
      %mul3A_14 = arith.muli %add3A, %mul3A_13 : i32
      %mul3A_15 = arith.constant 80 : i32
      %mul3A_16 = arith.muli %scan3A_12, %mul3A_15 : i32
      %add3A_17 = arith.addi %mul3A_14, %mul3A_16 : i32
      "tpu.region"() ({
        %run_scoped3A = tpu.sem_alloc : memref<!tpu.dma_semaphore, #tpu.memory_space<semaphore_mem>>
        %dma_start3A_34 = tpu.memref_slice %arg2[%add3A_17] : memref<320000xi32, #tpu.memory_space<hbm>> -> memref<80xi32, #tpu.memory_space<hbm>>
        %dma_start3A_35 = tpu.memref_slice %arg2[%add3A_17] : memref<320000xi32, #tpu.memory_space<hbm>> -> memref<80xi32, #tpu.memory_space<hbm>>
        tpu.enqueue_dma source(%dma_start3A_35 : memref<80xi32, #tpu.memory_space<hbm>>) target(%arg10 : memref<80xi32, #tpu.memory_space<vmem>>) target_semaphore(%run_scoped3A : memref<!tpu.dma_semaphore, #tpu.memory_space<semaphore_mem>>)
        %dma_wait3A_36 = tpu.memref_slice %arg2[%add3A_17] : memref<320000xi32, #tpu.memory_space<hbm>> -> memref<80xi32, #tpu.memory_space<hbm>>
        %dma_wait3A_37 = tpu.memref_slice %arg2[%add3A_17] : memref<320000xi32, #tpu.memory_space<hbm>> -> memref<80xi32, #tpu.memory_space<hbm>>
        tpu.wait_dma2 semaphore(%run_scoped3A : memref<!tpu.dma_semaphore, #tpu.memory_space<semaphore_mem>>) src(%dma_wait3A_37 : memref<80xi32, #tpu.memory_space<hbm>>) dst(%arg10 : memref<80xi32, #tpu.memory_space<vmem>>)
        tpu.yield
      }) : () -> ()
      "tpu.region"() ({
        %run_scoped3A = tpu.sem_alloc : memref<!tpu.dma_semaphore, #tpu.memory_space<semaphore_mem>>
        %dma_start3A_34 = tpu.memref_slice %arg3[%add3A_17] : memref<320000xi32, #tpu.memory_space<hbm>> -> memref<80xi32, #tpu.memory_space<hbm>>
        %dma_start3A_35 = tpu.memref_slice %arg3[%add3A_17] : memref<320000xi32, #tpu.memory_space<hbm>> -> memref<80xi32, #tpu.memory_space<hbm>>
        tpu.enqueue_dma source(%dma_start3A_35 : memref<80xi32, #tpu.memory_space<hbm>>) target(%arg11 : memref<80xi32, #tpu.memory_space<vmem>>) target_semaphore(%run_scoped3A : memref<!tpu.dma_semaphore, #tpu.memory_space<semaphore_mem>>)
        %dma_wait3A_36 = tpu.memref_slice %arg3[%add3A_17] : memref<320000xi32, #tpu.memory_space<hbm>> -> memref<80xi32, #tpu.memory_space<hbm>>
        %dma_wait3A_37 = tpu.memref_slice %arg3[%add3A_17] : memref<320000xi32, #tpu.memory_space<hbm>> -> memref<80xi32, #tpu.memory_space<hbm>>
        tpu.wait_dma2 semaphore(%run_scoped3A : memref<!tpu.dma_semaphore, #tpu.memory_space<semaphore_mem>>) src(%dma_wait3A_37 : memref<80xi32, #tpu.memory_space<hbm>>) dst(%arg11 : memref<80xi32, #tpu.memory_space<vmem>>)
        tpu.yield
      }) : () -> ()
      "tpu.region"() ({
        %run_scoped3A = tpu.sem_alloc : memref<!tpu.dma_semaphore, #tpu.memory_space<semaphore_mem>>
        %dma_start3A_34 = arith.constant 0 : i32
        %dma_start3A_35 = tpu.memref_slice %arg4[%add3A_17, %dma_start3A_34] : memref<320000x128xf32, #tpu.memory_space<hbm>> -> memref<80x128xf32, #tpu.memory_space<hbm>>
        %dma_start3A_36 = arith.constant 0 : i32
        %dma_start3A_37 = tpu.memref_slice %arg4[%add3A_17, %dma_start3A_36] : memref<320000x128xf32, #tpu.memory_space<hbm>> -> memref<80x128xf32, #tpu.memory_space<hbm>>
        tpu.enqueue_dma source(%dma_start3A_37 : memref<80x128xf32, #tpu.memory_space<hbm>>) target(%arg12 : memref<80x128xf32, #tpu.memory_space<vmem>>) target_semaphore(%run_scoped3A : memref<!tpu.dma_semaphore, #tpu.memory_space<semaphore_mem>>)
        %dma_wait3A_38 = arith.constant 0 : i32
        %dma_wait3A_39 = tpu.memref_slice %arg4[%add3A_17, %dma_wait3A_38] : memref<320000x128xf32, #tpu.memory_space<hbm>> -> memref<80x128xf32, #tpu.memory_space<hbm>>
        %dma_wait3A_40 = arith.constant 0 : i32
        %dma_wait3A_41 = tpu.memref_slice %arg4[%add3A_17, %dma_wait3A_40] : memref<320000x128xf32, #tpu.memory_space<hbm>> -> memref<80x128xf32, #tpu.memory_space<hbm>>
        tpu.wait_dma2 semaphore(%run_scoped3A : memref<!tpu.dma_semaphore, #tpu.memory_space<semaphore_mem>>) src(%dma_wait3A_41 : memref<80x128xf32, #tpu.memory_space<hbm>>) dst(%arg12 : memref<80x128xf32, #tpu.memory_space<vmem>>)
        tpu.yield
      }) : () -> ()
      %dma_start3A = arith.constant 0 : i32
      %dma_start3A_18 = arith.constant 0 : i32
      %dma_start3A_19 = tpu.memref_slice %arg5[%dma_start3A, %dma_start3A_18] : memref<10000x128xf32, #tpu.memory_space<hbm>> -> memref<10000x128xf32, #tpu.memory_space<hbm>>
      tpu.enqueue_indirect_dma source(%dma_start3A_19 : memref<10000x128xf32, #tpu.memory_space<hbm>>) target(%arg13 : memref<80x128xf32, #tpu.memory_space<vmem>>) offsets(%arg10 : memref<80xi32, #tpu.memory_space<vmem>>) semaphore(%arg16 : memref<!tpu.dma_semaphore, #tpu.memory_space<semaphore_mem>>)
      %dma_start3A_20 = arith.constant 0 : i32
      %dma_start3A_21 = arith.constant 0 : i32
      %dma_start3A_22 = tpu.memref_slice %arg6[%dma_start3A_20, %dma_start3A_21] : memref<10000x128xf32, #tpu.memory_space<hbm>> -> memref<10000x128xf32, #tpu.memory_space<hbm>>
      tpu.enqueue_indirect_dma source(%dma_start3A_22 : memref<10000x128xf32, #tpu.memory_space<hbm>>) target(%arg14 : memref<80x128xf32, #tpu.memory_space<vmem>>) offsets(%arg11 : memref<80xi32, #tpu.memory_space<vmem>>) semaphore(%arg17 : memref<!tpu.dma_semaphore, #tpu.memory_space<semaphore_mem>>)
      "tpu.region"() ({
        %run_scoped3A = tpu.sem_alloc : memref<!tpu.dma_semaphore, #tpu.memory_space<semaphore_mem>>
        %dma_start3A_34 = arith.constant 0 : i32
        %dma_start3A_35 = arith.constant 0 : i32
        %dma_start3A_36 = tpu.memref_slice %arg15[%dma_start3A_34, %dma_start3A_35] : memref<10240x128xf32, #tpu.memory_space<vmem_shared>> -> memref<10240x128xf32, #tpu.memory_space<vmem_shared>>
        tpu.enqueue_indirect_dma source(%arg12 : memref<80x128xf32, #tpu.memory_space<vmem>>) target(%dma_start3A_36 : memref<10240x128xf32, #tpu.memory_space<vmem_shared>>) offsets(%arg11 : memref<80xi32, #tpu.memory_space<vmem>>) semaphore(%run_scoped3A : memref<!tpu.dma_semaphore, #tpu.memory_space<semaphore_mem>>) {add = true}
        %dma_wait3A_37 = arith.constant 0 : i32
        %dma_wait3A_38 = arith.constant 0 : i32
        %dma_wait3A_39 = tpu.memref_slice %arg15[%dma_wait3A_37, %dma_wait3A_38] : memref<10240x128xf32, #tpu.memory_space<vmem_shared>> -> memref<10240x128xf32, #tpu.memory_space<vmem_shared>>
        tpu.wait_indirect_dma semaphore(%run_scoped3A : memref<!tpu.dma_semaphore, #tpu.memory_space<semaphore_mem>>) src(%arg12 : memref<80x128xf32, #tpu.memory_space<vmem>>) dst(%dma_wait3A_39 : memref<10240x128xf32, #tpu.memory_space<vmem_shared>>)
        tpu.yield
      }) : () -> ()
      %dma_wait3A = arith.constant 0 : i32
      %dma_wait3A_23 = arith.constant 0 : i32
      %dma_wait3A_24 = tpu.memref_slice %arg5[%dma_wait3A, %dma_wait3A_23] : memref<10000x128xf32, #tpu.memory_space<hbm>> -> memref<10000x128xf32, #tpu.memory_space<hbm>>
      tpu.wait_indirect_dma semaphore(%arg16 : memref<!tpu.dma_semaphore, #tpu.memory_space<semaphore_mem>>) src(%dma_wait3A_24 : memref<10000x128xf32, #tpu.memory_space<hbm>>) dst(%arg13 : memref<80x128xf32, #tpu.memory_space<vmem>>)
      "tpu.region"() ({
        %run_scoped3A = tpu.sem_alloc : memref<!tpu.dma_semaphore, #tpu.memory_space<semaphore_mem>>
        %dma_start3A_34 = arith.constant 0 : i32
        %dma_start3A_35 = arith.constant 0 : i32
        %dma_start3A_36 = tpu.memref_slice %arg15[%dma_start3A_34, %dma_start3A_35] : memref<10240x128xf32, #tpu.memory_space<vmem_shared>> -> memref<10240x128xf32, #tpu.memory_space<vmem_shared>>
        tpu.enqueue_indirect_dma source(%arg13 : memref<80x128xf32, #tpu.memory_space<vmem>>) target(%dma_start3A_36 : memref<10240x128xf32, #tpu.memory_space<vmem_shared>>) offsets(%arg11 : memref<80xi32, #tpu.memory_space<vmem>>) semaphore(%run_scoped3A : memref<!tpu.dma_semaphore, #tpu.memory_space<semaphore_mem>>) {add = true}
        %dma_wait3A_37 = arith.constant 0 : i32
        %dma_wait3A_38 = arith.constant 0 : i32
        %dma_wait3A_39 = tpu.memref_slice %arg15[%dma_wait3A_37, %dma_wait3A_38] : memref<10240x128xf32, #tpu.memory_space<vmem_shared>> -> memref<10240x128xf32, #tpu.memory_space<vmem_shared>>
        tpu.wait_indirect_dma semaphore(%run_scoped3A : memref<!tpu.dma_semaphore, #tpu.memory_space<semaphore_mem>>) src(%arg13 : memref<80x128xf32, #tpu.memory_space<vmem>>) dst(%dma_wait3A_39 : memref<10240x128xf32, #tpu.memory_space<vmem_shared>>)
        tpu.yield
      }) : () -> ()
      %dma_wait3A_25 = arith.constant 0 : i32
      %dma_wait3A_26 = arith.constant 0 : i32
      %dma_wait3A_27 = tpu.memref_slice %arg6[%dma_wait3A_25, %dma_wait3A_26] : memref<10000x128xf32, #tpu.memory_space<hbm>> -> memref<10000x128xf32, #tpu.memory_space<hbm>>
      tpu.wait_indirect_dma semaphore(%arg17 : memref<!tpu.dma_semaphore, #tpu.memory_space<semaphore_mem>>) src(%dma_wait3A_27 : memref<10000x128xf32, #tpu.memory_space<hbm>>) dst(%arg14 : memref<80x128xf32, #tpu.memory_space<vmem>>)
      "tpu.region"() ({
        %run_scoped3A = tpu.sem_alloc : memref<!tpu.dma_semaphore, #tpu.memory_space<semaphore_mem>>
        %dma_start3A_34 = arith.constant 0 : i32
        %dma_start3A_35 = arith.constant 0 : i32
        %dma_start3A_36 = tpu.memref_slice %arg15[%dma_start3A_34, %dma_start3A_35] : memref<10240x128xf32, #tpu.memory_space<vmem_shared>> -> memref<10240x128xf32, #tpu.memory_space<vmem_shared>>
        tpu.enqueue_indirect_dma source(%arg14 : memref<80x128xf32, #tpu.memory_space<vmem>>) target(%dma_start3A_36 : memref<10240x128xf32, #tpu.memory_space<vmem_shared>>) offsets(%arg11 : memref<80xi32, #tpu.memory_space<vmem>>) semaphore(%run_scoped3A : memref<!tpu.dma_semaphore, #tpu.memory_space<semaphore_mem>>) {add = true}
        %dma_wait3A_37 = arith.constant 0 : i32
        %dma_wait3A_38 = arith.constant 0 : i32
        %dma_wait3A_39 = tpu.memref_slice %arg15[%dma_wait3A_37, %dma_wait3A_38] : memref<10240x128xf32, #tpu.memory_space<vmem_shared>> -> memref<10240x128xf32, #tpu.memory_space<vmem_shared>>
        tpu.wait_indirect_dma semaphore(%run_scoped3A : memref<!tpu.dma_semaphore, #tpu.memory_space<semaphore_mem>>) src(%arg14 : memref<80x128xf32, #tpu.memory_space<vmem>>) dst(%dma_wait3A_39 : memref<10240x128xf32, #tpu.memory_space<vmem_shared>>)
        tpu.yield
      }) : () -> ()
      %scan3A_28 = arith.constant 0 : i32
      %scan3A_29 = arith.constant 0 : i32
      %scan3A_30 = arith.constant 80 : i32
      %scan3A_31 = arith.addi %scan3A_29, %scan3A_30 : i32
      %scan3A_32 = arith.constant 1 : i32
      scf.for %scan3A_34 = %scan3A_29 to %scan3A_31 step %scan3A_32  : i32 {
        %get3A = arith.index_cast %scan3A_34 : i32 to index
        %get3A_35 = arith.constant 0 : index
        %get3A_36 = tpu.vector_load %arg12[%get3A, %get3A_35] {strides = array<i32>} : memref<80x128xf32, #tpu.memory_space<vmem>>, vector<1x16xf32>,
        %get3A_37 = vector.shape_cast %get3A_36 : vector<1x16xf32> to vector<16xf32>
        %get3A_38 = arith.index_cast %scan3A_34 : i32 to index
        %get3A_39 = arith.constant 64 : index
        %get3A_40 = tpu.vector_load %arg12[%get3A_38, %get3A_39] {strides = array<i32>} : memref<80x128xf32, #tpu.memory_space<vmem>>, vector<1x16xf32>,
        %get3A_41 = vector.shape_cast %get3A_40 : vector<1x16xf32> to vector<16xf32>
        %add3A_42 = arith.addf %get3A_37, %get3A_41 : vector<16xf32>
        %get3A_43 = arith.index_cast %scan3A_34 : i32 to index
        %get3A_44 = arith.constant 64 : index
        %get3A_45 = tpu.vector_load %arg13[%get3A_43, %get3A_44] {strides = array<i32>} : memref<80x128xf32, #tpu.memory_space<vmem>>, vector<1x16xf32>,
        %get3A_46 = vector.shape_cast %get3A_45 : vector<1x16xf32> to vector<16xf32>
        %add3A_47 = arith.addf %add3A_42, %get3A_46 : vector<16xf32>
        %get3A_48 = arith.index_cast %scan3A_34 : i32 to index
        %get3A_49 = arith.constant 64 : index
        %get3A_50 = tpu.vector_load %arg14[%get3A_48, %get3A_49] {strides = array<i32>} : memref<80x128xf32, #tpu.memory_space<vmem>>, vector<1x16xf32>,
        %get3A_51 = vector.shape_cast %get3A_50 : vector<1x16xf32> to vector<16xf32>
        %add3A_52 = arith.addf %add3A_47, %get3A_51 : vector<16xf32>
        %swap3A = arith.index_cast %scan3A_34 : i32 to index
        %swap3A_53 = arith.constant 0 : index
        %swap3A_54 = tpu.vector_load %arg12[%swap3A, %swap3A_53] {strides = array<i32>} : memref<80x128xf32, #tpu.memory_space<vmem>>, vector<1x16xf32>,
        %swap3A_55 = vector.shape_cast %swap3A_54 : vector<1x16xf32> to vector<16xf32>
        %swap3A_56 = vector.shape_cast %add3A_52 : vector<16xf32> to vector<1x16xf32>
        tpu.vector_store %arg12[%swap3A, %swap3A_53], %swap3A_56 {strides = array<i32>} : memref<80x128xf32, #tpu.memory_space<vmem>>, vector<1x16xf32>,
        %get3A_57 = arith.index_cast %scan3A_34 : i32 to index
        %get3A_58 = arith.constant 16 : index
        %get3A_59 = tpu.vector_load %arg12[%get3A_57, %get3A_58] {strides = array<i32>} : memref<80x128xf32, #tpu.memory_space<vmem>>, vector<1x16xf32>,
        %get3A_60 = vector.shape_cast %get3A_59 : vector<1x16xf32> to vector<16xf32>
        %get3A_61 = arith.index_cast %scan3A_34 : i32 to index
        %get3A_62 = arith.constant 80 : index
        %get3A_63 = tpu.vector_load %arg12[%get3A_61, %get3A_62] {strides = array<i32>} : memref<80x128xf32, #tpu.memory_space<vmem>>, vector<1x16xf32>,
        %get3A_64 = vector.shape_cast %get3A_63 : vector<1x16xf32> to vector<16xf32>
        %add3A_65 = arith.addf %get3A_60, %get3A_64 : vector<16xf32>
        %get3A_66 = arith.index_cast %scan3A_34 : i32 to index
        %get3A_67 = arith.constant 80 : index
        %get3A_68 = tpu.vector_load %arg13[%get3A_66, %get3A_67] {strides = array<i32>} : memref<80x128xf32, #tpu.memory_space<vmem>>, vector<1x16xf32>,
        %get3A_69 = vector.shape_cast %get3A_68 : vector<1x16xf32> to vector<16xf32>
        %add3A_70 = arith.addf %add3A_65, %get3A_69 : vector<16xf32>
        %get3A_71 = arith.index_cast %scan3A_34 : i32 to index
        %get3A_72 = arith.constant 80 : index
        %get3A_73 = tpu.vector_load %arg14[%get3A_71, %get3A_72] {strides = array<i32>} : memref<80x128xf32, #tpu.memory_space<vmem>>, vector<1x16xf32>,
        %get3A_74 = vector.shape_cast %get3A_73 : vector<1x16xf32> to vector<16xf32>
        %add3A_75 = arith.addf %add3A_70, %get3A_74 : vector<16xf32>
        %swap3A_76 = arith.index_cast %scan3A_34 : i32 to index
        %swap3A_77 = arith.constant 16 : index
        %swap3A_78 = tpu.vector_load %arg12[%swap3A_76, %swap3A_77] {strides = array<i32>} : memref<80x128xf32, #tpu.memory_space<vmem>>, vector<1x16xf32>,
        %swap3A_79 = vector.shape_cast %swap3A_78 : vector<1x16xf32> to vector<16xf32>
        %swap3A_80 = vector.shape_cast %add3A_75 : vector<16xf32> to vector<1x16xf32>
        tpu.vector_store %arg12[%swap3A_76, %swap3A_77], %swap3A_80 {strides = array<i32>} : memref<80x128xf32, #tpu.memory_space<vmem>>, vector<1x16xf32>,
        %get3A_81 = arith.index_cast %scan3A_34 : i32 to index
        %get3A_82 = arith.constant 32 : index
        %get3A_83 = tpu.vector_load %arg12[%get3A_81, %get3A_82] {strides = array<i32>} : memref<80x128xf32, #tpu.memory_space<vmem>>, vector<1x16xf32>,
        %get3A_84 = vector.shape_cast %get3A_83 : vector<1x16xf32> to vector<16xf32>
        %get3A_85 = arith.index_cast %scan3A_34 : i32 to index
        %get3A_86 = arith.constant 96 : index
        %get3A_87 = tpu.vector_load %arg12[%get3A_85, %get3A_86] {strides = array<i32>} : memref<80x128xf32, #tpu.memory_space<vmem>>, vector<1x16xf32>,
        %get3A_88 = vector.shape_cast %get3A_87 : vector<1x16xf32> to vector<16xf32>
        %add3A_89 = arith.addf %get3A_84, %get3A_88 : vector<16xf32>
        %get3A_90 = arith.index_cast %scan3A_34 : i32 to index
        %get3A_91 = arith.constant 96 : index
        %get3A_92 = tpu.vector_load %arg13[%get3A_90, %get3A_91] {strides = array<i32>} : memref<80x128xf32, #tpu.memory_space<vmem>>, vector<1x16xf32>,
        %get3A_93 = vector.shape_cast %get3A_92 : vector<1x16xf32> to vector<16xf32>
        %add3A_94 = arith.addf %add3A_89, %get3A_93 : vector<16xf32>
        %get3A_95 = arith.index_cast %scan3A_34 : i32 to index
        %get3A_96 = arith.constant 96 : index
        %get3A_97 = tpu.vector_load %arg14[%get3A_95, %get3A_96] {strides = array<i32>} : memref<80x128xf32, #tpu.memory_space<vmem>>, vector<1x16xf32>,
        %get3A_98 = vector.shape_cast %get3A_97 : vector<1x16xf32> to vector<16xf32>
        %add3A_99 = arith.addf %add3A_94, %get3A_98 : vector<16xf32>
        %swap3A_100 = arith.index_cast %scan3A_34 : i32 to index
        %swap3A_101 = arith.constant 32 : index
        %swap3A_102 = tpu.vector_load %arg12[%swap3A_100, %swap3A_101] {strides = array<i32>} : memref<80x128xf32, #tpu.memory_space<vmem>>, vector<1x16xf32>,
        %swap3A_103 = vector.shape_cast %swap3A_102 : vector<1x16xf32> to vector<16xf32>
        %swap3A_104 = vector.shape_cast %add3A_99 : vector<16xf32> to vector<1x16xf32>
        tpu.vector_store %arg12[%swap3A_100, %swap3A_101], %swap3A_104 {strides = array<i32>} : memref<80x128xf32, #tpu.memory_space<vmem>>, vector<1x16xf32>,
        %get3A_105 = arith.index_cast %scan3A_34 : i32 to index
        %get3A_106 = arith.constant 48 : index
        %get3A_107 = tpu.vector_load %arg12[%get3A_105, %get3A_106] {strides = array<i32>} : memref<80x128xf32, #tpu.memory_space<vmem>>, vector<1x16xf32>,
        %get3A_108 = vector.shape_cast %get3A_107 : vector<1x16xf32> to vector<16xf32>
        %get3A_109 = arith.index_cast %scan3A_34 : i32 to index
        %get3A_110 = arith.constant 112 : index
        %get3A_111 = tpu.vector_load %arg12[%get3A_109, %get3A_110] {strides = array<i32>} : memref<80x128xf32, #tpu.memory_space<vmem>>, vector<1x16xf32>,
        %get3A_112 = vector.shape_cast %get3A_111 : vector<1x16xf32> to vector<16xf32>
        %add3A_113 = arith.addf %get3A_108, %get3A_112 : vector<16xf32>
        %get3A_114 = arith.index_cast %scan3A_34 : i32 to index
        %get3A_115 = arith.constant 112 : index
        %get3A_116 = tpu.vector_load %arg13[%get3A_114, %get3A_115] {strides = array<i32>} : memref<80x128xf32, #tpu.memory_space<vmem>>, vector<1x16xf32>,
        %get3A_117 = vector.shape_cast %get3A_116 : vector<1x16xf32> to vector<16xf32>
        %add3A_118 = arith.addf %add3A_113, %get3A_117 : vector<16xf32>
        %get3A_119 = arith.index_cast %scan3A_34 : i32 to index
        %get3A_120 = arith.constant 112 : index
        %get3A_121 = tpu.vector_load %arg14[%get3A_119, %get3A_120] {strides = array<i32>} : memref<80x128xf32, #tpu.memory_space<vmem>>, vector<1x16xf32>,
        %get3A_122 = vector.shape_cast %get3A_121 : vector<1x16xf32> to vector<16xf32>
        %add3A_123 = arith.addf %add3A_118, %get3A_122 : vector<16xf32>
        %swap3A_124 = arith.index_cast %scan3A_34 : i32 to index
        %swap3A_125 = arith.constant 48 : index
        %swap3A_126 = tpu.vector_load %arg12[%swap3A_124, %swap3A_125] {strides = array<i32>} : memref<80x128xf32, #tpu.memory_space<vmem>>, vector<1x16xf32>,
        %swap3A_127 = vector.shape_cast %swap3A_126 : vector<1x16xf32> to vector<16xf32>
        %swap3A_128 = vector.shape_cast %add3A_123 : vector<16xf32> to vector<1x16xf32>
        tpu.vector_store %arg12[%swap3A_124, %swap3A_125], %swap3A_128 {strides = array<i32>} : memref<80x128xf32, #tpu.memory_space<vmem>>, vector<1x16xf32>,
      }
      %scan3A_33 = arith.constant 80 : i32
      "tpu.region"() ({
        %run_scoped3A = tpu.sem_alloc : memref<!tpu.dma_semaphore, #tpu.memory_space<semaphore_mem>>
        %dma_start3A_34 = arith.constant 0 : i32
        %dma_start3A_35 = tpu.memref_slice %arg9[%add3A_17, %dma_start3A_34] : memref<320000x128xf32, #tpu.memory_space<hbm>> -> memref<80x128xf32, #tpu.memory_space<hbm>>
        %dma_start3A_36 = arith.constant 0 : i32
        %dma_start3A_37 = tpu.memref_slice %arg9[%add3A_17, %dma_start3A_36] : memref<320000x128xf32, #tpu.memory_space<hbm>> -> memref<80x128xf32, #tpu.memory_space<hbm>>
        tpu.enqueue_dma source(%arg12 : memref<80x128xf32, #tpu.memory_space<vmem>>) target(%dma_start3A_37 : memref<80x128xf32, #tpu.memory_space<hbm>>) target_semaphore(%run_scoped3A : memref<!tpu.dma_semaphore, #tpu.memory_space<semaphore_mem>>)
        %dma_wait3A_38 = arith.constant 0 : i32
        %dma_wait3A_39 = tpu.memref_slice %arg9[%add3A_17, %dma_wait3A_38] : memref<320000x128xf32, #tpu.memory_space<hbm>> -> memref<80x128xf32, #tpu.memory_space<hbm>>
        %dma_wait3A_40 = arith.constant 0 : i32
        %dma_wait3A_41 = tpu.memref_slice %arg9[%add3A_17, %dma_wait3A_40] : memref<320000x128xf32, #tpu.memory_space<hbm>> -> memref<80x128xf32, #tpu.memory_space<hbm>>
        tpu.wait_dma2 semaphore(%run_scoped3A : memref<!tpu.dma_semaphore, #tpu.memory_space<semaphore_mem>>) src(%arg12 : memref<80x128xf32, #tpu.memory_space<vmem>>) dst(%dma_wait3A_41 : memref<80x128xf32, #tpu.memory_space<hbm>>)
        tpu.yield
      }) : () -> ()
    }
    %scan3A_7 = arith.constant 125 : i32
    %barrier3A_8 = arith.constant 0 : index
    tpu.barrier barrier_id(%barrier3A_8)
    %mul3A_9 = arith.constant 10240 : i32
    %mul3A_10 = arith.muli %arg0, %mul3A_9 : i32
    %add3A_11 = arith.addi %mul3A_10, %mul3A_2 : i32
    "tpu.region"() ({
      %run_scoped3A = tpu.sem_alloc : memref<!tpu.dma_semaphore, #tpu.memory_space<semaphore_mem>>
      %dma_start3A = arith.constant 0 : i32
      %dma_start3A_12 = tpu.memref_slice %arg8[%add3A_11, %dma_start3A] : memref<20480x128xf32, #tpu.memory_space<hbm>> -> memref<640x128xf32, #tpu.memory_space<hbm>>
      %dma_start3A_13 = arith.constant 0 : i32
      %dma_start3A_14 = tpu.memref_slice %arg15[%mul3A_2, %dma_start3A_13] : memref<10240x128xf32, #tpu.memory_space<vmem_shared>> -> memref<640x128xf32, #tpu.memory_space<vmem_shared>>
      tpu.enqueue_dma source(%dma_start3A_14 : memref<640x128xf32, #tpu.memory_space<vmem_shared>>) target(%dma_start3A_12 : memref<640x128xf32, #tpu.memory_space<hbm>>) target_semaphore(%run_scoped3A : memref<!tpu.dma_semaphore, #tpu.memory_space<semaphore_mem>>)
      %dma_wait3A = arith.constant 0 : i32
      %dma_wait3A_15 = tpu.memref_slice %arg8[%add3A_11, %dma_wait3A] : memref<20480x128xf32, #tpu.memory_space<hbm>> -> memref<640x128xf32, #tpu.memory_space<hbm>>
      %dma_wait3A_16 = arith.constant 0 : i32
      %dma_wait3A_17 = tpu.memref_slice %arg15[%mul3A_2, %dma_wait3A_16] : memref<10240x128xf32, #tpu.memory_space<vmem_shared>> -> memref<640x128xf32, #tpu.memory_space<vmem_shared>>
      tpu.wait_dma2 semaphore(%run_scoped3A : memref<!tpu.dma_semaphore, #tpu.memory_space<semaphore_mem>>) src(%dma_wait3A_17 : memref<640x128xf32, #tpu.memory_space<vmem_shared>>) dst(%dma_wait3A_15 : memref<640x128xf32, #tpu.memory_space<hbm>>)
      tpu.yield
    }) : () -> ()
    return
  }
}

#map = affine_map<(d0, d1) -> (0)>
#map1 = affine_map<(d0, d1) -> (0, 0)>
module attributes {stable_mosaic.version = 14 : i64} {
  func.func @body(%arg0: i32, %arg1: i32, %arg2: memref<320000xi32, #tpu.memory_space<hbm>>, %arg3: memref<320000xi32, #tpu.memory_space<hbm>>, %arg4: memref<320000x128xf32, #tpu.memory_space<hbm>>, %arg5: memref<10000x128xf32, #tpu.memory_space<hbm>>, %arg6: memref<10000x128xf32, #tpu.memory_space<hbm>>, %arg7: memref<640x128xf32, #tpu.memory_space<hbm>>, %arg8: memref<20480x128xf32, #tpu.memory_space<hbm>>, %arg9: memref<80xi32, #tpu.memory_space<vmem>>, %arg10: memref<80xi32, #tpu.memory_space<vmem>>, %arg11: memref<80x128xf32, #tpu.memory_space<vmem>>, %arg12: memref<80x128xf32, #tpu.memory_space<vmem>>, %arg13: memref<80x128xf32, #tpu.memory_space<vmem>>, %arg14: memref<10240x128xf32, #tpu.memory_space<vmem_shared>>, %arg15: memref<!tpu.dma_semaphore, #tpu.memory_space<semaphore_mem>>, %arg16: memref<!tpu.dma_semaphore, #tpu.memory_space<semaphore_mem>>) attributes {dimension_semantics = [#tpu.dimension_semantics<core_parallel>, #tpu.dimension_semantics<subcore_parallel>], iteration_bounds = array<i64: 2, 16>, scalar_prefetch = 0 : i64, scratch_operands = 8 : i64, tpu.core_type = #tpu.core_type<sc_vector_subcore>, window_params = [{transform_indices = #map}, {transform_indices = #map}, {transform_indices = #map1}, {transform_indices = #map1}, {transform_indices = #map1}, {transform_indices = #map1}, {transform_indices = #map1}]} {
    %mul3A = arith.constant 16 : i32
    %mul3A_0 = arith.muli %arg0, %mul3A : i32
    %add3A = arith.addi %mul3A_0, %arg1 : i32
    %mul3A_1 = arith.constant 640 : i32
    %mul3A_2 = arith.muli %arg1, %mul3A_1 : i32
    "tpu.region"() ({
      %run_scoped3A = tpu.sem_alloc : memref<!tpu.dma_semaphore, #tpu.memory_space<semaphore_mem>>
      %dma_start3A = arith.constant 0 : i32
      %dma_start3A_12 = tpu.memref_slice %arg14[%mul3A_2, %dma_start3A] : memref<10240x128xf32, #tpu.memory_space<vmem_shared>> -> memref<640x128xf32, #tpu.memory_space<vmem_shared>>
      tpu.enqueue_dma source(%arg7 : memref<640x128xf32, #tpu.memory_space<hbm>>) target(%dma_start3A_12 : memref<640x128xf32, #tpu.memory_space<vmem_shared>>) target_semaphore(%run_scoped3A : memref<!tpu.dma_semaphore, #tpu.memory_space<semaphore_mem>>)
      %dma_wait3A = arith.constant 0 : i32
      %dma_wait3A_13 = tpu.memref_slice %arg14[%mul3A_2, %dma_wait3A] : memref<10240x128xf32, #tpu.memory_space<vmem_shared>> -> memref<640x128xf32, #tpu.memory_space<vmem_shared>>
      tpu.wait_dma2 semaphore(%run_scoped3A : memref<!tpu.dma_semaphore, #tpu.memory_space<semaphore_mem>>) src(%arg7 : memref<640x128xf32, #tpu.memory_space<hbm>>) dst(%dma_wait3A_13 : memref<640x128xf32, #tpu.memory_space<vmem_shared>>)
      tpu.yield
    }) : () -> ()
    %barrier3A = arith.constant 0 : index
    tpu.barrier barrier_id(%barrier3A)
    %scan3A = arith.constant 0 : i32
    %scan3A_3 = arith.constant 0 : i32
    %scan3A_4 = arith.constant 125 : i32
    %scan3A_5 = arith.addi %scan3A_3, %scan3A_4 : i32
    %scan3A_6 = arith.constant 1 : i32
    scf.for %scan3A_12 = %scan3A_3 to %scan3A_5 step %scan3A_6  : i32 {
      %mul3A_13 = arith.constant 10000 : i32
      %mul3A_14 = arith.muli %add3A, %mul3A_13 : i32
      %mul3A_15 = arith.constant 80 : i32
      %mul3A_16 = arith.muli %scan3A_12, %mul3A_15 : i32
      %add3A_17 = arith.addi %mul3A_14, %mul3A_16 : i32
      "tpu.region"() ({
        %run_scoped3A = tpu.sem_alloc : memref<!tpu.dma_semaphore, #tpu.memory_space<semaphore_mem>>
        %dma_start3A_28 = tpu.memref_slice %arg2[%add3A_17] : memref<320000xi32, #tpu.memory_space<hbm>> -> memref<80xi32, #tpu.memory_space<hbm>>
        %dma_start3A_29 = tpu.memref_slice %arg2[%add3A_17] : memref<320000xi32, #tpu.memory_space<hbm>> -> memref<80xi32, #tpu.memory_space<hbm>>
        tpu.enqueue_dma source(%dma_start3A_29 : memref<80xi32, #tpu.memory_space<hbm>>) target(%arg9 : memref<80xi32, #tpu.memory_space<vmem>>) target_semaphore(%run_scoped3A : memref<!tpu.dma_semaphore, #tpu.memory_space<semaphore_mem>>)
        %dma_wait3A_30 = tpu.memref_slice %arg2[%add3A_17] : memref<320000xi32, #tpu.memory_space<hbm>> -> memref<80xi32, #tpu.memory_space<hbm>>
        %dma_wait3A_31 = tpu.memref_slice %arg2[%add3A_17] : memref<320000xi32, #tpu.memory_space<hbm>> -> memref<80xi32, #tpu.memory_space<hbm>>
        tpu.wait_dma2 semaphore(%run_scoped3A : memref<!tpu.dma_semaphore, #tpu.memory_space<semaphore_mem>>) src(%dma_wait3A_31 : memref<80xi32, #tpu.memory_space<hbm>>) dst(%arg9 : memref<80xi32, #tpu.memory_space<vmem>>)
        tpu.yield
      }) : () -> ()
      "tpu.region"() ({
        %run_scoped3A = tpu.sem_alloc : memref<!tpu.dma_semaphore, #tpu.memory_space<semaphore_mem>>
        %dma_start3A_28 = tpu.memref_slice %arg3[%add3A_17] : memref<320000xi32, #tpu.memory_space<hbm>> -> memref<80xi32, #tpu.memory_space<hbm>>
        %dma_start3A_29 = tpu.memref_slice %arg3[%add3A_17] : memref<320000xi32, #tpu.memory_space<hbm>> -> memref<80xi32, #tpu.memory_space<hbm>>
        tpu.enqueue_dma source(%dma_start3A_29 : memref<80xi32, #tpu.memory_space<hbm>>) target(%arg10 : memref<80xi32, #tpu.memory_space<vmem>>) target_semaphore(%run_scoped3A : memref<!tpu.dma_semaphore, #tpu.memory_space<semaphore_mem>>)
        %dma_wait3A_30 = tpu.memref_slice %arg3[%add3A_17] : memref<320000xi32, #tpu.memory_space<hbm>> -> memref<80xi32, #tpu.memory_space<hbm>>
        %dma_wait3A_31 = tpu.memref_slice %arg3[%add3A_17] : memref<320000xi32, #tpu.memory_space<hbm>> -> memref<80xi32, #tpu.memory_space<hbm>>
        tpu.wait_dma2 semaphore(%run_scoped3A : memref<!tpu.dma_semaphore, #tpu.memory_space<semaphore_mem>>) src(%dma_wait3A_31 : memref<80xi32, #tpu.memory_space<hbm>>) dst(%arg10 : memref<80xi32, #tpu.memory_space<vmem>>)
        tpu.yield
      }) : () -> ()
      "tpu.region"() ({
        %run_scoped3A = tpu.sem_alloc : memref<!tpu.dma_semaphore, #tpu.memory_space<semaphore_mem>>
        %dma_start3A_28 = arith.constant 0 : i32
        %dma_start3A_29 = tpu.memref_slice %arg4[%add3A_17, %dma_start3A_28] : memref<320000x128xf32, #tpu.memory_space<hbm>> -> memref<80x128xf32, #tpu.memory_space<hbm>>
        %dma_start3A_30 = arith.constant 0 : i32
        %dma_start3A_31 = tpu.memref_slice %arg4[%add3A_17, %dma_start3A_30] : memref<320000x128xf32, #tpu.memory_space<hbm>> -> memref<80x128xf32, #tpu.memory_space<hbm>>
        tpu.enqueue_dma source(%dma_start3A_31 : memref<80x128xf32, #tpu.memory_space<hbm>>) target(%arg11 : memref<80x128xf32, #tpu.memory_space<vmem>>) target_semaphore(%run_scoped3A : memref<!tpu.dma_semaphore, #tpu.memory_space<semaphore_mem>>)
        %dma_wait3A_32 = arith.constant 0 : i32
        %dma_wait3A_33 = tpu.memref_slice %arg4[%add3A_17, %dma_wait3A_32] : memref<320000x128xf32, #tpu.memory_space<hbm>> -> memref<80x128xf32, #tpu.memory_space<hbm>>
        %dma_wait3A_34 = arith.constant 0 : i32
        %dma_wait3A_35 = tpu.memref_slice %arg4[%add3A_17, %dma_wait3A_34] : memref<320000x128xf32, #tpu.memory_space<hbm>> -> memref<80x128xf32, #tpu.memory_space<hbm>>
        tpu.wait_dma2 semaphore(%run_scoped3A : memref<!tpu.dma_semaphore, #tpu.memory_space<semaphore_mem>>) src(%dma_wait3A_35 : memref<80x128xf32, #tpu.memory_space<hbm>>) dst(%arg11 : memref<80x128xf32, #tpu.memory_space<vmem>>)
        tpu.yield
      }) : () -> ()
      %dma_start3A = arith.constant 0 : i32
      %dma_start3A_18 = arith.constant 0 : i32
      %dma_start3A_19 = tpu.memref_slice %arg5[%dma_start3A, %dma_start3A_18] : memref<10000x128xf32, #tpu.memory_space<hbm>> -> memref<10000x128xf32, #tpu.memory_space<hbm>>
      tpu.enqueue_indirect_dma source(%dma_start3A_19 : memref<10000x128xf32, #tpu.memory_space<hbm>>) target(%arg12 : memref<80x128xf32, #tpu.memory_space<vmem>>) offsets(%arg9 : memref<80xi32, #tpu.memory_space<vmem>>) semaphore(%arg15 : memref<!tpu.dma_semaphore, #tpu.memory_space<semaphore_mem>>)
      %dma_start3A_20 = arith.constant 0 : i32
      %dma_start3A_21 = arith.constant 0 : i32
      %dma_start3A_22 = tpu.memref_slice %arg6[%dma_start3A_20, %dma_start3A_21] : memref<10000x128xf32, #tpu.memory_space<hbm>> -> memref<10000x128xf32, #tpu.memory_space<hbm>>
      tpu.enqueue_indirect_dma source(%dma_start3A_22 : memref<10000x128xf32, #tpu.memory_space<hbm>>) target(%arg13 : memref<80x128xf32, #tpu.memory_space<vmem>>) offsets(%arg10 : memref<80xi32, #tpu.memory_space<vmem>>) semaphore(%arg16 : memref<!tpu.dma_semaphore, #tpu.memory_space<semaphore_mem>>)
      "tpu.region"() ({
        %run_scoped3A = tpu.sem_alloc : memref<!tpu.dma_semaphore, #tpu.memory_space<semaphore_mem>>
        %dma_start3A_28 = arith.constant 0 : i32
        %dma_start3A_29 = arith.constant 0 : i32
        %dma_start3A_30 = tpu.memref_slice %arg14[%dma_start3A_28, %dma_start3A_29] : memref<10240x128xf32, #tpu.memory_space<vmem_shared>> -> memref<10240x128xf32, #tpu.memory_space<vmem_shared>>
        tpu.enqueue_indirect_dma source(%arg11 : memref<80x128xf32, #tpu.memory_space<vmem>>) target(%dma_start3A_30 : memref<10240x128xf32, #tpu.memory_space<vmem_shared>>) offsets(%arg10 : memref<80xi32, #tpu.memory_space<vmem>>) semaphore(%run_scoped3A : memref<!tpu.dma_semaphore, #tpu.memory_space<semaphore_mem>>) {add = true}
        %dma_wait3A_31 = arith.constant 0 : i32
        %dma_wait3A_32 = arith.constant 0 : i32
        %dma_wait3A_33 = tpu.memref_slice %arg14[%dma_wait3A_31, %dma_wait3A_32] : memref<10240x128xf32, #tpu.memory_space<vmem_shared>> -> memref<10240x128xf32, #tpu.memory_space<vmem_shared>>
        tpu.wait_indirect_dma semaphore(%run_scoped3A : memref<!tpu.dma_semaphore, #tpu.memory_space<semaphore_mem>>) src(%arg11 : memref<80x128xf32, #tpu.memory_space<vmem>>) dst(%dma_wait3A_33 : memref<10240x128xf32, #tpu.memory_space<vmem_shared>>)
        tpu.yield
      }) : () -> ()
      %dma_wait3A = arith.constant 0 : i32
      %dma_wait3A_23 = arith.constant 0 : i32
      %dma_wait3A_24 = tpu.memref_slice %arg5[%dma_wait3A, %dma_wait3A_23] : memref<10000x128xf32, #tpu.memory_space<hbm>> -> memref<10000x128xf32, #tpu.memory_space<hbm>>
      tpu.wait_indirect_dma semaphore(%arg15 : memref<!tpu.dma_semaphore, #tpu.memory_space<semaphore_mem>>) src(%dma_wait3A_24 : memref<10000x128xf32, #tpu.memory_space<hbm>>) dst(%arg12 : memref<80x128xf32, #tpu.memory_space<vmem>>)
      "tpu.region"() ({
        %run_scoped3A = tpu.sem_alloc : memref<!tpu.dma_semaphore, #tpu.memory_space<semaphore_mem>>
        %dma_start3A_28 = arith.constant 0 : i32
        %dma_start3A_29 = arith.constant 0 : i32
        %dma_start3A_30 = tpu.memref_slice %arg14[%dma_start3A_28, %dma_start3A_29] : memref<10240x128xf32, #tpu.memory_space<vmem_shared>> -> memref<10240x128xf32, #tpu.memory_space<vmem_shared>>
        tpu.enqueue_indirect_dma source(%arg12 : memref<80x128xf32, #tpu.memory_space<vmem>>) target(%dma_start3A_30 : memref<10240x128xf32, #tpu.memory_space<vmem_shared>>) offsets(%arg10 : memref<80xi32, #tpu.memory_space<vmem>>) semaphore(%run_scoped3A : memref<!tpu.dma_semaphore, #tpu.memory_space<semaphore_mem>>) {add = true}
        %dma_wait3A_31 = arith.constant 0 : i32
        %dma_wait3A_32 = arith.constant 0 : i32
        %dma_wait3A_33 = tpu.memref_slice %arg14[%dma_wait3A_31, %dma_wait3A_32] : memref<10240x128xf32, #tpu.memory_space<vmem_shared>> -> memref<10240x128xf32, #tpu.memory_space<vmem_shared>>
        tpu.wait_indirect_dma semaphore(%run_scoped3A : memref<!tpu.dma_semaphore, #tpu.memory_space<semaphore_mem>>) src(%arg12 : memref<80x128xf32, #tpu.memory_space<vmem>>) dst(%dma_wait3A_33 : memref<10240x128xf32, #tpu.memory_space<vmem_shared>>)
        tpu.yield
      }) : () -> ()
      %dma_wait3A_25 = arith.constant 0 : i32
      %dma_wait3A_26 = arith.constant 0 : i32
      %dma_wait3A_27 = tpu.memref_slice %arg6[%dma_wait3A_25, %dma_wait3A_26] : memref<10000x128xf32, #tpu.memory_space<hbm>> -> memref<10000x128xf32, #tpu.memory_space<hbm>>
      tpu.wait_indirect_dma semaphore(%arg16 : memref<!tpu.dma_semaphore, #tpu.memory_space<semaphore_mem>>) src(%dma_wait3A_27 : memref<10000x128xf32, #tpu.memory_space<hbm>>) dst(%arg13 : memref<80x128xf32, #tpu.memory_space<vmem>>)
      "tpu.region"() ({
        %run_scoped3A = tpu.sem_alloc : memref<!tpu.dma_semaphore, #tpu.memory_space<semaphore_mem>>
        %dma_start3A_28 = arith.constant 0 : i32
        %dma_start3A_29 = arith.constant 0 : i32
        %dma_start3A_30 = tpu.memref_slice %arg14[%dma_start3A_28, %dma_start3A_29] : memref<10240x128xf32, #tpu.memory_space<vmem_shared>> -> memref<10240x128xf32, #tpu.memory_space<vmem_shared>>
        tpu.enqueue_indirect_dma source(%arg13 : memref<80x128xf32, #tpu.memory_space<vmem>>) target(%dma_start3A_30 : memref<10240x128xf32, #tpu.memory_space<vmem_shared>>) offsets(%arg10 : memref<80xi32, #tpu.memory_space<vmem>>) semaphore(%run_scoped3A : memref<!tpu.dma_semaphore, #tpu.memory_space<semaphore_mem>>) {add = true}
        %dma_wait3A_31 = arith.constant 0 : i32
        %dma_wait3A_32 = arith.constant 0 : i32
        %dma_wait3A_33 = tpu.memref_slice %arg14[%dma_wait3A_31, %dma_wait3A_32] : memref<10240x128xf32, #tpu.memory_space<vmem_shared>> -> memref<10240x128xf32, #tpu.memory_space<vmem_shared>>
        tpu.wait_indirect_dma semaphore(%run_scoped3A : memref<!tpu.dma_semaphore, #tpu.memory_space<semaphore_mem>>) src(%arg13 : memref<80x128xf32, #tpu.memory_space<vmem>>) dst(%dma_wait3A_33 : memref<10240x128xf32, #tpu.memory_space<vmem_shared>>)
        tpu.yield
      }) : () -> ()
    }
    %scan3A_7 = arith.constant 125 : i32
    %barrier3A_8 = arith.constant 0 : index
    tpu.barrier barrier_id(%barrier3A_8)
    %mul3A_9 = arith.constant 10240 : i32
    %mul3A_10 = arith.muli %arg0, %mul3A_9 : i32
    %add3A_11 = arith.addi %mul3A_10, %mul3A_2 : i32
    "tpu.region"() ({
      %run_scoped3A = tpu.sem_alloc : memref<!tpu.dma_semaphore, #tpu.memory_space<semaphore_mem>>
      %dma_start3A = arith.constant 0 : i32
      %dma_start3A_12 = tpu.memref_slice %arg8[%add3A_11, %dma_start3A] : memref<20480x128xf32, #tpu.memory_space<hbm>> -> memref<640x128xf32, #tpu.memory_space<hbm>>
      %dma_start3A_13 = arith.constant 0 : i32
      %dma_start3A_14 = tpu.memref_slice %arg14[%mul3A_2, %dma_start3A_13] : memref<10240x128xf32, #tpu.memory_space<vmem_shared>> -> memref<640x128xf32, #tpu.memory_space<vmem_shared>>
      tpu.enqueue_dma source(%dma_start3A_14 : memref<640x128xf32, #tpu.memory_space<vmem_shared>>) target(%dma_start3A_12 : memref<640x128xf32, #tpu.memory_space<hbm>>) target_semaphore(%run_scoped3A : memref<!tpu.dma_semaphore, #tpu.memory_space<semaphore_mem>>)
      %dma_wait3A = arith.constant 0 : i32
      %dma_wait3A_15 = tpu.memref_slice %arg8[%add3A_11, %dma_wait3A] : memref<20480x128xf32, #tpu.memory_space<hbm>> -> memref<640x128xf32, #tpu.memory_space<hbm>>
      %dma_wait3A_16 = arith.constant 0 : i32
      %dma_wait3A_17 = tpu.memref_slice %arg14[%mul3A_2, %dma_wait3A_16] : memref<10240x128xf32, #tpu.memory_space<vmem_shared>> -> memref<640x128xf32, #tpu.memory_space<vmem_shared>>
      tpu.wait_dma2 semaphore(%run_scoped3A : memref<!tpu.dma_semaphore, #tpu.memory_space<semaphore_mem>>) src(%dma_wait3A_17 : memref<640x128xf32, #tpu.memory_space<vmem_shared>>) dst(%dma_wait3A_15 : memref<640x128xf32, #tpu.memory_space<hbm>>)
      tpu.yield
    }) : () -> ()
    return
  }
}

module attributes {stable_mosaic.version = 14 : i64} {
  func.func @_edge_init_body(%arg0: i32, %arg1: memref<2000x16xf32, #tpu.memory_space<vmem>>, %arg2: memref<16x64xf32, #tpu.memory_space<vmem>>, %arg3: memref<1x64xf32, #tpu.memory_space<vmem>>, %arg4: memref<64x64xf32, #tpu.memory_space<vmem>>, %arg5: memref<1x64xf32, #tpu.memory_space<vmem>>, %arg6: memref<2000x128xf32, #tpu.memory_space<vmem>>) attributes {dimension_semantics = [#tpu.dimension_semantics<arbitrary>], iteration_bounds = array<i64: 160>, scalar_prefetch = 0 : i64, scratch_operands = 0 : i64, tpu.core_type = #tpu.core_type<tc>, window_params = [{transform_indices = @transform_0, window_bounds = array<i64: 2000, 16>}, {pipeline_mode = #tpu.pipeline_mode<synchronous>, transform_indices = @transform_1, window_bounds = array<i64: 16, 64>}, {pipeline_mode = #tpu.pipeline_mode<synchronous>, transform_indices = @transform_2, window_bounds = array<i64: 1, 64>}, {pipeline_mode = #tpu.pipeline_mode<synchronous>, transform_indices = @transform_3, window_bounds = array<i64: 64, 64>}, {pipeline_mode = #tpu.pipeline_mode<synchronous>, transform_indices = @transform_4, window_bounds = array<i64: 1, 64>}, {transform_indices = @transform_5, window_bounds = array<i64: 2000, 128>}]} {
    %get3A = arith.constant 0 : index
    %get3A_0 = arith.constant 0 : index
    %get3A_1 = vector.load %arg1[%get3A, %get3A_0] : memref<2000x16xf32, #tpu.memory_space<vmem>>, vector<2000x16xf32>
    %get3A_2 = arith.constant 0 : index
    %get3A_3 = arith.constant 0 : index
    %get3A_4 = vector.load %arg2[%get3A_2, %get3A_3] : memref<16x64xf32, #tpu.memory_space<vmem>>, vector<16x64xf32>
    %dot_general3A = arith.constant dense<0.000000e+00> : vector<2000x64xf32>
    %dot_general3A_5 = tpu.matmul %get3A_1, %get3A_4, %dot_general3A {dimension_numbers = #tpu.dot_dimension_numbers<[1], [0], [0], [1], [0, 0, 1, 1], [], []>, transpose_lhs_hint = false} : vector<2000x16xf32>, vector<16x64xf32>, vector<2000x64xf32> -> vector<2000x64xf32>
    %get3A_6 = arith.constant 0 : index
    %get3A_7 = arith.constant 0 : index
    %get3A_8 = vector.load %arg3[%get3A_6, %get3A_7] : memref<1x64xf32, #tpu.memory_space<vmem>>, vector<1x64xf32>
    %add3A = vector.broadcast %get3A_8 : vector<1x64xf32> to vector<2000x64xf32>
    %add3A_9 = arith.addf %dot_general3A_5, %add3A : vector<2000x64xf32>
    %get3A_10 = arith.constant 0 : index
    %get3A_11 = arith.constant 0 : index
    %get3A_12 = vector.load %arg4[%get3A_10, %get3A_11] : memref<64x64xf32, #tpu.memory_space<vmem>>, vector<64x64xf32>
    %dot_general3A_13 = arith.constant dense<0.000000e+00> : vector<2000x64xf32>
    %dot_general3A_14 = tpu.matmul %add3A_9, %get3A_12, %dot_general3A_13 {dimension_numbers = #tpu.dot_dimension_numbers<[1], [0], [0], [1], [0, 0, 1, 1], [], []>, transpose_lhs_hint = false} : vector<2000x64xf32>, vector<64x64xf32>, vector<2000x64xf32> -> vector<2000x64xf32>
    %get3A_15 = arith.constant 0 : index
    %get3A_16 = arith.constant 0 : index
    %get3A_17 = vector.load %arg5[%get3A_15, %get3A_16] : memref<1x64xf32, #tpu.memory_space<vmem>>, vector<1x64xf32>
    %add3A_18 = vector.broadcast %get3A_17 : vector<1x64xf32> to vector<2000x64xf32>
    %add3A_19 = arith.addf %dot_general3A_14, %add3A_18 : vector<2000x64xf32>
    %concatenate3A = tpu.concatenate %add3A_19, %add3A_9 in 1 : vector<2000x64xf32>, vector<2000x64xf32> -> vector<2000x128xf32>
    %swap3A = arith.constant 0 : index
    %swap3A_20 = arith.constant 0 : index
    %swap3A_21 = vector.load %arg6[%swap3A, %swap3A_20] : memref<2000x128xf32, #tpu.memory_space<vmem>>, vector<2000x128xf32>
    tpu.vector_store %arg6[%swap3A, %swap3A_20], %concatenate3A {strides = array<i32>} : memref<2000x128xf32, #tpu.memory_space<vmem>>, vector<2000x128xf32>,
    return
  }
  func.func @transform_0(%arg0: i32) -> (i32, i32) {
    %c0_i32 = arith.constant 0 : i32
    %c0_i32_0 = arith.constant 0 : i32
    return %arg0, %c0_i32 : i32, i32
  }
  func.func @transform_1(%arg0: i32) -> (i32, i32) {
    %c0_i32 = arith.constant 0 : i32
    %c0_i32_0 = arith.constant 0 : i32
    %c0_i32_1 = arith.constant 0 : i32
    return %c0_i32, %c0_i32_0 : i32, i32
  }
  func.func @transform_2(%arg0: i32) -> (i32, i32) {
    %c0_i32 = arith.constant 0 : i32
    %c0_i32_0 = arith.constant 0 : i32
    %c0_i32_1 = arith.constant 0 : i32
    return %c0_i32, %c0_i32_0 : i32, i32
  }
  func.func @transform_3(%arg0: i32) -> (i32, i32) {
    %c0_i32 = arith.constant 0 : i32
    %c0_i32_0 = arith.constant 0 : i32
    %c0_i32_1 = arith.constant 0 : i32
    return %c0_i32, %c0_i32_0 : i32, i32
  }
  func.func @transform_4(%arg0: i32) -> (i32, i32) {
    %c0_i32 = arith.constant 0 : i32
    %c0_i32_0 = arith.constant 0 : i32
    %c0_i32_1 = arith.constant 0 : i32
    return %c0_i32, %c0_i32_0 : i32, i32
  }
  func.func @transform_5(%arg0: i32) -> (i32, i32) {
    %c0_i32 = arith.constant 0 : i32
    %c0_i32_0 = arith.constant 0 : i32
    return %arg0, %c0_i32 : i32, i32
  }
}

module attributes {stable_mosaic.version = 14 : i64} {
  func.func @_node_init_body(%arg0: i32, %arg1: memref<2000x128xf32, #tpu.memory_space<vmem>>, %arg2: memref<128x64xf32, #tpu.memory_space<vmem>>, %arg3: memref<1x64xf32, #tpu.memory_space<vmem>>, %arg4: memref<64x64xf32, #tpu.memory_space<vmem>>, %arg5: memref<64x64xf32, #tpu.memory_space<vmem>>, %arg6: memref<2000x64xf32, #tpu.memory_space<vmem>>, %arg7: memref<2000x128xf32, #tpu.memory_space<vmem>>, %arg8: memref<2000x128xf32, #tpu.memory_space<vmem>>) attributes {dimension_semantics = [#tpu.dimension_semantics<arbitrary>], iteration_bounds = array<i64: 5>, scalar_prefetch = 0 : i64, scratch_operands = 0 : i64, tpu.core_type = #tpu.core_type<tc>, window_params = [{transform_indices = @transform_0, window_bounds = array<i64: 2000, 128>}, {pipeline_mode = #tpu.pipeline_mode<synchronous>, transform_indices = @transform_1, window_bounds = array<i64: 128, 64>}, {pipeline_mode = #tpu.pipeline_mode<synchronous>, transform_indices = @transform_2, window_bounds = array<i64: 1, 64>}, {pipeline_mode = #tpu.pipeline_mode<synchronous>, transform_indices = @transform_3, window_bounds = array<i64: 64, 64>}, {pipeline_mode = #tpu.pipeline_mode<synchronous>, transform_indices = @transform_4, window_bounds = array<i64: 64, 64>}, {transform_indices = @transform_5, window_bounds = array<i64: 2000, 64>}, {transform_indices = @transform_6, window_bounds = array<i64: 2000, 128>}, {transform_indices = @transform_7, window_bounds = array<i64: 2000, 128>}]} {
    %get3A = arith.constant 0 : index
    %get3A_0 = arith.constant 0 : index
    %get3A_1 = vector.load %arg1[%get3A, %get3A_0] : memref<2000x128xf32, #tpu.memory_space<vmem>>, vector<2000x128xf32>
    %get3A_2 = arith.constant 0 : index
    %get3A_3 = arith.constant 0 : index
    %get3A_4 = vector.load %arg2[%get3A_2, %get3A_3] : memref<128x64xf32, #tpu.memory_space<vmem>>, vector<128x64xf32>
    %dot_general3A = arith.constant dense<0.000000e+00> : vector<2000x64xf32>
    %dot_general3A_5 = tpu.matmul %get3A_1, %get3A_4, %dot_general3A {dimension_numbers = #tpu.dot_dimension_numbers<[1], [0], [0], [1], [0, 0, 1, 1], [], []>, transpose_lhs_hint = false} : vector<2000x128xf32>, vector<128x64xf32>, vector<2000x64xf32> -> vector<2000x64xf32>
    %get3A_6 = arith.constant 0 : index
    %get3A_7 = arith.constant 0 : index
    %get3A_8 = vector.load %arg3[%get3A_6, %get3A_7] : memref<1x64xf32, #tpu.memory_space<vmem>>, vector<1x64xf32>
    %add3A = vector.broadcast %get3A_8 : vector<1x64xf32> to vector<2000x64xf32>
    %add3A_9 = arith.addf %dot_general3A_5, %add3A : vector<2000x64xf32>
    %swap3A = arith.constant 0 : index
    %swap3A_10 = arith.constant 0 : index
    %swap3A_11 = vector.load %arg6[%swap3A, %swap3A_10] : memref<2000x64xf32, #tpu.memory_space<vmem>>, vector<2000x64xf32>
    tpu.vector_store %arg6[%swap3A, %swap3A_10], %add3A_9 {strides = array<i32>} : memref<2000x64xf32, #tpu.memory_space<vmem>>, vector<2000x64xf32>,
    %get3A_12 = arith.constant 0 : index
    %get3A_13 = arith.constant 0 : index
    %get3A_14 = vector.load %arg4[%get3A_12, %get3A_13] : memref<64x64xf32, #tpu.memory_space<vmem>>, vector<64x64xf32>
    %get3A_15 = arith.constant 0 : index
    %get3A_16 = arith.constant 0 : index
    %get3A_17 = vector.load %arg5[%get3A_15, %get3A_16] : memref<64x64xf32, #tpu.memory_space<vmem>>, vector<64x64xf32>
    %dot_general3A_18 = arith.constant dense<0.000000e+00> : vector<2000x64xf32>
    %dot_general3A_19 = tpu.matmul %add3A_9, %get3A_14, %dot_general3A_18 {dimension_numbers = #tpu.dot_dimension_numbers<[1], [0], [0], [1], [0, 0, 1, 1], [], []>, transpose_lhs_hint = false} : vector<2000x64xf32>, vector<64x64xf32>, vector<2000x64xf32> -> vector<2000x64xf32>
    %dot_general3A_20 = arith.constant dense<0.000000e+00> : vector<2000x64xf32>
    %dot_general3A_21 = tpu.matmul %add3A_9, %get3A_17, %dot_general3A_20 {dimension_numbers = #tpu.dot_dimension_numbers<[1], [0], [0], [1], [0, 0, 1, 1], [], []>, transpose_lhs_hint = false} : vector<2000x64xf32>, vector<64x64xf32>, vector<2000x64xf32> -> vector<2000x64xf32>
    %concatenate3A = tpu.concatenate %dot_general3A_21, %dot_general3A_19 in 1 : vector<2000x64xf32>, vector<2000x64xf32> -> vector<2000x128xf32>
    %concatenate3A_22 = tpu.concatenate %dot_general3A_19, %dot_general3A_21 in 1 : vector<2000x64xf32>, vector<2000x64xf32> -> vector<2000x128xf32>
    %swap3A_23 = arith.constant 0 : index
    %swap3A_24 = arith.constant 0 : index
    %swap3A_25 = vector.load %arg7[%swap3A_23, %swap3A_24] : memref<2000x128xf32, #tpu.memory_space<vmem>>, vector<2000x128xf32>
    tpu.vector_store %arg7[%swap3A_23, %swap3A_24], %concatenate3A {strides = array<i32>} : memref<2000x128xf32, #tpu.memory_space<vmem>>, vector<2000x128xf32>,
    %swap3A_26 = arith.constant 0 : index
    %swap3A_27 = arith.constant 0 : index
    %swap3A_28 = vector.load %arg8[%swap3A_26, %swap3A_27] : memref<2000x128xf32, #tpu.memory_space<vmem>>, vector<2000x128xf32>
    tpu.vector_store %arg8[%swap3A_26, %swap3A_27], %concatenate3A_22 {strides = array<i32>} : memref<2000x128xf32, #tpu.memory_space<vmem>>, vector<2000x128xf32>,
    return
  }
  func.func @transform_0(%arg0: i32) -> (i32, i32) {
    %c0_i32 = arith.constant 0 : i32
    %c0_i32_0 = arith.constant 0 : i32
    return %arg0, %c0_i32 : i32, i32
  }
  func.func @transform_1(%arg0: i32) -> (i32, i32) {
    %c0_i32 = arith.constant 0 : i32
    %c0_i32_0 = arith.constant 0 : i32
    %c0_i32_1 = arith.constant 0 : i32
    return %c0_i32, %c0_i32_0 : i32, i32
  }
  func.func @transform_2(%arg0: i32) -> (i32, i32) {
    %c0_i32 = arith.constant 0 : i32
    %c0_i32_0 = arith.constant 0 : i32
    %c0_i32_1 = arith.constant 0 : i32
    return %c0_i32, %c0_i32_0 : i32, i32
  }
  func.func @transform_3(%arg0: i32) -> (i32, i32) {
    %c0_i32 = arith.constant 0 : i32
    %c0_i32_0 = arith.constant 0 : i32
    %c0_i32_1 = arith.constant 0 : i32
    return %c0_i32, %c0_i32_0 : i32, i32
  }
  func.func @transform_4(%arg0: i32) -> (i32, i32) {
    %c0_i32 = arith.constant 0 : i32
    %c0_i32_0 = arith.constant 0 : i32
    %c0_i32_1 = arith.constant 0 : i32
    return %c0_i32, %c0_i32_0 : i32, i32
  }
  func.func @transform_5(%arg0: i32) -> (i32, i32) {
    %c0_i32 = arith.constant 0 : i32
    %c0_i32_0 = arith.constant 0 : i32
    return %arg0, %c0_i32 : i32, i32
  }
  func.func @transform_6(%arg0: i32) -> (i32, i32) {
    %c0_i32 = arith.constant 0 : i32
    %c0_i32_0 = arith.constant 0 : i32
    return %arg0, %c0_i32 : i32, i32
  }
  func.func @transform_7(%arg0: i32) -> (i32, i32) {
    %c0_i32 = arith.constant 0 : i32
    %c0_i32_0 = arith.constant 0 : i32
    return %arg0, %c0_i32 : i32, i32
  }
}

module attributes {stable_mosaic.version = 14 : i64} {
  func.func @_edge_mid_body(%arg0: i32, %arg1: memref<2000x128xf32, #tpu.memory_space<vmem>>, %arg2: memref<1x64xf32, #tpu.memory_space<vmem>>, %arg3: memref<1x64xf32, #tpu.memory_space<vmem>>, %arg4: memref<64x64xf32, #tpu.memory_space<vmem>>, %arg5: memref<1x64xf32, #tpu.memory_space<vmem>>, %arg6: memref<2000x128xf32, #tpu.memory_space<vmem>>) attributes {dimension_semantics = [#tpu.dimension_semantics<arbitrary>], iteration_bounds = array<i64: 160>, scalar_prefetch = 0 : i64, scratch_operands = 0 : i64, tpu.core_type = #tpu.core_type<tc>, window_params = [{transform_indices = @transform_0, window_bounds = array<i64: 2000, 128>}, {pipeline_mode = #tpu.pipeline_mode<synchronous>, transform_indices = @transform_1, window_bounds = array<i64: 1, 64>}, {pipeline_mode = #tpu.pipeline_mode<synchronous>, transform_indices = @transform_2, window_bounds = array<i64: 1, 64>}, {pipeline_mode = #tpu.pipeline_mode<synchronous>, transform_indices = @transform_3, window_bounds = array<i64: 64, 64>}, {pipeline_mode = #tpu.pipeline_mode<synchronous>, transform_indices = @transform_4, window_bounds = array<i64: 1, 64>}, {transform_indices = @transform_5, window_bounds = array<i64: 2000, 128>}]} {
    %get3A = arith.constant 0 : index
    %get3A_0 = arith.constant 0 : index
    %get3A_1 = vector.load %arg1[%get3A, %get3A_0] : memref<2000x128xf32, #tpu.memory_space<vmem>>, vector<2000x128xf32>
    %slice3A = vector.extract_strided_slice %get3A_1 {offsets = [0, 0], sizes = [2000, 64], strides = [1, 1]} : vector<2000x128xf32> to vector<2000x64xf32>
    %get3A_2 = arith.constant 0 : index
    %get3A_3 = arith.constant 0 : index
    %get3A_4 = vector.load %arg2[%get3A_2, %get3A_3] : memref<1x64xf32, #tpu.memory_space<vmem>>, vector<1x64xf32>
    %get3A_5 = arith.constant 0 : index
    %get3A_6 = arith.constant 0 : index
    %get3A_7 = vector.load %arg3[%get3A_5, %get3A_6] : memref<1x64xf32, #tpu.memory_space<vmem>>, vector<1x64xf32>
    %reduce_sum3A = arith.constant dense<0.000000e+00> : vector<2000xf32>
    %reduce_sum3A_8 = vector.multi_reduction <add>, %slice3A, %reduce_sum3A [1] : vector<2000x64xf32> to vector<2000xf32>
    %broadcast_in_dim3A = vector.shape_cast %reduce_sum3A_8 : vector<2000xf32> to vector<2000x1xf32>
    %div3A = arith.constant 6.400000e+01 : f32
    %div3A_9 = vector.broadcast %div3A : f32 to vector<2000x1xf32>
    %div3A_10 = arith.divf %broadcast_in_dim3A, %div3A_9 : vector<2000x1xf32>
    %sub3A = vector.broadcast %div3A_10 : vector<2000x1xf32> to vector<2000x64xf32>
    %sub3A_11 = arith.subf %slice3A, %sub3A : vector<2000x64xf32>
    %mul3A = arith.mulf %sub3A_11, %sub3A_11 : vector<2000x64xf32>
    %reduce_sum3A_12 = arith.constant dense<0.000000e+00> : vector<2000xf32>
    %reduce_sum3A_13 = vector.multi_reduction <add>, %mul3A, %reduce_sum3A_12 [1] : vector<2000x64xf32> to vector<2000xf32>
    %broadcast_in_dim3A_14 = vector.shape_cast %reduce_sum3A_13 : vector<2000xf32> to vector<2000x1xf32>
    %div3A_15 = arith.constant 6.400000e+01 : f32
    %div3A_16 = vector.broadcast %div3A_15 : f32 to vector<2000x1xf32>
    %div3A_17 = arith.divf %broadcast_in_dim3A_14, %div3A_16 : vector<2000x1xf32>
    %add3A = arith.constant 9.99999974E-6 : f32
    %add3A_18 = vector.broadcast %add3A : f32 to vector<2000x1xf32>
    %add3A_19 = arith.addf %div3A_17, %add3A_18 : vector<2000x1xf32>
    %rsqrt3A = math.rsqrt %add3A_19 : vector<2000x1xf32>
    %mul3A_20 = vector.broadcast %rsqrt3A : vector<2000x1xf32> to vector<2000x64xf32>
    %mul3A_21 = arith.mulf %sub3A_11, %mul3A_20 : vector<2000x64xf32>
    %mul3A_22 = vector.broadcast %get3A_4 : vector<1x64xf32> to vector<2000x64xf32>
    %mul3A_23 = arith.mulf %mul3A_21, %mul3A_22 : vector<2000x64xf32>
    %add3A_24 = vector.broadcast %get3A_7 : vector<1x64xf32> to vector<2000x64xf32>
    %add3A_25 = arith.addf %mul3A_23, %add3A_24 : vector<2000x64xf32>
    %gt3A = arith.constant 0.000000e+00 : f32
    %gt3A_26 = vector.broadcast %gt3A : f32 to vector<2000x64xf32>
    %gt3A_27 = arith.cmpf ogt, %add3A_25, %gt3A_26 : vector<2000x64xf32>
    %min3A = arith.constant 0.000000e+00 : f32
    %min3A_28 = vector.broadcast %min3A : f32 to vector<2000x64xf32>
    %min3A_29 = arith.minimumf %add3A_25, %min3A_28 : vector<2000x64xf32>
    %exp3A = math.exp %min3A_29 : vector<2000x64xf32>
    %sub3A_30 = arith.constant 1.000000e+00 : f32
    %sub3A_31 = vector.broadcast %sub3A_30 : f32 to vector<2000x64xf32>
    %sub3A_32 = arith.subf %exp3A, %sub3A_31 : vector<2000x64xf32>
    %select_n3A = arith.select %gt3A_27, %add3A_25, %sub3A_32 : vector<2000x64xi1>, vector<2000x64xf32>
    %get3A_33 = arith.constant 0 : index
    %get3A_34 = arith.constant 0 : index
    %get3A_35 = vector.load %arg4[%get3A_33, %get3A_34] : memref<64x64xf32, #tpu.memory_space<vmem>>, vector<64x64xf32>
    %dot_general3A = arith.constant dense<0.000000e+00> : vector<2000x64xf32>
    %dot_general3A_36 = tpu.matmul %select_n3A, %get3A_35, %dot_general3A {dimension_numbers = #tpu.dot_dimension_numbers<[1], [0], [0], [1], [0, 0, 1, 1], [], []>, transpose_lhs_hint = false} : vector<2000x64xf32>, vector<64x64xf32>, vector<2000x64xf32> -> vector<2000x64xf32>
    %get3A_37 = arith.constant 0 : index
    %get3A_38 = arith.constant 0 : index
    %get3A_39 = vector.load %arg5[%get3A_37, %get3A_38] : memref<1x64xf32, #tpu.memory_space<vmem>>, vector<1x64xf32>
    %add3A_40 = vector.broadcast %get3A_39 : vector<1x64xf32> to vector<2000x64xf32>
    %add3A_41 = arith.addf %dot_general3A_36, %add3A_40 : vector<2000x64xf32>
    %concatenate3A = tpu.concatenate %add3A_41, %select_n3A in 1 : vector<2000x64xf32>, vector<2000x64xf32> -> vector<2000x128xf32>
    %swap3A = arith.constant 0 : index
    %swap3A_42 = arith.constant 0 : index
    %swap3A_43 = vector.load %arg6[%swap3A, %swap3A_42] : memref<2000x128xf32, #tpu.memory_space<vmem>>, vector<2000x128xf32>
    tpu.vector_store %arg6[%swap3A, %swap3A_42], %concatenate3A {strides = array<i32>} : memref<2000x128xf32, #tpu.memory_space<vmem>>, vector<2000x128xf32>,
    return
  }
  func.func @transform_0(%arg0: i32) -> (i32, i32) {
    %c0_i32 = arith.constant 0 : i32
    %c0_i32_0 = arith.constant 0 : i32
    return %arg0, %c0_i32 : i32, i32
  }
  func.func @transform_1(%arg0: i32) -> (i32, i32) {
    %c0_i32 = arith.constant 0 : i32
    %c0_i32_0 = arith.constant 0 : i32
    %c0_i32_1 = arith.constant 0 : i32
    return %c0_i32, %c0_i32_0 : i32, i32
  }
  func.func @transform_2(%arg0: i32) -> (i32, i32) {
    %c0_i32 = arith.constant 0 : i32
    %c0_i32_0 = arith.constant 0 : i32
    %c0_i32_1 = arith.constant 0 : i32
    return %c0_i32, %c0_i32_0 : i32, i32
  }
  func.func @transform_3(%arg0: i32) -> (i32, i32) {
    %c0_i32 = arith.constant 0 : i32
    %c0_i32_0 = arith.constant 0 : i32
    %c0_i32_1 = arith.constant 0 : i32
    return %c0_i32, %c0_i32_0 : i32, i32
  }
  func.func @transform_4(%arg0: i32) -> (i32, i32) {
    %c0_i32 = arith.constant 0 : i32
    %c0_i32_0 = arith.constant 0 : i32
    %c0_i32_1 = arith.constant 0 : i32
    return %c0_i32, %c0_i32_0 : i32, i32
  }
  func.func @transform_5(%arg0: i32) -> (i32, i32) {
    %c0_i32 = arith.constant 0 : i32
    %c0_i32_0 = arith.constant 0 : i32
    return %arg0, %c0_i32 : i32, i32
  }
}

module attributes {stable_mosaic.version = 14 : i64} {
  func.func @_node_mid_body(%arg0: i32, %arg1: memref<2000x128xf32, #tpu.memory_space<vmem>>, %arg2: memref<2000x128xf32, #tpu.memory_space<vmem>>, %arg3: memref<2000x64xf32, #tpu.memory_space<vmem>>, %arg4: memref<64x64xf32, #tpu.memory_space<vmem>>, %arg5: memref<64x64xf32, #tpu.memory_space<vmem>>, %arg6: memref<1x64xf32, #tpu.memory_space<vmem>>, %arg7: memref<1x64xf32, #tpu.memory_space<vmem>>, %arg8: memref<1x64xf32, #tpu.memory_space<vmem>>, %arg9: memref<64x64xf32, #tpu.memory_space<vmem>>, %arg10: memref<64x64xf32, #tpu.memory_space<vmem>>, %arg11: memref<2000x64xf32, #tpu.memory_space<vmem>>, %arg12: memref<2000x128xf32, #tpu.memory_space<vmem>>, %arg13: memref<2000x128xf32, #tpu.memory_space<vmem>>) attributes {dimension_semantics = [#tpu.dimension_semantics<arbitrary>], iteration_bounds = array<i64: 5>, scalar_prefetch = 0 : i64, scratch_operands = 0 : i64, tpu.core_type = #tpu.core_type<tc>, window_params = [{transform_indices = @transform_0, window_bounds = array<i64: 2000, 128>}, {transform_indices = @transform_1, window_bounds = array<i64: 2000, 128>}, {transform_indices = @transform_2, window_bounds = array<i64: 2000, 64>}, {pipeline_mode = #tpu.pipeline_mode<synchronous>, transform_indices = @transform_3, window_bounds = array<i64: 64, 64>}, {pipeline_mode = #tpu.pipeline_mode<synchronous>, transform_indices = @transform_4, window_bounds = array<i64: 64, 64>}, {pipeline_mode = #tpu.pipeline_mode<synchronous>, transform_indices = @transform_5, window_bounds = array<i64: 1, 64>}, {pipeline_mode = #tpu.pipeline_mode<synchronous>, transform_indices = @transform_6, window_bounds = array<i64: 1, 64>}, {pipeline_mode = #tpu.pipeline_mode<synchronous>, transform_indices = @transform_7, window_bounds = array<i64: 1, 64>}, {pipeline_mode = #tpu.pipeline_mode<synchronous>, transform_indices = @transform_8, window_bounds = array<i64: 64, 64>}, {pipeline_mode = #tpu.pipeline_mode<synchronous>, transform_indices = @transform_9, window_bounds = array<i64: 64, 64>}, {transform_indices = @transform_10, window_bounds = array<i64: 2000, 64>}, {transform_indices = @transform_11, window_bounds = array<i64: 2000, 128>}, {transform_indices = @transform_12, window_bounds = array<i64: 2000, 128>}]} {
    %get3A = arith.constant 0 : index
    %get3A_0 = arith.constant 0 : index
    %get3A_1 = vector.load %arg1[%get3A, %get3A_0] : memref<2000x128xf32, #tpu.memory_space<vmem>>, vector<2000x128xf32>
    %slice3A = vector.extract_strided_slice %get3A_1 {offsets = [0, 0], sizes = [2000, 64], strides = [1, 1]} : vector<2000x128xf32> to vector<2000x64xf32>
    %get3A_2 = arith.constant 0 : index
    %get3A_3 = arith.constant 0 : index
    %get3A_4 = vector.load %arg2[%get3A_2, %get3A_3] : memref<2000x128xf32, #tpu.memory_space<vmem>>, vector<2000x128xf32>
    %slice3A_5 = vector.extract_strided_slice %get3A_4 {offsets = [0, 0], sizes = [2000, 64], strides = [1, 1]} : vector<2000x128xf32> to vector<2000x64xf32>
    %add3A = arith.addf %slice3A, %slice3A_5 : vector<2000x64xf32>
    %get3A_6 = arith.constant 0 : index
    %get3A_7 = arith.constant 0 : index
    %get3A_8 = vector.load %arg3[%get3A_6, %get3A_7] : memref<2000x64xf32, #tpu.memory_space<vmem>>, vector<2000x64xf32>
    %get3A_9 = arith.constant 0 : index
    %get3A_10 = arith.constant 0 : index
    %get3A_11 = vector.load %arg4[%get3A_9, %get3A_10] : memref<64x64xf32, #tpu.memory_space<vmem>>, vector<64x64xf32>
    %dot_general3A = arith.constant dense<0.000000e+00> : vector<2000x64xf32>
    %dot_general3A_12 = tpu.matmul %add3A, %get3A_11, %dot_general3A {dimension_numbers = #tpu.dot_dimension_numbers<[1], [0], [0], [1], [0, 0, 1, 1], [], []>, transpose_lhs_hint = false} : vector<2000x64xf32>, vector<64x64xf32>, vector<2000x64xf32> -> vector<2000x64xf32>
    %get3A_13 = arith.constant 0 : index
    %get3A_14 = arith.constant 0 : index
    %get3A_15 = vector.load %arg5[%get3A_13, %get3A_14] : memref<64x64xf32, #tpu.memory_space<vmem>>, vector<64x64xf32>
    %dot_general3A_16 = arith.constant dense<0.000000e+00> : vector<2000x64xf32>
    %dot_general3A_17 = tpu.matmul %get3A_8, %get3A_15, %dot_general3A_16 {dimension_numbers = #tpu.dot_dimension_numbers<[1], [0], [0], [1], [0, 0, 1, 1], [], []>, transpose_lhs_hint = false} : vector<2000x64xf32>, vector<64x64xf32>, vector<2000x64xf32> -> vector<2000x64xf32>
    %add3A_18 = arith.addf %dot_general3A_12, %dot_general3A_17 : vector<2000x64xf32>
    %get3A_19 = arith.constant 0 : index
    %get3A_20 = arith.constant 0 : index
    %get3A_21 = vector.load %arg6[%get3A_19, %get3A_20] : memref<1x64xf32, #tpu.memory_space<vmem>>, vector<1x64xf32>
    %add3A_22 = vector.broadcast %get3A_21 : vector<1x64xf32> to vector<2000x64xf32>
    %add3A_23 = arith.addf %add3A_18, %add3A_22 : vector<2000x64xf32>
    %add3A_24 = arith.addf %add3A_23, %get3A_8 : vector<2000x64xf32>
    %get3A_25 = arith.constant 0 : index
    %get3A_26 = arith.constant 0 : index
    %get3A_27 = vector.load %arg7[%get3A_25, %get3A_26] : memref<1x64xf32, #tpu.memory_space<vmem>>, vector<1x64xf32>
    %get3A_28 = arith.constant 0 : index
    %get3A_29 = arith.constant 0 : index
    %get3A_30 = vector.load %arg8[%get3A_28, %get3A_29] : memref<1x64xf32, #tpu.memory_space<vmem>>, vector<1x64xf32>
    %reduce_sum3A = arith.constant dense<0.000000e+00> : vector<2000xf32>
    %reduce_sum3A_31 = vector.multi_reduction <add>, %add3A_24, %reduce_sum3A [1] : vector<2000x64xf32> to vector<2000xf32>
    %broadcast_in_dim3A = vector.shape_cast %reduce_sum3A_31 : vector<2000xf32> to vector<2000x1xf32>
    %div3A = arith.constant 6.400000e+01 : f32
    %div3A_32 = vector.broadcast %div3A : f32 to vector<2000x1xf32>
    %div3A_33 = arith.divf %broadcast_in_dim3A, %div3A_32 : vector<2000x1xf32>
    %sub3A = vector.broadcast %div3A_33 : vector<2000x1xf32> to vector<2000x64xf32>
    %sub3A_34 = arith.subf %add3A_24, %sub3A : vector<2000x64xf32>
    %mul3A = arith.mulf %sub3A_34, %sub3A_34 : vector<2000x64xf32>
    %reduce_sum3A_35 = arith.constant dense<0.000000e+00> : vector<2000xf32>
    %reduce_sum3A_36 = vector.multi_reduction <add>, %mul3A, %reduce_sum3A_35 [1] : vector<2000x64xf32> to vector<2000xf32>
    %broadcast_in_dim3A_37 = vector.shape_cast %reduce_sum3A_36 : vector<2000xf32> to vector<2000x1xf32>
    %div3A_38 = arith.constant 6.400000e+01 : f32
    %div3A_39 = vector.broadcast %div3A_38 : f32 to vector<2000x1xf32>
    %div3A_40 = arith.divf %broadcast_in_dim3A_37, %div3A_39 : vector<2000x1xf32>
    %add3A_41 = arith.constant 9.99999974E-6 : f32
    %add3A_42 = vector.broadcast %add3A_41 : f32 to vector<2000x1xf32>
    %add3A_43 = arith.addf %div3A_40, %add3A_42 : vector<2000x1xf32>
    %rsqrt3A = math.rsqrt %add3A_43 : vector<2000x1xf32>
    %mul3A_44 = vector.broadcast %rsqrt3A : vector<2000x1xf32> to vector<2000x64xf32>
    %mul3A_45 = arith.mulf %sub3A_34, %mul3A_44 : vector<2000x64xf32>
    %mul3A_46 = vector.broadcast %get3A_27 : vector<1x64xf32> to vector<2000x64xf32>
    %mul3A_47 = arith.mulf %mul3A_45, %mul3A_46 : vector<2000x64xf32>
    %add3A_48 = vector.broadcast %get3A_30 : vector<1x64xf32> to vector<2000x64xf32>
    %add3A_49 = arith.addf %mul3A_47, %add3A_48 : vector<2000x64xf32>
    %gt3A = arith.constant 0.000000e+00 : f32
    %gt3A_50 = vector.broadcast %gt3A : f32 to vector<2000x64xf32>
    %gt3A_51 = arith.cmpf ogt, %add3A_49, %gt3A_50 : vector<2000x64xf32>
    %min3A = arith.constant 0.000000e+00 : f32
    %min3A_52 = vector.broadcast %min3A : f32 to vector<2000x64xf32>
    %min3A_53 = arith.minimumf %add3A_49, %min3A_52 : vector<2000x64xf32>
    %exp3A = math.exp %min3A_53 : vector<2000x64xf32>
    %sub3A_54 = arith.constant 1.000000e+00 : f32
    %sub3A_55 = vector.broadcast %sub3A_54 : f32 to vector<2000x64xf32>
    %sub3A_56 = arith.subf %exp3A, %sub3A_55 : vector<2000x64xf32>
    %select_n3A = arith.select %gt3A_51, %add3A_49, %sub3A_56 : vector<2000x64xi1>, vector<2000x64xf32>
    %swap3A = arith.constant 0 : index
    %swap3A_57 = arith.constant 0 : index
    %swap3A_58 = vector.load %arg11[%swap3A, %swap3A_57] : memref<2000x64xf32, #tpu.memory_space<vmem>>, vector<2000x64xf32>
    tpu.vector_store %arg11[%swap3A, %swap3A_57], %select_n3A {strides = array<i32>} : memref<2000x64xf32, #tpu.memory_space<vmem>>, vector<2000x64xf32>,
    %get3A_59 = arith.constant 0 : index
    %get3A_60 = arith.constant 0 : index
    %get3A_61 = vector.load %arg9[%get3A_59, %get3A_60] : memref<64x64xf32, #tpu.memory_space<vmem>>, vector<64x64xf32>
    %get3A_62 = arith.constant 0 : index
    %get3A_63 = arith.constant 0 : index
    %get3A_64 = vector.load %arg10[%get3A_62, %get3A_63] : memref<64x64xf32, #tpu.memory_space<vmem>>, vector<64x64xf32>
    %dot_general3A_65 = arith.constant dense<0.000000e+00> : vector<2000x64xf32>
    %dot_general3A_66 = tpu.matmul %select_n3A, %get3A_61, %dot_general3A_65 {dimension_numbers = #tpu.dot_dimension_numbers<[1], [0], [0], [1], [0, 0, 1, 1], [], []>, transpose_lhs_hint = false} : vector<2000x64xf32>, vector<64x64xf32>, vector<2000x64xf32> -> vector<2000x64xf32>
    %dot_general3A_67 = arith.constant dense<0.000000e+00> : vector<2000x64xf32>
    %dot_general3A_68 = tpu.matmul %select_n3A, %get3A_64, %dot_general3A_67 {dimension_numbers = #tpu.dot_dimension_numbers<[1], [0], [0], [1], [0, 0, 1, 1], [], []>, transpose_lhs_hint = false} : vector<2000x64xf32>, vector<64x64xf32>, vector<2000x64xf32> -> vector<2000x64xf32>
    %concatenate3A = tpu.concatenate %dot_general3A_68, %dot_general3A_66 in 1 : vector<2000x64xf32>, vector<2000x64xf32> -> vector<2000x128xf32>
    %concatenate3A_69 = tpu.concatenate %dot_general3A_66, %dot_general3A_68 in 1 : vector<2000x64xf32>, vector<2000x64xf32> -> vector<2000x128xf32>
    %swap3A_70 = arith.constant 0 : index
    %swap3A_71 = arith.constant 0 : index
    %swap3A_72 = vector.load %arg12[%swap3A_70, %swap3A_71] : memref<2000x128xf32, #tpu.memory_space<vmem>>, vector<2000x128xf32>
    tpu.vector_store %arg12[%swap3A_70, %swap3A_71], %concatenate3A {strides = array<i32>} : memref<2000x128xf32, #tpu.memory_space<vmem>>, vector<2000x128xf32>,
    %swap3A_73 = arith.constant 0 : index
    %swap3A_74 = arith.constant 0 : index
    %swap3A_75 = vector.load %arg13[%swap3A_73, %swap3A_74] : memref<2000x128xf32, #tpu.memory_space<vmem>>, vector<2000x128xf32>
    tpu.vector_store %arg13[%swap3A_73, %swap3A_74], %concatenate3A_69 {strides = array<i32>} : memref<2000x128xf32, #tpu.memory_space<vmem>>, vector<2000x128xf32>,
    return
  }
  func.func @transform_0(%arg0: i32) -> (i32, i32) {
    %c0_i32 = arith.constant 0 : i32
    %c0_i32_0 = arith.constant 0 : i32
    return %arg0, %c0_i32 : i32, i32
  }
  func.func @transform_1(%arg0: i32) -> (i32, i32) {
    %c0_i32 = arith.constant 0 : i32
    %c0_i32_0 = arith.constant 0 : i32
    return %arg0, %c0_i32 : i32, i32
  }
  func.func @transform_2(%arg0: i32) -> (i32, i32) {
    %c0_i32 = arith.constant 0 : i32
    %c0_i32_0 = arith.constant 0 : i32
    return %arg0, %c0_i32 : i32, i32
  }
  func.func @transform_3(%arg0: i32) -> (i32, i32) {
    %c0_i32 = arith.constant 0 : i32
    %c0_i32_0 = arith.constant 0 : i32
    %c0_i32_1 = arith.constant 0 : i32
    return %c0_i32, %c0_i32_0 : i32, i32
  }
  func.func @transform_4(%arg0: i32) -> (i32, i32) {
    %c0_i32 = arith.constant 0 : i32
    %c0_i32_0 = arith.constant 0 : i32
    %c0_i32_1 = arith.constant 0 : i32
    return %c0_i32, %c0_i32_0 : i32, i32
  }
  func.func @transform_5(%arg0: i32) -> (i32, i32) {
    %c0_i32 = arith.constant 0 : i32
    %c0_i32_0 = arith.constant 0 : i32
    %c0_i32_1 = arith.constant 0 : i32
    return %c0_i32, %c0_i32_0 : i32, i32
  }
  func.func @transform_6(%arg0: i32) -> (i32, i32) {
    %c0_i32 = arith.constant 0 : i32
    %c0_i32_0 = arith.constant 0 : i32
    %c0_i32_1 = arith.constant 0 : i32
    return %c0_i32, %c0_i32_0 : i32, i32
  }
  func.func @transform_7(%arg0: i32) -> (i32, i32) {
    %c0_i32 = arith.constant 0 : i32
    %c0_i32_0 = arith.constant 0 : i32
    %c0_i32_1 = arith.constant 0 : i32
    return %c0_i32, %c0_i32_0 : i32, i32
  }
  func.func @transform_8(%arg0: i32) -> (i32, i32) {
    %c0_i32 = arith.constant 0 : i32
    %c0_i32_0 = arith.constant 0 : i32
    %c0_i32_1 = arith.constant 0 : i32
    return %c0_i32, %c0_i32_0 : i32, i32
  }
  func.func @transform_9(%arg0: i32) -> (i32, i32) {
    %c0_i32 = arith.constant 0 : i32
    %c0_i32_0 = arith.constant 0 : i32
    %c0_i32_1 = arith.constant 0 : i32
    return %c0_i32, %c0_i32_0 : i32, i32
  }
  func.func @transform_10(%arg0: i32) -> (i32, i32) {
    %c0_i32 = arith.constant 0 : i32
    %c0_i32_0 = arith.constant 0 : i32
    return %arg0, %c0_i32 : i32, i32
  }
  func.func @transform_11(%arg0: i32) -> (i32, i32) {
    %c0_i32 = arith.constant 0 : i32
    %c0_i32_0 = arith.constant 0 : i32
    return %arg0, %c0_i32 : i32, i32
  }
  func.func @transform_12(%arg0: i32) -> (i32, i32) {
    %c0_i32 = arith.constant 0 : i32
    %c0_i32_0 = arith.constant 0 : i32
    return %arg0, %c0_i32 : i32, i32
  }
}

module attributes {stable_mosaic.version = 14 : i64} {
  func.func @_node_last_body(%arg0: i32, %arg1: memref<2000x128xf32, #tpu.memory_space<vmem>>, %arg2: memref<2000x128xf32, #tpu.memory_space<vmem>>, %arg3: memref<2000x64xf32, #tpu.memory_space<vmem>>, %arg4: memref<64x64xf32, #tpu.memory_space<vmem>>, %arg5: memref<64x64xf32, #tpu.memory_space<vmem>>, %arg6: memref<1x64xf32, #tpu.memory_space<vmem>>, %arg7: memref<1x64xf32, #tpu.memory_space<vmem>>, %arg8: memref<1x64xf32, #tpu.memory_space<vmem>>, %arg9: memref<2000x64xf32, #tpu.memory_space<vmem>>) attributes {dimension_semantics = [#tpu.dimension_semantics<arbitrary>], iteration_bounds = array<i64: 5>, scalar_prefetch = 0 : i64, scratch_operands = 0 : i64, tpu.core_type = #tpu.core_type<tc>, window_params = [{transform_indices = @transform_0, window_bounds = array<i64: 2000, 128>}, {transform_indices = @transform_1, window_bounds = array<i64: 2000, 128>}, {transform_indices = @transform_2, window_bounds = array<i64: 2000, 64>}, {pipeline_mode = #tpu.pipeline_mode<synchronous>, transform_indices = @transform_3, window_bounds = array<i64: 64, 64>}, {pipeline_mode = #tpu.pipeline_mode<synchronous>, transform_indices = @transform_4, window_bounds = array<i64: 64, 64>}, {pipeline_mode = #tpu.pipeline_mode<synchronous>, transform_indices = @transform_5, window_bounds = array<i64: 1, 64>}, {pipeline_mode = #tpu.pipeline_mode<synchronous>, transform_indices = @transform_6, window_bounds = array<i64: 1, 64>}, {pipeline_mode = #tpu.pipeline_mode<synchronous>, transform_indices = @transform_7, window_bounds = array<i64: 1, 64>}, {transform_indices = @transform_8, window_bounds = array<i64: 2000, 64>}]} {
    %get3A = arith.constant 0 : index
    %get3A_0 = arith.constant 0 : index
    %get3A_1 = vector.load %arg1[%get3A, %get3A_0] : memref<2000x128xf32, #tpu.memory_space<vmem>>, vector<2000x128xf32>
    %slice3A = vector.extract_strided_slice %get3A_1 {offsets = [0, 0], sizes = [2000, 64], strides = [1, 1]} : vector<2000x128xf32> to vector<2000x64xf32>
    %get3A_2 = arith.constant 0 : index
    %get3A_3 = arith.constant 0 : index
    %get3A_4 = vector.load %arg2[%get3A_2, %get3A_3] : memref<2000x128xf32, #tpu.memory_space<vmem>>, vector<2000x128xf32>
    %slice3A_5 = vector.extract_strided_slice %get3A_4 {offsets = [0, 0], sizes = [2000, 64], strides = [1, 1]} : vector<2000x128xf32> to vector<2000x64xf32>
    %add3A = arith.addf %slice3A, %slice3A_5 : vector<2000x64xf32>
    %get3A_6 = arith.constant 0 : index
    %get3A_7 = arith.constant 0 : index
    %get3A_8 = vector.load %arg3[%get3A_6, %get3A_7] : memref<2000x64xf32, #tpu.memory_space<vmem>>, vector<2000x64xf32>
    %get3A_9 = arith.constant 0 : index
    %get3A_10 = arith.constant 0 : index
    %get3A_11 = vector.load %arg4[%get3A_9, %get3A_10] : memref<64x64xf32, #tpu.memory_space<vmem>>, vector<64x64xf32>
    %dot_general3A = arith.constant dense<0.000000e+00> : vector<2000x64xf32>
    %dot_general3A_12 = tpu.matmul %add3A, %get3A_11, %dot_general3A {dimension_numbers = #tpu.dot_dimension_numbers<[1], [0], [0], [1], [0, 0, 1, 1], [], []>, transpose_lhs_hint = false} : vector<2000x64xf32>, vector<64x64xf32>, vector<2000x64xf32> -> vector<2000x64xf32>
    %get3A_13 = arith.constant 0 : index
    %get3A_14 = arith.constant 0 : index
    %get3A_15 = vector.load %arg5[%get3A_13, %get3A_14] : memref<64x64xf32, #tpu.memory_space<vmem>>, vector<64x64xf32>
    %dot_general3A_16 = arith.constant dense<0.000000e+00> : vector<2000x64xf32>
    %dot_general3A_17 = tpu.matmul %get3A_8, %get3A_15, %dot_general3A_16 {dimension_numbers = #tpu.dot_dimension_numbers<[1], [0], [0], [1], [0, 0, 1, 1], [], []>, transpose_lhs_hint = false} : vector<2000x64xf32>, vector<64x64xf32>, vector<2000x64xf32> -> vector<2000x64xf32>
    %add3A_18 = arith.addf %dot_general3A_12, %dot_general3A_17 : vector<2000x64xf32>
    %get3A_19 = arith.constant 0 : index
    %get3A_20 = arith.constant 0 : index
    %get3A_21 = vector.load %arg6[%get3A_19, %get3A_20] : memref<1x64xf32, #tpu.memory_space<vmem>>, vector<1x64xf32>
    %add3A_22 = vector.broadcast %get3A_21 : vector<1x64xf32> to vector<2000x64xf32>
    %add3A_23 = arith.addf %add3A_18, %add3A_22 : vector<2000x64xf32>
    %add3A_24 = arith.addf %add3A_23, %get3A_8 : vector<2000x64xf32>
    %get3A_25 = arith.constant 0 : index
    %get3A_26 = arith.constant 0 : index
    %get3A_27 = vector.load %arg7[%get3A_25, %get3A_26] : memref<1x64xf32, #tpu.memory_space<vmem>>, vector<1x64xf32>
    %get3A_28 = arith.constant 0 : index
    %get3A_29 = arith.constant 0 : index
    %get3A_30 = vector.load %arg8[%get3A_28, %get3A_29] : memref<1x64xf32, #tpu.memory_space<vmem>>, vector<1x64xf32>
    %reduce_sum3A = arith.constant dense<0.000000e+00> : vector<2000xf32>
    %reduce_sum3A_31 = vector.multi_reduction <add>, %add3A_24, %reduce_sum3A [1] : vector<2000x64xf32> to vector<2000xf32>
    %broadcast_in_dim3A = vector.shape_cast %reduce_sum3A_31 : vector<2000xf32> to vector<2000x1xf32>
    %div3A = arith.constant 6.400000e+01 : f32
    %div3A_32 = vector.broadcast %div3A : f32 to vector<2000x1xf32>
    %div3A_33 = arith.divf %broadcast_in_dim3A, %div3A_32 : vector<2000x1xf32>
    %sub3A = vector.broadcast %div3A_33 : vector<2000x1xf32> to vector<2000x64xf32>
    %sub3A_34 = arith.subf %add3A_24, %sub3A : vector<2000x64xf32>
    %mul3A = arith.mulf %sub3A_34, %sub3A_34 : vector<2000x64xf32>
    %reduce_sum3A_35 = arith.constant dense<0.000000e+00> : vector<2000xf32>
    %reduce_sum3A_36 = vector.multi_reduction <add>, %mul3A, %reduce_sum3A_35 [1] : vector<2000x64xf32> to vector<2000xf32>
    %broadcast_in_dim3A_37 = vector.shape_cast %reduce_sum3A_36 : vector<2000xf32> to vector<2000x1xf32>
    %div3A_38 = arith.constant 6.400000e+01 : f32
    %div3A_39 = vector.broadcast %div3A_38 : f32 to vector<2000x1xf32>
    %div3A_40 = arith.divf %broadcast_in_dim3A_37, %div3A_39 : vector<2000x1xf32>
    %add3A_41 = arith.constant 9.99999974E-6 : f32
    %add3A_42 = vector.broadcast %add3A_41 : f32 to vector<2000x1xf32>
    %add3A_43 = arith.addf %div3A_40, %add3A_42 : vector<2000x1xf32>
    %rsqrt3A = math.rsqrt %add3A_43 : vector<2000x1xf32>
    %mul3A_44 = vector.broadcast %rsqrt3A : vector<2000x1xf32> to vector<2000x64xf32>
    %mul3A_45 = arith.mulf %sub3A_34, %mul3A_44 : vector<2000x64xf32>
    %mul3A_46 = vector.broadcast %get3A_27 : vector<1x64xf32> to vector<2000x64xf32>
    %mul3A_47 = arith.mulf %mul3A_45, %mul3A_46 : vector<2000x64xf32>
    %add3A_48 = vector.broadcast %get3A_30 : vector<1x64xf32> to vector<2000x64xf32>
    %add3A_49 = arith.addf %mul3A_47, %add3A_48 : vector<2000x64xf32>
    %gt3A = arith.constant 0.000000e+00 : f32
    %gt3A_50 = vector.broadcast %gt3A : f32 to vector<2000x64xf32>
    %gt3A_51 = arith.cmpf ogt, %add3A_49, %gt3A_50 : vector<2000x64xf32>
    %min3A = arith.constant 0.000000e+00 : f32
    %min3A_52 = vector.broadcast %min3A : f32 to vector<2000x64xf32>
    %min3A_53 = arith.minimumf %add3A_49, %min3A_52 : vector<2000x64xf32>
    %exp3A = math.exp %min3A_53 : vector<2000x64xf32>
    %sub3A_54 = arith.constant 1.000000e+00 : f32
    %sub3A_55 = vector.broadcast %sub3A_54 : f32 to vector<2000x64xf32>
    %sub3A_56 = arith.subf %exp3A, %sub3A_55 : vector<2000x64xf32>
    %select_n3A = arith.select %gt3A_51, %add3A_49, %sub3A_56 : vector<2000x64xi1>, vector<2000x64xf32>
    %swap3A = arith.constant 0 : index
    %swap3A_57 = arith.constant 0 : index
    %swap3A_58 = vector.load %arg9[%swap3A, %swap3A_57] : memref<2000x64xf32, #tpu.memory_space<vmem>>, vector<2000x64xf32>
    tpu.vector_store %arg9[%swap3A, %swap3A_57], %select_n3A {strides = array<i32>} : memref<2000x64xf32, #tpu.memory_space<vmem>>, vector<2000x64xf32>,
    return
  }
  func.func @transform_0(%arg0: i32) -> (i32, i32) {
    %c0_i32 = arith.constant 0 : i32
    %c0_i32_0 = arith.constant 0 : i32
    return %arg0, %c0_i32 : i32, i32
  }
  func.func @transform_1(%arg0: i32) -> (i32, i32) {
    %c0_i32 = arith.constant 0 : i32
    %c0_i32_0 = arith.constant 0 : i32
    return %arg0, %c0_i32 : i32, i32
  }
  func.func @transform_2(%arg0: i32) -> (i32, i32) {
    %c0_i32 = arith.constant 0 : i32
    %c0_i32_0 = arith.constant 0 : i32
    return %arg0, %c0_i32 : i32, i32
  }
  func.func @transform_3(%arg0: i32) -> (i32, i32) {
    %c0_i32 = arith.constant 0 : i32
    %c0_i32_0 = arith.constant 0 : i32
    %c0_i32_1 = arith.constant 0 : i32
    return %c0_i32, %c0_i32_0 : i32, i32
  }
  func.func @transform_4(%arg0: i32) -> (i32, i32) {
    %c0_i32 = arith.constant 0 : i32
    %c0_i32_0 = arith.constant 0 : i32
    %c0_i32_1 = arith.constant 0 : i32
    return %c0_i32, %c0_i32_0 : i32, i32
  }
  func.func @transform_5(%arg0: i32) -> (i32, i32) {
    %c0_i32 = arith.constant 0 : i32
    %c0_i32_0 = arith.constant 0 : i32
    %c0_i32_1 = arith.constant 0 : i32
    return %c0_i32, %c0_i32_0 : i32, i32
  }
  func.func @transform_6(%arg0: i32) -> (i32, i32) {
    %c0_i32 = arith.constant 0 : i32
    %c0_i32_0 = arith.constant 0 : i32
    %c0_i32_1 = arith.constant 0 : i32
    return %c0_i32, %c0_i32_0 : i32, i32
  }
  func.func @transform_7(%arg0: i32) -> (i32, i32) {
    %c0_i32 = arith.constant 0 : i32
    %c0_i32_0 = arith.constant 0 : i32
    %c0_i32_1 = arith.constant 0 : i32
    return %c0_i32, %c0_i32_0 : i32, i32
  }
  func.func @transform_8(%arg0: i32) -> (i32, i32) {
    %c0_i32 = arith.constant 0 : i32
    %c0_i32_0 = arith.constant 0 : i32
    return %arg0, %c0_i32 : i32, i32
  }
}

</mosaic_0001>

<sc_bundles>
// kernel: kernel.18.cloned.1.call-start
scs
__scs_entry_jumppad:
0x0: {  	(pc) =	sbr.rel $0x88, $3  }
0x1: {  	(tag) =	ssettag $0x0;
	lr =	simm.s32 $0x1  }
0x2: {  	[smem:$0x3F92] =	sst lr;
	_ =	strace $0xD0000000  }
0x3: {  	_ = 	snop  }
0x4: {  	_ = 	snop  }
0x5: {  	_ = 	snop  }
0x6: {  	_ = 	snop  }
0x7: {  	_ = 	snop  }
__scs_overlays_trampoline_lowered:
0x8: {  	[smem:$0x3FA1] =	sst s0  }
0x9: {  	[smem:$0x3FA2] =	sst s1  }
0xa: {  	[smem:$0x3FA3] =	sst s2  }
0xb: {  	[smem:$0x3FA4] =	sst s3  }
0xc: {  	[smem:$0x3FA5] =	sst s4  }
0xd: {  	[smem:$0x3FA6] =	sst s5  }
0xe: {  	[smem:$0x3FA7] =	sst s6  }
0xf: {  	[smem:$0x3FA8] =	sst s7  }
0x10: {  	[smem:$0x3FA9] =	sst s8  }
0x11: {  	[smem:$0x3FAA] =	sst s9;
	s0 =	simm.s32 @!p0 $0x0  }
0x12: {  	s1 =	sld [smem:$0x3F90];
	s0 =	simm.s32 @p0 $0x1  }
0x13: {  	[smem:$0x3FAB] =	sst s0;
	s0 =	simm.s32 @!p1 $0x0  }
0x14: {  	s2 =	sld [smem:$0x3F8F];
	s0 =	simm.s32 @p1 $0x1  }
0x15: {  	[smem:$0x3FAC] =	sst s0;
	s0 =	simm.s32 @!p2 $0x0  }
0x16: {  	s3 =	sld [smem:$0x3FDB];
	s0 =	simm.s32 @p2 $0x1  }
0x17: {  	s4 =	simm.s32 $0x1BF5;
	[smem:$0x3FAE] =	sst s0  }
0x18: {  	s0 =	sld [smem:$0x3F91];
	_ =	swait.ge [sflag:s4], $0x0  }
0x19: {  	s7 =	sld [smem:$0x3F92]  }
0x1a: {  	s8 =	sadd.s32 $0xFFFFE003, lr  }
0x1b: {  	s9 =	sadd.s32 $0xFFFFFEF7, lr;
	s5 =	simm.s32 $0xFFFFFFFF;
	p2 =	slt.u32 s8, $0xFFFFF086  }
0x1c: {  	p1 =	slt.u32 s9, $0xF7A;
	s5 =	simm.s32 @!p2 $0x0  }
0x1d: {  	s5 =	simm.s32 @p1 $0x1;
	p0 =	seq.s32 s7, s2  }
0x1e: {  	s7 =	smul.u32 @!p0 $0xF7A, s2;
	p2 =	seq.s32 @!p0 s5, $0x0  }
0x1f: {  	s9 =	smul.u32 $0xF7A, s1;
	s8 =	simm.s32 @!p0 $0x1BF5;
	p2 =	por !p2, p0  }
0x20: {  	[sflag:s8] =	ssyncset.s32 @!p0 $0xFFFFF086;
	s6 =	sadd.s32 @!p0 s3, s7;
	s7 =	simm.s32 @!p0 $0x108  }
0x21: {  	s3 =	sadd.s32 s3, s9;
	s6 =	sadd.s32 @!p0 $0x88, s6;
	s7 =	simm.s32 @p2 $0x1082  }
0x22: {  	[simem:s7], [sflag:s8] =	dma.local @!p0 [hbm:s6], $0xF7A  }
0x23: {  	s9 =	sor.u32 $0xD0000000, s2;
	s6 =	simm.s32 $0x108;
	_ =	swait.ge @!p0 [sflag:s8], $0x0  }
0x24: {  	s3 =	sadd.s32 $0x88, s3;
	s6 =	simm.s32 @!p1 $0x1082;
	[sflag:s4] =	ssyncset.s32 $0xFFFFF086  }
0x25: {  	[simem:s6], [sflag:s4] =	dma.local [hbm:s3], $0xF7A  }
0x26: {  	[smem:$0x3F92] =	sst s1;
	(tag) =	ssettag s2;
	_ =	strace s9  }
0x27: {  	s1 =	sld [smem:$0x3FA2]  }
0x28: {  	s2 =	sld [smem:$0x3FA3]  }
0x29: {  	s4 =	sld [smem:$0x3FA5]  }
0x2a: {  	p0 =	seq.s32 s5, $0x0;
	s5 =	sld [smem:$0x3FA6]  }
0x2b: {  	s6 =	sld [smem:$0x3FA7]  }
0x2c: {  	s7 =	sld [smem:$0x3FA8]  }
0x2d: {  	s3 =	simm.s32 $0x108;
	s8 =	sld [smem:$0x3FA9]  }
0x2e: {  	s3 =	simm.s32 @!p0 $0x1082;
	s9 =	sld [smem:$0x3FAA]  }
0x2f: {  	lr =	sadd.s32 s0, s3;
	s0 =	sld [smem:$0x3FA1]  }
0x30: {  	s3 =	sld [smem:$0x3FA4]  }
0x31: {  	[smem:$0x3FAD] =	sst s10  }
0x32: {  	s10 =	sld [smem:$0x3FAB];
	_ =	sdelay $0x3  }
0x33: {  	p0 =	seq.s32 s10, $0x1;
	s10 =	sld [smem:$0x3FAD];
	_ =	sdelay $0x3  }
0x34: {  	[smem:$0x3FAD] =	sst s10  }
0x35: {  	s10 =	sld [smem:$0x3FAC];
	_ =	sdelay $0x3  }
0x36: {  	p1 =	seq.s32 s10, $0x1;
	s10 =	sld [smem:$0x3FAD];
	_ =	sdelay $0x3  }
0x37: {  	[smem:$0x3FAD] =	sst s10  }
0x38: {  	s10 =	sld [smem:$0x3FAE]  }
0x39: {  	_ = 	snop;
	(pc) =	sbr.ind lr, $3  }
0x3a: {  	_ = 	snop  }
0x3b: {  	_ = 	snop  }
0x3c: {  	p2 =	seq.s32 s10, $0x1;
	s10 =	sld [smem:$0x3FAD]  }
0x3d: {  	_ =	shalt  }
0x3e: {  	_ =	shalt  }
0x3f: {  	_ =	shalt  }
0x40: {  	_ =	shalt  }
0x41: {  	_ =	shalt  }
0x42: {  	_ =	shalt  }
0x43: {  	_ =	shalt  }
0x44: {  	_ =	shalt  }
0x45: {  	_ =	shalt  }
0x46: {  	_ =	shalt  }
0x47: {  	_ =	shalt  }
0x48: {  	_ =	shalt  }
0x49: {  	_ =	shalt  }
0x4a: {  	_ =	shalt  }
0x4b: {  	_ =	shalt  }
0x4c: {  	_ =	shalt  }
0x4d: {  	_ =	shalt  }
0x4e: {  	_ =	shalt  }
0x4f: {  	_ =	shalt  }
0x50: {  	_ =	shalt  }
0x51: {  	_ =	shalt  }
0x52: {  	_ =	shalt  }
0x53: {  	_ =	shalt  }
0x54: {  	_ =	shalt  }
0x55: {  	_ =	shalt  }
0x56: {  	_ =	shalt  }
0x57: {  	_ =	shalt  }
0x58: {  	_ =	shalt  }
0x59: {  	_ =	shalt  }
0x5a: {  	_ =	shalt  }
0x5b: {  	_ =	shalt  }
0x5c: {  	_ =	shalt  }
0x5d: {  	_ =	shalt  }
0x5e: {  	_ =	shalt  }
0x5f: {  	_ =	shalt  }
0x60: {  	_ =	shalt  }
0x61: {  	_ =	shalt  }
0x62: {  	_ =	shalt  }
0x63: {  	_ =	shalt  }
0x64: {  	_ =	shalt  }
0x65: {  	_ =	shalt  }
0x66: {  	_ =	shalt  }
0x67: {  	_ =	shalt  }
0x68: {  	_ =	shalt  }
0x69: {  	_ =	shalt  }
0x6a: {  	_ =	shalt  }
0x6b: {  	_ =	shalt  }
0x6c: {  	_ =	shalt  }
0x6d: {  	_ =	shalt  }
0x6e: {  	_ =	shalt  }
0x6f: {  	_ =	shalt  }
0x70: {  	_ =	shalt  }
0x71: {  	_ =	shalt  }
0x72: {  	_ =	shalt  }
0x73: {  	_ =	shalt  }
0x74: {  	_ =	shalt  }
0x75: {  	_ =	shalt  }
0x76: {  	_ =	shalt  }
0x77: {  	_ =	shalt  }
0x78: {  	_ =	shalt  }
0x79: {  	_ =	shalt  }
0x7a: {  	_ =	shalt  }
0x7b: {  	_ =	shalt  }
0x7c: {  	_ =	shalt  }
0x7d: {  	_ =	shalt  }
0x7e: {  	_ =	shalt  }
0x7f: {  	_ =	shalt  }
0x80: {  	_ =	shalt  }
0x81: {  	_ =	shalt  }
0x82: {  	_ =	shalt  }
0x83: {  	_ =	shalt  }
0x84: {  	_ =	shalt  }
0x85: {  	_ =	shalt  }
0x86: {  	_ =	shalt  }
0x87: {  	_ =	shalt  }
.Lfunc_end0:
.L_simem_size_0:
called_computation_lowered:
.L_overlay_start_0:
0x88: {  	s2 =	sld [smem:$0x3FD9]  }
0x89: {  	s3 =	sld [smem:$0x3FFE];
	_ =	sdelay $0x1  }
0x8a: {  	s1 =	srdreg.scid  }
0x8b: {  	s0 =	sand.u32 $0x1, s1  }
0x8c: {  	s17 =	sshll.u32 s0, $0xA;
	s2 =	sadd.s32 s3, s2  }
0x8d: {  	s2 =	sadd.s32 s2, s17  }
0x8e: {  	[smem:$0x3FB9] =	sst s2  }
0x8f: {  	_ = 	snop  }
0x90: {  	s2 =	sld [smem:$0x3FD0];
	(tm) =	ssettm $0x1  }
0x91: {  	s18 =	sld [smem:$0x3FFB];
	_ =	sdelay $0x3  }
0x92: {  	_ =	strace s18  }
0x93: {  	s3 =	sld [smem:$0x3FFC];
	_ =	sdelay $0x3  }
0x94: {  	_ =	strace s3  }
0x95: {  	s3 =	sld [smem:$0x3FFD];
	_ =	sdelay $0x3  }
0x96: {  	_ =	strace s3  }
0x97: {  	_ =	strace $0x8FFFFFFF  }
0x98: {  	s19 =	sld [smem:$0x3FDB];
	_ =	sdelay $0x1  }
0x99: {  	s4 =	simm.s32 $_scs_section_size  }
0x9a: {  	s5 =	simm.s32 $_size__tile_overlayer_lowered;
	s6 =	simm.s32 $_tile_overlayer_lowered  }
0x9b: {  	s22 =	simm.s32 $0x1BFF;
	s21 =	sshll.u32 s6, $0x1;
	s3 =	sadd.s32 s4, s19  }
0x9c: {  	s7 =	simm.s32 $0x0;
	s20 =	sshll.u32 s5, $0x1;
	s5 =	sadd.s32 s21, s3  }
0x9d: {  	[timem:s7], [sflag:s22] =	dma.local [hbm:s5], s20  }
0x9e: {  	_ =	swait.ge [sflag:s22], s20  }
0x9f: {  	s4 =	ssub.s32 $0x0, s20;
	[sflag:s22] =	ssyncset.done $0x0  }
0xa0: {  	[sflag:s22] =	ssyncadd.s32 s4;
	_ =	sdelay $0x1  }
0xa1: {  	s23 =	simm.s32 $0x1B8B  }
0xa2: {  	_ =	swait.ge [sflag:s23], $0x1  }
0xa3: {  	[sflag:s23] =	ssyncset.done $0x0  }
0xa4: {  	s25 =	simm.s32 $0x1B8E;
	s24 =	sld [smem:$0x3FFE];
	[sflag:s23] =	ssyncadd.s32 $0xFFFFFFFF  }
0xa5: {  	s26 =	simm.s32 $execute0_lowered;
	[smem:$0x3FD2] =	sst s25  }
0xa6: {  	s5 =	sshll.u32 s26, $0x1;
	_ =	strace $0x80000046;
	[dreg:$0x1] =	wrdreg $0xFFFFFFFF  }
0xa7: {  	s28 =	simm.s32 $_size_execute0_lowered;
	s3 =	sadd.s32 s3, s5;
	[dreg:$0x0] =	wrdreg $0x0  }
0xa8: {  	s5 =	sshll.u32 s28, $0x1;
	[dreg:$0x2] =	wrdreg s3  }
0xa9: {  	[dreg:$0x3] =	wrdreg s5  }
0xaa: {  	[dreg:$0x4] =	wrdreg $0xC0  }
0xab: {  	_ =	task [dreg:s7], $0x5FFFF  }
0xac: {  	[dreg:$0x1] =	wrdreg $0xFFFFFFFF  }
0xad: {  	[dreg:$0x0] =	wrdreg $0x60  }
0xae: {  	[dreg:$0x2] =	wrdreg s24  }
0xaf: {  	[dreg:$0x3] =	wrdreg s2  }
0xb0: {  	[dreg:$0x4] =	wrdreg $0x79000  }
0xb1: {  	[dreg:$0x5] =	wrdreg $0x9  }
0xb2: {  	_ =	task.clear_ibuf [dreg:s7], $0x6FFFF;
	_ =	strace $0x90000046  }
0xb3: {  	s29 =	simm.s32 $0x9;
	_ =	strace $0x80000048  }
0xb4: {  	_ =	swait.ge [sflag:s29], $0x1  }
0xb5: {  	[sflag:s29] =	ssyncadd.s32 $0xFFFFFFFF  }
0xb6: {  	_ =	strace $0x90000048  }
0xb7: {  	_ =	sfence  }
0xb8: {  	s30 =	sld [smem:$0x0];
	_ =	sdelay $0x2  }
0xb9: {  	s31 =	sshll.u32 s1, $0xD;
	s1 =	sshrl.u32 s1, $0x2  }
0xba: {  	s3 =	sand.u32 $0x4000, s31;
	s1 =	sadd.s32 s1, s30  }
0xbb: {  	s0 =	sor.u32 s3, s0;
	s1 =	sshll.u32 s1, $0x11  }
0xbc: {  	s0 =	sor.u32 s1, s0  }
0xbd: {  	s0 =	sadd.s32 $0x8F2B, s0  }
0xbe: {  	[sflag:s0] =	ssyncadd.remote.s32 $0x1  }
0xbf: {  	_ =	sfence.sel $0xFFFF  }
0xc0: {  	[dreg:$0x0] =	wrdreg $0xFFFFFFFF;
	(pc) =	sbr.abs _section_cstart, $3  }
0xc1: {  	[dreg:$0x1] =	wrdreg $0xFFFFFFFF  }
0xc2: {  	_ =	task.clear_ibuf [dreg:s7], $0x2FFFF;
	_ =	strace $0x9FFFFFFF  }
0xc3: {  	(tm) =	ssettm $0x7FFFFFFF  }
tec
execute0_lowered:
.L_overlay_start_1:
0x0: {  	(tag) =	ssettag $0x1  }
0x1: {  	s10 =	rddreg [dreg:$0x0]  }
0x2: {  	s1 =	rddreg [dreg:$0x1]  }
0x3: {  	s2 =	rddreg [dreg:$0x2]  }
0x4: {  	s0 =	rddreg [dreg:$0x3]  }
0x5: {  	s4 =	simm.s32 $0x0;
	s5 =	srdreg.scid;
	s3 =	stileid.u32  }
0x6: {  	s17 =	simm.s32 $0x80;
	s18 =	simm.s32 $0x100;
	s19 =	simm.s32 $0x50  }
0x7: {  	s20 =	simm.s32 $0x2900;
	s21 =	simm.s32 $0x5100;
	s22 =	simm.s32 $0x1  }
0x8: {  	s23 =	simm.s32 $0x2;
	s24 =	simm.s32 $0x0;
	[smem:$0x7FF] =	sst s4  }
0x9: {  	s11 =	sand.u32 $0x1, s5;
	s12 =	smul.u32 $0x2800, s3;
	s5 =	sadd.s32 $0x572400, s10  }
0xa: {  	s6 =	sadd.s32 $0x4F2000, s10;
	s7 =	sadd.s32 $0x4FCE00, s10;
	s8 =	sadd.s32 $0x524000, s10  }
0xb: {  	s9 =	sadd.s32 $0x10000, s10;
	s15 =	smul.u32 $0x50000, s3;
	s31 =	sshll.u32 s3, $0x6  }
0xc: {  	s13 =	smul.u32 $0x28000, s11;
	s26 =	ssub.s32 $0x2, s11;
	s11 =	sshll.u32 s11, $0x4  }
0xd: {  	_ =	strace $0x80000047;
	s28 =	sshrl.u32 s26, $0x1;
	s29 =	sor.u32 s3, s11  }
0xe: {  	s30 =	sshrl.u32 s15, $0x2;
	s11 =	sor.u32 $0x1C03, s31;
	s12 =	sadd.s32 s12, s13  }
0xf: {  	s16 =	ssub.s32 s26, s28;
	s15 =	sadd.s32 s30, s2;
	s14 =	sadd.s32 s12, s10  }
0x10: {  	s10 =	sadd.s32 $0xA54400, s10;
	s12 =	smul.u32 $0x2710, s29;
	s15 =	sshrl.u32 s15, $0x3  }
0x11: {  	s13 =	sadd.s32 $0x12800, s14;
	s14 =	smax.u32 s16, $0x1;
	s16 =	simm.s32 $0x3  }
.LBB2_1:
0x12: {  	[spmem:s15], [sflag:s11] =	dma.local [hbm:s9], $0x2800  }
0x13: {  	_ =	swait.ge [sflag:s16], $0x2800  }
0x14: {  	[sflag:s16] =	ssyncset.done $0x0  }
0x15: {  	[sflag:s16] =	ssyncadd.s32 $0xFFFFD800  }
0x16: {  	s25 =	simm.s32 $0x0;
	[bflag:$0x0] =	sbarrier.arrive $0xFFFF  }
.LBB2_2:
0x17: {  	s26 =	smul.u32 $0x50, s25;
	_ =	sdelay $0x1  }
0x18: {  	s26 =	sadd.s32 s12, s26  }
0x19: {  	s28 =	sshrl.u32 s26, $0x3  }
0x1a: {  	s30 =	simm.s32 $0x0;
	s29 =	sadd.s32 s6, s28  }
0x1b: {  	[tilespmem:s30], [sflag:$0x3] =	stream.linear.gather [hbm4b:s29+s30], $0x50, $0x38;
	[tilespmem:$0x1B900] =	vst v63  }
0x1c: {  	_ =	swait.ge [sflag:s16], $0x50  }
0x1d: {  	[sflag:s16] =	ssyncset.done $0x0  }
0x1e: {  	s28 =	sadd.s32 s1, s28;
	[sflag:s16] =	ssyncadd.s32 $0xFFFFFFB0  }
0x1f: {  	[tilespmem:s17], [sflag:$0x3] =	stream.linear.gather [hbm4b:s28+s30], $0x50, $0x38;
	[tilespmem:$0x1B900] =	vst v63  }
0x20: {  	_ =	swait.ge [sflag:s16], $0x50  }
0x21: {  	s26 =	sshll.u32 s26, $0x4;
	[sflag:s16] =	ssyncset.done $0x0  }
0x22: {  	s28 =	sadd.s32 s5, s26;
	[sflag:s16] =	ssyncadd.s32 $0xFFFFFFB0  }
0x23: {  	[tilespmem:s18], [sflag:$0x3] =	stream.linear.gather [hbm4b:s28+s30], $0x2800, $0x38;
	[tilespmem:$0x1B900] =	vst v63  }
0x24: {  	_ =	swait.ge [sflag:s16], $0x2800  }
0x25: {  	[sflag:s16] =	ssyncset.done $0x0  }
0x26: {  	[sflag:s16] =	ssyncadd.s32 $0xFFFFD800  }
0x27: {  	[tilespmem:s20], [sflag:$0x1] =	stream.indirect.gather [hbm4b:s7+s19], $0x80, s30, s19, $0xb8;
	[tilespmem:$0x1B900] =	vst v63  }
0x28: {  	_ = 	snop  }
0x29: {  	[tilespmem:s21], [sflag:$0x2] =	stream.indirect.gather [hbm4b:s8+s19], $0x80, s17, s19, $0xb8;
	[tilespmem:$0x1B900] =	vst v63  }
0x2a: {  	_ = 	snop  }
0x2b: {  	[spmem:s2] =	stream.indirect.scatter.add.f32 [tilespmem:s18], [sflag:$0x3], $0x80, s17, s19, $0xb8;
	[tilespmem:$0x1B900] =	vst v63  }
0x2c: {  	_ =	swait.ge [sflag:s16], $0x2800  }
0x2d: {  	[sflag:s16] =	ssyncset.done $0x0  }
0x2e: {  	[sflag:s16] =	ssyncadd.s32 $0xFFFFD800  }
0x2f: {  	_ =	swait.ge [sflag:s22], $0x2800  }
0x30: {  	[sflag:s22] =	ssyncset.done $0x0  }
0x31: {  	[sflag:s22] =	ssyncadd.s32 $0xFFFFD800  }
0x32: {  	[spmem:s2] =	stream.indirect.scatter.add.f32 [tilespmem:s20], [sflag:$0x3], $0x80, s17, s19, $0xb8;
	[tilespmem:$0x1B900] =	vst v63  }
0x33: {  	_ =	swait.ge [sflag:s16], $0x2800  }
0x34: {  	[sflag:s16] =	ssyncset.done $0x0  }
0x35: {  	[sflag:s16] =	ssyncadd.s32 $0xFFFFD800  }
0x36: {  	_ =	swait.ge [sflag:s23], $0x2800  }
0x37: {  	[sflag:s23] =	ssyncset.done $0x0  }
0x38: {  	[sflag:s23] =	ssyncadd.s32 $0xFFFFD800  }
0x39: {  	[spmem:s2] =	stream.indirect.scatter.add.f32 [tilespmem:s21], [sflag:$0x3], $0x80, s17, s19, $0xb8;
	[tilespmem:$0x1B900] =	vst v63  }
0x3a: {  	_ =	swait.ge [sflag:s16], $0x2800  }
0x3b: {  	[sflag:s16] =	ssyncset.done $0x0  }
0x3c: {  	s28 =	simm.s32 $0x0;
	[sflag:s16] =	ssyncadd.s32 $0xFFFFD800  }
0x3d: {  	v2 =	vld [tilespmem:s28+$0x5140]  }
0x3e: {  	v0 =	vld [tilespmem:s28+$0x5150]  }
0x3f: {  	v3 =	vld [tilespmem:s28+$0x2940]  }
0x40: {  	v1 =	vld [tilespmem:s28+$0x2950]  }
0x41: {  	v6 =	vld [tilespmem:s28+$0x140]  }
0x42: {  	v7 =	vld [tilespmem:s28+$0x150]  }
0x43: {  	v5 =	vld [tilespmem:s28+$0x160]  }
0x44: {  	v4 =	vld [tilespmem:s28+$0x170]  }
0x45: {  	v10 =	vld [tilespmem:s28+$0x100]  }
0x46: {  	v9 =	vld [tilespmem:s28+$0x110]  }
0x47: {  	s29 =	simm.s32 $0x200;
	v8 =	vld [tilespmem:s28+$0x120]  }
.LBB2_3:
0x48: {  	p0 =	sne.s32 s29, $0x9E00;
	v11 =	vld [tilespmem:s28+$0x130]  }
0x49: {  	v12 =	vld [tilespmem:s28+$0x2960]  }
0x4a: {  	v6 =	vadd.f32 v6, v10;
	v10 =	vld [tilespmem:s28+$0x2970]  }
0x4b: {  	v7 =	vadd.f32 v7, v9;
	v9 =	vld [tilespmem:s28+$0x5160]  }
0x4c: {  	s30 =	sshra.s32 s29, $0x2;
	v3 =	vadd.f32 v3, v6;
	v5 =	vadd.f32 v5, v8;
	v8 =	vld [tilespmem:s28+$0x5170]  }
0x4d: {  	v13 =	vld [tilespmem:s30+$0x5140];
	v1 =	vadd.f32 v1, v7;
	v4 =	vadd.f32 v4, v11  }
0x4e: {  	v11 =	vld [tilespmem:s30+$0x5150];
	v2 =	vadd.f32 v2, v3;
	v5 =	vadd.f32 v12, v5  }
0x4f: {  	v3 =	vld [tilespmem:s30+$0x2940];
	v0 =	vadd.f32 v0, v1;
	v4 =	vadd.f32 v10, v4  }
0x50: {  	v1 =	vld [tilespmem:s30+$0x2950];
	[tilespmem:s28+$0x100] =	vst v2;
	v5 =	vadd.f32 v9, v5  }
0x51: {  	v6 =	vld [tilespmem:s30+$0x140];
	[tilespmem:s28+$0x110] =	vst v0;
	v4 =	vadd.f32 v8, v4  }
0x52: {  	v7 =	vld [tilespmem:s30+$0x150];
	[tilespmem:s28+$0x120] =	vst v5;
	v2 =	vmov v13  }
.Ltmp0:
0x53: {  	v5 =	vld [tilespmem:s30+$0x160];
	[tilespmem:s28+$0x130] =	vst v4;
	v0 =	vmov v11;
	s28 =	smov.u32 s30;
	(pc) =	sbr.rel @p0 .LBB2_3-.Ltmp0, $4  }
0x54: {  	v4 =	vld [tilespmem:s28+$0x170]  }
0x55: {  	v10 =	vld [tilespmem:s28+$0x100]  }
0x56: {  	v9 =	vld [tilespmem:s28+$0x110]  }
0x57: {  	s29 =	sadd.s32 $0x200, s29;
	v8 =	vld [tilespmem:s28+$0x120]  }
0x58: {  	v11 =	vld [tilespmem:s28+$0x130]  }
0x59: {  	v12 =	vld [tilespmem:s28+$0x2960]  }
0x5a: {  	v57 =	vld [tilespmem:s28+$0x2970];
	v6 =	vadd.f32 v6, v10  }
0x5b: {  	v58 =	vld [tilespmem:s28+$0x5160];
	v7 =	vadd.f32 v7, v9  }
0x5c: {  	v59 =	vld [tilespmem:s28+$0x5170];
	v3 =	vadd.f32 v3, v6;
	v5 =	vadd.f32 v5, v8  }
0x5d: {  	v1 =	vadd.f32 v1, v7;
	v4 =	vadd.f32 v4, v11  }
0x5e: {  	v2 =	vadd.f32 v2, v3;
	v60 =	vadd.f32 v12, v5  }
0x5f: {  	v0 =	vadd.f32 v0, v1;
	v61 =	vadd.f32 v57, v4  }
0x60: {  	[tilespmem:s28+$0x100] =	vst v2;
	v62 =	vadd.f32 v58, v60  }
0x61: {  	s25 =	sadd.s32 $0x1, s25;
	[tilespmem:s28+$0x110] =	vst v0;
	v63 =	vadd.f32 v59, v61  }
0x62: {  	p0 =	sne.s32 s25, $0x7D;
	[tilespmem:s28+$0x120] =	vst v62  }
.Ltmp1:
0x63: {  	s26 =	sadd.s32 s10, s26;
	[tilespmem:s28+$0x130] =	vst v63;
	(pc) =	sbr.rel @p0 .LBB2_2-.Ltmp1, $4  }
0x64: {  	[hbm4b:s26+s4] =	stream.linear.scatter [tilespmem:s18], [sflag:$0x3], $0x2800, $0x38;
	[tilespmem:$0x1B900] =	vst v63  }
0x65: {  	_ =	swait.ge [sflag:s16], $0x2800  }
0x66: {  	[sflag:s16] =	ssyncset.done $0x0  }
0x67: {  	[sflag:s16] =	ssyncadd.s32 $0xFFFFD800  }
0x68: {  	s24 =	sadd.s32 $0x1, s24  }
0x69: {  	p0 =	sne.s32 s24, s14  }
.Ltmp2:
0x6a: {  	[bflag:$0x0] =	sbarrier.arrive $0xFFFF;
	(pc) =	sbr.rel @p0 .LBB2_1-.Ltmp2, $4  }
0x6b: {  	[hbm:s13], [sflag:s11] =	dma.local [spmem:s15], $0x2800  }
0x6c: {  	_ =	swait.ge [sflag:s16], $0x2800  }
0x6d: {  	[sflag:s16] =	ssyncset.done $0x0  }
0x6e: {  	[sflag:s16] =	ssyncadd.s32 $0xFFFFD800  }
0x6f: {  	_ =	sfence.sel $0x180000  }
0x70: {  	[bflag:$0x0] =	sbarrier.arrive $0xFFFF  }
0x71: {  	p0 =	sne.s32 s3, $0x0;
	_ =	strace $0x90000047  }
0x72: {  	s0 =	sadd.s32 @!p0 $0x100000, s0;
	[bflag:$0x2] =	sbarrier.arrive $0xFFFF  }
0x73: {  	[sflag:s0] =	ssyncadd.tile.s32 @!p0 $0x1;
	_ =	shalt  }
.Lfunc_end2:
_tile_overlayer_lowered:
.L_overlay_start_2:
0x74: {  	(tag) =	ssettag $0x2  }
0x75: {  	s0 =	rddreg [dreg:$0x0];
	s2 =	stileid.u32  }
0x76: {  	s1 =	rddreg [dreg:$0x1];
	p0 =	sne.s32 s2, $0x0  }
0x77: {  	s3 =	rddreg [dreg:$0x2];
	[bflag:$0x3] =	sbarrier.arrive $0xFFFF;
	s2 =	simm.s32 @!p0 $0x1C03  }
0x78: {  	[timem:s3], [sflag:s2] =	dma.local @!p0 [hbm:s0], s1  }
0x79: {  	s0 =	simm.s32 @!p0 $0x3  }
0x7a: {  	_ =	swait.ge @!p0 [sflag:s0], s1  }
0x7b: {  	s1 =	ssub.s32 @!p0 $0x0, s1;
	[sflag:s0] =	ssyncset.done @!p0 $0x0  }
0x7c: {  	[sflag:s0] =	ssyncadd.s32 @!p0 s1  }
0x7d: {  	[bflag:$0x3] =	sbarrier.arrive $0xFFFF  }
0x7e: {  	_ =	shalt  }

// kernel: kernel.21.cloned.1.call-start
scs
__scs_entry_jumppad:
0x0: {  	(pc) =	sbr.rel $0x88, $3  }
0x1: {  	(tag) =	ssettag $0x0;
	lr =	simm.s32 $0x1  }
0x2: {  	[smem:$0x3F92] =	sst lr;
	_ =	strace $0xD0000000  }
0x3: {  	_ = 	snop  }
0x4: {  	_ = 	snop  }
0x5: {  	_ = 	snop  }
0x6: {  	_ = 	snop  }
0x7: {  	_ = 	snop  }
__scs_overlays_trampoline_lowered:
0x8: {  	[smem:$0x3FA1] =	sst s0  }
0x9: {  	[smem:$0x3FA2] =	sst s1  }
0xa: {  	[smem:$0x3FA3] =	sst s2  }
0xb: {  	[smem:$0x3FA4] =	sst s3  }
0xc: {  	[smem:$0x3FA5] =	sst s4  }
0xd: {  	[smem:$0x3FA6] =	sst s5  }
0xe: {  	[smem:$0x3FA7] =	sst s6  }
0xf: {  	[smem:$0x3FA8] =	sst s7  }
0x10: {  	[smem:$0x3FA9] =	sst s8  }
0x11: {  	[smem:$0x3FAA] =	sst s9;
	s0 =	simm.s32 @!p0 $0x0  }
0x12: {  	s1 =	sld [smem:$0x3F90];
	s0 =	simm.s32 @p0 $0x1  }
0x13: {  	[smem:$0x3FAB] =	sst s0;
	s0 =	simm.s32 @!p1 $0x0  }
0x14: {  	s2 =	sld [smem:$0x3F8F];
	s0 =	simm.s32 @p1 $0x1  }
0x15: {  	[smem:$0x3FAC] =	sst s0;
	s0 =	simm.s32 @!p2 $0x0  }
0x16: {  	s3 =	sld [smem:$0x3FDB];
	s0 =	simm.s32 @p2 $0x1  }
0x17: {  	s4 =	simm.s32 $0x1BF5;
	[smem:$0x3FAE] =	sst s0  }
0x18: {  	s0 =	sld [smem:$0x3F91];
	_ =	swait.ge [sflag:s4], $0x0  }
0x19: {  	s7 =	sld [smem:$0x3F92]  }
0x1a: {  	s8 =	sadd.s32 $0xFFFFE003, lr  }
0x1b: {  	s9 =	sadd.s32 $0xFFFFFEF7, lr;
	s5 =	simm.s32 $0xFFFFFFFF;
	p2 =	slt.u32 s8, $0xFFFFF086  }
0x1c: {  	p1 =	slt.u32 s9, $0xF7A;
	s5 =	simm.s32 @!p2 $0x0  }
0x1d: {  	s5 =	simm.s32 @p1 $0x1;
	p0 =	seq.s32 s7, s2  }
0x1e: {  	s7 =	smul.u32 @!p0 $0xF7A, s2;
	p2 =	seq.s32 @!p0 s5, $0x0  }
0x1f: {  	s9 =	smul.u32 $0xF7A, s1;
	s8 =	simm.s32 @!p0 $0x1BF5;
	p2 =	por !p2, p0  }
0x20: {  	[sflag:s8] =	ssyncset.s32 @!p0 $0xFFFFF086;
	s6 =	sadd.s32 @!p0 s3, s7;
	s7 =	simm.s32 @!p0 $0x108  }
0x21: {  	s3 =	sadd.s32 s3, s9;
	s6 =	sadd.s32 @!p0 $0x88, s6;
	s7 =	simm.s32 @p2 $0x1082  }
0x22: {  	[simem:s7], [sflag:s8] =	dma.local @!p0 [hbm:s6], $0xF7A  }
0x23: {  	s9 =	sor.u32 $0xD0000000, s2;
	s6 =	simm.s32 $0x108;
	_ =	swait.ge @!p0 [sflag:s8], $0x0  }
0x24: {  	s3 =	sadd.s32 $0x88, s3;
	s6 =	simm.s32 @!p1 $0x1082;
	[sflag:s4] =	ssyncset.s32 $0xFFFFF086  }
0x25: {  	[simem:s6], [sflag:s4] =	dma.local [hbm:s3], $0xF7A  }
0x26: {  	[smem:$0x3F92] =	sst s1;
	(tag) =	ssettag s2;
	_ =	strace s9  }
0x27: {  	s1 =	sld [smem:$0x3FA2]  }
0x28: {  	s2 =	sld [smem:$0x3FA3]  }
0x29: {  	s4 =	sld [smem:$0x3FA5]  }
0x2a: {  	p0 =	seq.s32 s5, $0x0;
	s5 =	sld [smem:$0x3FA6]  }
0x2b: {  	s6 =	sld [smem:$0x3FA7]  }
0x2c: {  	s7 =	sld [smem:$0x3FA8]  }
0x2d: {  	s3 =	simm.s32 $0x108;
	s8 =	sld [smem:$0x3FA9]  }
0x2e: {  	s3 =	simm.s32 @!p0 $0x1082;
	s9 =	sld [smem:$0x3FAA]  }
0x2f: {  	lr =	sadd.s32 s0, s3;
	s0 =	sld [smem:$0x3FA1]  }
0x30: {  	s3 =	sld [smem:$0x3FA4]  }
0x31: {  	[smem:$0x3FAD] =	sst s10  }
0x32: {  	s10 =	sld [smem:$0x3FAB];
	_ =	sdelay $0x3  }
0x33: {  	p0 =	seq.s32 s10, $0x1;
	s10 =	sld [smem:$0x3FAD];
	_ =	sdelay $0x3  }
0x34: {  	[smem:$0x3FAD] =	sst s10  }
0x35: {  	s10 =	sld [smem:$0x3FAC];
	_ =	sdelay $0x3  }
0x36: {  	p1 =	seq.s32 s10, $0x1;
	s10 =	sld [smem:$0x3FAD];
	_ =	sdelay $0x3  }
0x37: {  	[smem:$0x3FAD] =	sst s10  }
0x38: {  	s10 =	sld [smem:$0x3FAE]  }
0x39: {  	_ = 	snop;
	(pc) =	sbr.ind lr, $3  }
0x3a: {  	_ = 	snop  }
0x3b: {  	_ = 	snop  }
0x3c: {  	p2 =	seq.s32 s10, $0x1;
	s10 =	sld [smem:$0x3FAD]  }
0x3d: {  	_ =	shalt  }
0x3e: {  	_ =	shalt  }
0x3f: {  	_ =	shalt  }
0x40: {  	_ =	shalt  }
0x41: {  	_ =	shalt  }
0x42: {  	_ =	shalt  }
0x43: {  	_ =	shalt  }
0x44: {  	_ =	shalt  }
0x45: {  	_ =	shalt  }
0x46: {  	_ =	shalt  }
0x47: {  	_ =	shalt  }
0x48: {  	_ =	shalt  }
0x49: {  	_ =	shalt  }
0x4a: {  	_ =	shalt  }
0x4b: {  	_ =	shalt  }
0x4c: {  	_ =	shalt  }
0x4d: {  	_ =	shalt  }
0x4e: {  	_ =	shalt  }
0x4f: {  	_ =	shalt  }
0x50: {  	_ =	shalt  }
0x51: {  	_ =	shalt  }
0x52: {  	_ =	shalt  }
0x53: {  	_ =	shalt  }
0x54: {  	_ =	shalt  }
0x55: {  	_ =	shalt  }
0x56: {  	_ =	shalt  }
0x57: {  	_ =	shalt  }
0x58: {  	_ =	shalt  }
0x59: {  	_ =	shalt  }
0x5a: {  	_ =	shalt  }
0x5b: {  	_ =	shalt  }
0x5c: {  	_ =	shalt  }
0x5d: {  	_ =	shalt  }
0x5e: {  	_ =	shalt  }
0x5f: {  	_ =	shalt  }
0x60: {  	_ =	shalt  }
0x61: {  	_ =	shalt  }
0x62: {  	_ =	shalt  }
0x63: {  	_ =	shalt  }
0x64: {  	_ =	shalt  }
0x65: {  	_ =	shalt  }
0x66: {  	_ =	shalt  }
0x67: {  	_ =	shalt  }
0x68: {  	_ =	shalt  }
0x69: {  	_ =	shalt  }
0x6a: {  	_ =	shalt  }
0x6b: {  	_ =	shalt  }
0x6c: {  	_ =	shalt  }
0x6d: {  	_ =	shalt  }
0x6e: {  	_ =	shalt  }
0x6f: {  	_ =	shalt  }
0x70: {  	_ =	shalt  }
0x71: {  	_ =	shalt  }
0x72: {  	_ =	shalt  }
0x73: {  	_ =	shalt  }
0x74: {  	_ =	shalt  }
0x75: {  	_ =	shalt  }
0x76: {  	_ =	shalt  }
0x77: {  	_ =	shalt  }
0x78: {  	_ =	shalt  }
0x79: {  	_ =	shalt  }
0x7a: {  	_ =	shalt  }
0x7b: {  	_ =	shalt  }
0x7c: {  	_ =	shalt  }
0x7d: {  	_ =	shalt  }
0x7e: {  	_ =	shalt  }
0x7f: {  	_ =	shalt  }
0x80: {  	_ =	shalt  }
0x81: {  	_ =	shalt  }
0x82: {  	_ =	shalt  }
0x83: {  	_ =	shalt  }
0x84: {  	_ =	shalt  }
0x85: {  	_ =	shalt  }
0x86: {  	_ =	shalt  }
0x87: {  	_ =	shalt  }
.Lfunc_end0:
.L_simem_size_0:
called_computation.1_lowered:
.L_overlay_start_0:
0x88: {  	s2 =	sld [smem:$0x3FD9]  }
0x89: {  	s3 =	sld [smem:$0x3FFE];
	_ =	sdelay $0x1  }
0x8a: {  	s1 =	srdreg.scid  }
0x8b: {  	s0 =	sand.u32 $0x1, s1  }
0x8c: {  	s17 =	sshll.u32 s0, $0xA;
	s2 =	sadd.s32 s3, s2  }
0x8d: {  	s2 =	sadd.s32 s2, s17  }
0x8e: {  	[smem:$0x3FB9] =	sst s2  }
0x8f: {  	_ = 	snop  }
0x90: {  	s2 =	sld [smem:$0x3FD0];
	(tm) =	ssettm $0x1  }
0x91: {  	s18 =	sld [smem:$0x3FFB];
	_ =	sdelay $0x3  }
0x92: {  	_ =	strace s18  }
0x93: {  	s3 =	sld [smem:$0x3FFC];
	_ =	sdelay $0x3  }
0x94: {  	_ =	strace s3  }
0x95: {  	s3 =	sld [smem:$0x3FFD];
	_ =	sdelay $0x3  }
0x96: {  	_ =	strace s3  }
0x97: {  	_ =	strace $0x8FFFFFFF  }
0x98: {  	s19 =	sld [smem:$0x3FDB];
	_ =	sdelay $0x1  }
0x99: {  	s4 =	simm.s32 $_scs_section_size  }
0x9a: {  	s5 =	simm.s32 $_size__tile_overlayer_lowered;
	s6 =	simm.s32 $_tile_overlayer_lowered  }
0x9b: {  	s22 =	simm.s32 $0x1BFF;
	s21 =	sshll.u32 s6, $0x1;
	s3 =	sadd.s32 s4, s19  }
0x9c: {  	s7 =	simm.s32 $0x0;
	s20 =	sshll.u32 s5, $0x1;
	s5 =	sadd.s32 s21, s3  }
0x9d: {  	[timem:s7], [sflag:s22] =	dma.local [hbm:s5], s20  }
0x9e: {  	_ =	swait.ge [sflag:s22], s20  }
0x9f: {  	s4 =	ssub.s32 $0x0, s20;
	[sflag:s22] =	ssyncset.done $0x0  }
0xa0: {  	[sflag:s22] =	ssyncadd.s32 s4;
	_ =	sdelay $0x1  }
0xa1: {  	s23 =	simm.s32 $0x1B8B  }
0xa2: {  	_ =	swait.ge [sflag:s23], $0x1  }
0xa3: {  	[sflag:s23] =	ssyncset.done $0x0  }
0xa4: {  	s25 =	simm.s32 $0x1B8E;
	s24 =	sld [smem:$0x3FFE];
	[sflag:s23] =	ssyncadd.s32 $0xFFFFFFFF  }
0xa5: {  	s26 =	simm.s32 $execute0_lowered;
	[smem:$0x3FD2] =	sst s25  }
0xa6: {  	s5 =	sshll.u32 s26, $0x1;
	_ =	strace $0x80000049;
	[dreg:$0x1] =	wrdreg $0xFFFFFFFF  }
0xa7: {  	s28 =	simm.s32 $_size_execute0_lowered;
	s3 =	sadd.s32 s3, s5;
	[dreg:$0x0] =	wrdreg $0x0  }
0xa8: {  	s5 =	sshll.u32 s28, $0x1;
	[dreg:$0x2] =	wrdreg s3  }
0xa9: {  	[dreg:$0x3] =	wrdreg s5  }
0xaa: {  	[dreg:$0x4] =	wrdreg $0xC0  }
0xab: {  	_ =	task [dreg:s7], $0x5FFFF  }
0xac: {  	[dreg:$0x1] =	wrdreg $0xFFFFFFFF  }
0xad: {  	[dreg:$0x0] =	wrdreg $0x60  }
0xae: {  	[dreg:$0x2] =	wrdreg s24  }
0xaf: {  	[dreg:$0x3] =	wrdreg s2  }
0xb0: {  	[dreg:$0x4] =	wrdreg $0x79000  }
0xb1: {  	[dreg:$0x5] =	wrdreg $0x9  }
0xb2: {  	_ =	task.clear_ibuf [dreg:s7], $0x6FFFF;
	_ =	strace $0x90000049  }
0xb3: {  	s29 =	simm.s32 $0x9;
	_ =	strace $0x8000004B  }
0xb4: {  	_ =	swait.ge [sflag:s29], $0x1  }
0xb5: {  	[sflag:s29] =	ssyncadd.s32 $0xFFFFFFFF  }
0xb6: {  	_ =	strace $0x9000004B  }
0xb7: {  	_ =	sfence  }
0xb8: {  	s30 =	sld [smem:$0x0];
	_ =	sdelay $0x2  }
0xb9: {  	s31 =	sshll.u32 s1, $0xD;
	s1 =	sshrl.u32 s1, $0x2  }
0xba: {  	s3 =	sand.u32 $0x4000, s31;
	s1 =	sadd.s32 s1, s30  }
0xbb: {  	s0 =	sor.u32 s3, s0;
	s1 =	sshll.u32 s1, $0x11  }
0xbc: {  	s0 =	sor.u32 s1, s0  }
0xbd: {  	s0 =	sadd.s32 $0x8F2B, s0  }
0xbe: {  	[sflag:s0] =	ssyncadd.remote.s32 $0x1  }
0xbf: {  	_ =	sfence.sel $0xFFFF  }
0xc0: {  	[dreg:$0x0] =	wrdreg $0xFFFFFFFF;
	(pc) =	sbr.abs _section_cstart, $3  }
0xc1: {  	[dreg:$0x1] =	wrdreg $0xFFFFFFFF  }
0xc2: {  	_ =	task.clear_ibuf [dreg:s7], $0x2FFFF;
	_ =	strace $0x9FFFFFFF  }
0xc3: {  	(tm) =	ssettm $0x7FFFFFFF  }
tec
execute0_lowered:
.L_overlay_start_1:
0x0: {  	(tag) =	ssettag $0x1  }
0x1: {  	s10 =	rddreg [dreg:$0x0]  }
0x2: {  	s1 =	rddreg [dreg:$0x1]  }
0x3: {  	s3 =	rddreg [dreg:$0x2]  }
0x4: {  	s0 =	rddreg [dreg:$0x3]  }
0x5: {  	s4 =	simm.s32 $0x0;
	s5 =	srdreg.scid;
	s2 =	stileid.u32  }
0x6: {  	s17 =	simm.s32 $0x80;
	s18 =	simm.s32 $0x100;
	s19 =	simm.s32 $0x50  }
0x7: {  	s20 =	simm.s32 $0x2900;
	s21 =	simm.s32 $0x5100;
	s22 =	simm.s32 $0x1  }
0x8: {  	s23 =	simm.s32 $0x2;
	s24 =	simm.s32 $0x0;
	[smem:$0x7FF] =	sst s4  }
0x9: {  	s11 =	sand.u32 $0x1, s5;
	s12 =	smul.u32 $0x2800, s2;
	s5 =	sadd.s32 $0x4F2000, s10  }
0xa: {  	s6 =	sadd.s32 $0x572400, s10;
	s7 =	sadd.s32 $0x12800, s10;
	s8 =	sadd.s32 $0x39A00, s10  }
0xb: {  	s9 =	sadd.s32 $0x10000, s10;
	s15 =	smul.u32 $0x50000, s2;
	s31 =	sshll.u32 s2, $0x6  }
0xc: {  	s13 =	smul.u32 $0x28000, s11;
	s26 =	ssub.s32 $0x2, s11;
	s11 =	sshll.u32 s11, $0x4  }
0xd: {  	_ =	strace $0x8000004A;
	s28 =	sshrl.u32 s26, $0x1;
	s29 =	sor.u32 s2, s11  }
0xe: {  	s30 =	sshrl.u32 s15, $0x2;
	s11 =	sor.u32 $0x1C03, s31;
	s12 =	sadd.s32 s12, s13  }
0xf: {  	s16 =	ssub.s32 s26, s28;
	s15 =	sadd.s32 s30, s3;
	s14 =	sadd.s32 s12, s10  }
0x10: {  	s10 =	sadd.s32 $0xA54400, s10;
	s12 =	smul.u32 $0x2710, s29;
	s15 =	sshrl.u32 s15, $0x3  }
0x11: {  	s13 =	sadd.s32 $0x65A00, s14;
	s14 =	smax.u32 s16, $0x1;
	s16 =	simm.s32 $0x3  }
.LBB2_1:
0x12: {  	[spmem:s15], [sflag:s11] =	dma.local [hbm:s9], $0x2800  }
0x13: {  	_ =	swait.ge [sflag:s16], $0x2800  }
0x14: {  	[sflag:s16] =	ssyncset.done $0x0  }
0x15: {  	[sflag:s16] =	ssyncadd.s32 $0xFFFFD800  }
0x16: {  	s25 =	simm.s32 $0x0;
	[bflag:$0x0] =	sbarrier.arrive $0xFFFF  }
.LBB2_2:
0x17: {  	s26 =	smul.u32 $0x50, s25;
	_ =	sdelay $0x1  }
0x18: {  	s26 =	sadd.s32 s12, s26  }
0x19: {  	s28 =	sshrl.u32 s26, $0x3  }
0x1a: {  	s30 =	simm.s32 $0x0;
	s29 =	sadd.s32 s5, s28  }
0x1b: {  	[tilespmem:s30], [sflag:$0x3] =	stream.linear.gather [hbm4b:s29+s30], $0x50, $0x38;
	[tilespmem:$0x1B900] =	vst v63  }
0x1c: {  	_ =	swait.ge [sflag:s16], $0x50  }
0x1d: {  	[sflag:s16] =	ssyncset.done $0x0  }
0x1e: {  	s28 =	sadd.s32 s1, s28;
	[sflag:s16] =	ssyncadd.s32 $0xFFFFFFB0  }
0x1f: {  	[tilespmem:s17], [sflag:$0x3] =	stream.linear.gather [hbm4b:s28+s30], $0x50, $0x38;
	[tilespmem:$0x1B900] =	vst v63  }
0x20: {  	_ =	swait.ge [sflag:s16], $0x50  }
0x21: {  	s26 =	sshll.u32 s26, $0x4;
	[sflag:s16] =	ssyncset.done $0x0  }
0x22: {  	s28 =	sadd.s32 s6, s26;
	[sflag:s16] =	ssyncadd.s32 $0xFFFFFFB0  }
0x23: {  	[tilespmem:s18], [sflag:$0x3] =	stream.linear.gather [hbm4b:s28+s30], $0x2800, $0x38;
	[tilespmem:$0x1B900] =	vst v63  }
0x24: {  	_ =	swait.ge [sflag:s16], $0x2800  }
0x25: {  	[sflag:s16] =	ssyncset.done $0x0  }
0x26: {  	[sflag:s16] =	ssyncadd.s32 $0xFFFFD800  }
0x27: {  	[tilespmem:s20], [sflag:$0x1] =	stream.indirect.gather [hbm4b:s7+s19], $0x80, s30, s19, $0xb8;
	[tilespmem:$0x1B900] =	vst v63  }
0x28: {  	_ = 	snop  }
0x29: {  	[tilespmem:s21], [sflag:$0x2] =	stream.indirect.gather [hbm4b:s8+s19], $0x80, s17, s19, $0xb8;
	[tilespmem:$0x1B900] =	vst v63  }
0x2a: {  	_ = 	snop  }
0x2b: {  	[spmem:s3] =	stream.indirect.scatter.add.f32 [tilespmem:s18], [sflag:$0x3], $0x80, s17, s19, $0xb8;
	[tilespmem:$0x1B900] =	vst v63  }
0x2c: {  	_ =	swait.ge [sflag:s16], $0x2800  }
0x2d: {  	[sflag:s16] =	ssyncset.done $0x0  }
0x2e: {  	[sflag:s16] =	ssyncadd.s32 $0xFFFFD800  }
0x2f: {  	_ =	swait.ge [sflag:s22], $0x2800  }
0x30: {  	[sflag:s22] =	ssyncset.done $0x0  }
0x31: {  	[sflag:s22] =	ssyncadd.s32 $0xFFFFD800  }
0x32: {  	[spmem:s3] =	stream.indirect.scatter.add.f32 [tilespmem:s20], [sflag:$0x3], $0x80, s17, s19, $0xb8;
	[tilespmem:$0x1B900] =	vst v63  }
0x33: {  	_ =	swait.ge [sflag:s16], $0x2800  }
0x34: {  	[sflag:s16] =	ssyncset.done $0x0  }
0x35: {  	[sflag:s16] =	ssyncadd.s32 $0xFFFFD800  }
0x36: {  	_ =	swait.ge [sflag:s23], $0x2800  }
0x37: {  	[sflag:s23] =	ssyncset.done $0x0  }
0x38: {  	[sflag:s23] =	ssyncadd.s32 $0xFFFFD800  }
0x39: {  	[spmem:s3] =	stream.indirect.scatter.add.f32 [tilespmem:s21], [sflag:$0x3], $0x80, s17, s19, $0xb8;
	[tilespmem:$0x1B900] =	vst v63  }
0x3a: {  	_ =	swait.ge [sflag:s16], $0x2800  }
0x3b: {  	[sflag:s16] =	ssyncset.done $0x0  }
0x3c: {  	s28 =	simm.s32 $0x0;
	[sflag:s16] =	ssyncadd.s32 $0xFFFFD800  }
0x3d: {  	v2 =	vld [tilespmem:s28+$0x5140]  }
0x3e: {  	v0 =	vld [tilespmem:s28+$0x5150]  }
0x3f: {  	v3 =	vld [tilespmem:s28+$0x2940]  }
0x40: {  	v1 =	vld [tilespmem:s28+$0x2950]  }
0x41: {  	v6 =	vld [tilespmem:s28+$0x140]  }
0x42: {  	v7 =	vld [tilespmem:s28+$0x150]  }
0x43: {  	v5 =	vld [tilespmem:s28+$0x160]  }
0x44: {  	v4 =	vld [tilespmem:s28+$0x170]  }
0x45: {  	v10 =	vld [tilespmem:s28+$0x100]  }
0x46: {  	v9 =	vld [tilespmem:s28+$0x110]  }
0x47: {  	s29 =	simm.s32 $0x200;
	v8 =	vld [tilespmem:s28+$0x120]  }
.LBB2_3:
0x48: {  	p0 =	sne.s32 s29, $0x9E00;
	v11 =	vld [tilespmem:s28+$0x130]  }
0x49: {  	v12 =	vld [tilespmem:s28+$0x2960]  }
0x4a: {  	v6 =	vadd.f32 v6, v10;
	v10 =	vld [tilespmem:s28+$0x2970]  }
0x4b: {  	v7 =	vadd.f32 v7, v9;
	v9 =	vld [tilespmem:s28+$0x5160]  }
0x4c: {  	s30 =	sshra.s32 s29, $0x2;
	v3 =	vadd.f32 v3, v6;
	v5 =	vadd.f32 v5, v8;
	v8 =	vld [tilespmem:s28+$0x5170]  }
0x4d: {  	v13 =	vld [tilespmem:s30+$0x5140];
	v1 =	vadd.f32 v1, v7;
	v4 =	vadd.f32 v4, v11  }
0x4e: {  	v11 =	vld [tilespmem:s30+$0x5150];
	v2 =	vadd.f32 v2, v3;
	v5 =	vadd.f32 v12, v5  }
0x4f: {  	v3 =	vld [tilespmem:s30+$0x2940];
	v0 =	vadd.f32 v0, v1;
	v4 =	vadd.f32 v10, v4  }
0x50: {  	v1 =	vld [tilespmem:s30+$0x2950];
	[tilespmem:s28+$0x100] =	vst v2;
	v5 =	vadd.f32 v9, v5  }
0x51: {  	v6 =	vld [tilespmem:s30+$0x140];
	[tilespmem:s28+$0x110] =	vst v0;
	v4 =	vadd.f32 v8, v4  }
0x52: {  	v7 =	vld [tilespmem:s30+$0x150];
	[tilespmem:s28+$0x120] =	vst v5;
	v2 =	vmov v13  }
.Ltmp0:
0x53: {  	v5 =	vld [tilespmem:s30+$0x160];
	[tilespmem:s28+$0x130] =	vst v4;
	v0 =	vmov v11;
	s28 =	smov.u32 s30;
	(pc) =	sbr.rel @p0 .LBB2_3-.Ltmp0, $4  }
0x54: {  	v4 =	vld [tilespmem:s28+$0x170]  }
0x55: {  	v10 =	vld [tilespmem:s28+$0x100]  }
0x56: {  	v9 =	vld [tilespmem:s28+$0x110]  }
0x57: {  	s29 =	sadd.s32 $0x200, s29;
	v8 =	vld [tilespmem:s28+$0x120]  }
0x58: {  	v11 =	vld [tilespmem:s28+$0x130]  }
0x59: {  	v12 =	vld [tilespmem:s28+$0x2960]  }
0x5a: {  	v57 =	vld [tilespmem:s28+$0x2970];
	v6 =	vadd.f32 v6, v10  }
0x5b: {  	v58 =	vld [tilespmem:s28+$0x5160];
	v7 =	vadd.f32 v7, v9  }
0x5c: {  	v59 =	vld [tilespmem:s28+$0x5170];
	v3 =	vadd.f32 v3, v6;
	v5 =	vadd.f32 v5, v8  }
0x5d: {  	v1 =	vadd.f32 v1, v7;
	v4 =	vadd.f32 v4, v11  }
0x5e: {  	v2 =	vadd.f32 v2, v3;
	v60 =	vadd.f32 v12, v5  }
0x5f: {  	v0 =	vadd.f32 v0, v1;
	v61 =	vadd.f32 v57, v4  }
0x60: {  	[tilespmem:s28+$0x100] =	vst v2;
	v62 =	vadd.f32 v58, v60  }
0x61: {  	s25 =	sadd.s32 $0x1, s25;
	[tilespmem:s28+$0x110] =	vst v0;
	v63 =	vadd.f32 v59, v61  }
0x62: {  	p0 =	sne.s32 s25, $0x7D;
	[tilespmem:s28+$0x120] =	vst v62  }
.Ltmp1:
0x63: {  	s26 =	sadd.s32 s10, s26;
	[tilespmem:s28+$0x130] =	vst v63;
	(pc) =	sbr.rel @p0 .LBB2_2-.Ltmp1, $4  }
0x64: {  	[hbm4b:s26+s4] =	stream.linear.scatter [tilespmem:s18], [sflag:$0x3], $0x2800, $0x38;
	[tilespmem:$0x1B900] =	vst v63  }
0x65: {  	_ =	swait.ge [sflag:s16], $0x2800  }
0x66: {  	[sflag:s16] =	ssyncset.done $0x0  }
0x67: {  	[sflag:s16] =	ssyncadd.s32 $0xFFFFD800  }
0x68: {  	s24 =	sadd.s32 $0x1, s24  }
0x69: {  	p0 =	sne.s32 s24, s14  }
.Ltmp2:
0x6a: {  	[bflag:$0x0] =	sbarrier.arrive $0xFFFF;
	(pc) =	sbr.rel @p0 .LBB2_1-.Ltmp2, $4  }
0x6b: {  	[hbm:s13], [sflag:s11] =	dma.local [spmem:s15], $0x2800  }
0x6c: {  	_ =	swait.ge [sflag:s16], $0x2800  }
0x6d: {  	[sflag:s16] =	ssyncset.done $0x0  }
0x6e: {  	[sflag:s16] =	ssyncadd.s32 $0xFFFFD800  }
0x6f: {  	_ =	sfence.sel $0x180000  }
0x70: {  	[bflag:$0x0] =	sbarrier.arrive $0xFFFF  }
0x71: {  	p0 =	sne.s32 s2, $0x0;
	_ =	strace $0x9000004A  }
0x72: {  	s0 =	sadd.s32 @!p0 $0x100000, s0;
	[bflag:$0x2] =	sbarrier.arrive $0xFFFF  }
0x73: {  	[sflag:s0] =	ssyncadd.tile.s32 @!p0 $0x1;
	_ =	shalt  }
.Lfunc_end2:
_tile_overlayer_lowered:
.L_overlay_start_2:
0x74: {  	(tag) =	ssettag $0x2  }
0x75: {  	s0 =	rddreg [dreg:$0x0];
	s2 =	stileid.u32  }
0x76: {  	s1 =	rddreg [dreg:$0x1];
	p0 =	sne.s32 s2, $0x0  }
0x77: {  	s3 =	rddreg [dreg:$0x2];
	[bflag:$0x3] =	sbarrier.arrive $0xFFFF;
	s2 =	simm.s32 @!p0 $0x1C03  }
0x78: {  	[timem:s3], [sflag:s2] =	dma.local @!p0 [hbm:s0], s1  }
0x79: {  	s0 =	simm.s32 @!p0 $0x3  }
0x7a: {  	_ =	swait.ge @!p0 [sflag:s0], s1  }
0x7b: {  	s1 =	ssub.s32 @!p0 $0x0, s1;
	[sflag:s0] =	ssyncset.done @!p0 $0x0  }
0x7c: {  	[sflag:s0] =	ssyncadd.s32 @!p0 s1  }
0x7d: {  	[bflag:$0x3] =	sbarrier.arrive $0xFFFF  }
0x7e: {  	_ =	shalt  }

// kernel: kernel.24.cloned.1.call-start
scs
__scs_entry_jumppad:
0x0: {  	(pc) =	sbr.rel $0x88, $3  }
0x1: {  	(tag) =	ssettag $0x0;
	lr =	simm.s32 $0x1  }
0x2: {  	[smem:$0x3F92] =	sst lr;
	_ =	strace $0xD0000000  }
0x3: {  	_ = 	snop  }
0x4: {  	_ = 	snop  }
0x5: {  	_ = 	snop  }
0x6: {  	_ = 	snop  }
0x7: {  	_ = 	snop  }
__scs_overlays_trampoline_lowered:
0x8: {  	[smem:$0x3FA1] =	sst s0  }
0x9: {  	[smem:$0x3FA2] =	sst s1  }
0xa: {  	[smem:$0x3FA3] =	sst s2  }
0xb: {  	[smem:$0x3FA4] =	sst s3  }
0xc: {  	[smem:$0x3FA5] =	sst s4  }
0xd: {  	[smem:$0x3FA6] =	sst s5  }
0xe: {  	[smem:$0x3FA7] =	sst s6  }
0xf: {  	[smem:$0x3FA8] =	sst s7  }
0x10: {  	[smem:$0x3FA9] =	sst s8  }
0x11: {  	[smem:$0x3FAA] =	sst s9;
	s0 =	simm.s32 @!p0 $0x0  }
0x12: {  	s1 =	sld [smem:$0x3F90];
	s0 =	simm.s32 @p0 $0x1  }
0x13: {  	[smem:$0x3FAB] =	sst s0;
	s0 =	simm.s32 @!p1 $0x0  }
0x14: {  	s2 =	sld [smem:$0x3F8F];
	s0 =	simm.s32 @p1 $0x1  }
0x15: {  	[smem:$0x3FAC] =	sst s0;
	s0 =	simm.s32 @!p2 $0x0  }
0x16: {  	s3 =	sld [smem:$0x3FDB];
	s0 =	simm.s32 @p2 $0x1  }
0x17: {  	s4 =	simm.s32 $0x1BF5;
	[smem:$0x3FAE] =	sst s0  }
0x18: {  	s0 =	sld [smem:$0x3F91];
	_ =	swait.ge [sflag:s4], $0x0  }
0x19: {  	s7 =	sld [smem:$0x3F92]  }
0x1a: {  	s8 =	sadd.s32 $0xFFFFE003, lr  }
0x1b: {  	s9 =	sadd.s32 $0xFFFFFEF7, lr;
	s5 =	simm.s32 $0xFFFFFFFF;
	p2 =	slt.u32 s8, $0xFFFFF086  }
0x1c: {  	p1 =	slt.u32 s9, $0xF7A;
	s5 =	simm.s32 @!p2 $0x0  }
0x1d: {  	s5 =	simm.s32 @p1 $0x1;
	p0 =	seq.s32 s7, s2  }
0x1e: {  	s7 =	smul.u32 @!p0 $0xF7A, s2;
	p2 =	seq.s32 @!p0 s5, $0x0  }
0x1f: {  	s9 =	smul.u32 $0xF7A, s1;
	s8 =	simm.s32 @!p0 $0x1BF5;
	p2 =	por !p2, p0  }
0x20: {  	[sflag:s8] =	ssyncset.s32 @!p0 $0xFFFFF086;
	s6 =	sadd.s32 @!p0 s3, s7;
	s7 =	simm.s32 @!p0 $0x108  }
0x21: {  	s3 =	sadd.s32 s3, s9;
	s6 =	sadd.s32 @!p0 $0x88, s6;
	s7 =	simm.s32 @p2 $0x1082  }
0x22: {  	[simem:s7], [sflag:s8] =	dma.local @!p0 [hbm:s6], $0xF7A  }
0x23: {  	s9 =	sor.u32 $0xD0000000, s2;
	s6 =	simm.s32 $0x108;
	_ =	swait.ge @!p0 [sflag:s8], $0x0  }
0x24: {  	s3 =	sadd.s32 $0x88, s3;
	s6 =	simm.s32 @!p1 $0x1082;
	[sflag:s4] =	ssyncset.s32 $0xFFFFF086  }
0x25: {  	[simem:s6], [sflag:s4] =	dma.local [hbm:s3], $0xF7A  }
0x26: {  	[smem:$0x3F92] =	sst s1;
	(tag) =	ssettag s2;
	_ =	strace s9  }
0x27: {  	s1 =	sld [smem:$0x3FA2]  }
0x28: {  	s2 =	sld [smem:$0x3FA3]  }
0x29: {  	s4 =	sld [smem:$0x3FA5]  }
0x2a: {  	p0 =	seq.s32 s5, $0x0;
	s5 =	sld [smem:$0x3FA6]  }
0x2b: {  	s6 =	sld [smem:$0x3FA7]  }
0x2c: {  	s7 =	sld [smem:$0x3FA8]  }
0x2d: {  	s3 =	simm.s32 $0x108;
	s8 =	sld [smem:$0x3FA9]  }
0x2e: {  	s3 =	simm.s32 @!p0 $0x1082;
	s9 =	sld [smem:$0x3FAA]  }
0x2f: {  	lr =	sadd.s32 s0, s3;
	s0 =	sld [smem:$0x3FA1]  }
0x30: {  	s3 =	sld [smem:$0x3FA4]  }
0x31: {  	[smem:$0x3FAD] =	sst s10  }
0x32: {  	s10 =	sld [smem:$0x3FAB];
	_ =	sdelay $0x3  }
0x33: {  	p0 =	seq.s32 s10, $0x1;
	s10 =	sld [smem:$0x3FAD];
	_ =	sdelay $0x3  }
0x34: {  	[smem:$0x3FAD] =	sst s10  }
0x35: {  	s10 =	sld [smem:$0x3FAC];
	_ =	sdelay $0x3  }
0x36: {  	p1 =	seq.s32 s10, $0x1;
	s10 =	sld [smem:$0x3FAD];
	_ =	sdelay $0x3  }
0x37: {  	[smem:$0x3FAD] =	sst s10  }
0x38: {  	s10 =	sld [smem:$0x3FAE]  }
0x39: {  	_ = 	snop;
	(pc) =	sbr.ind lr, $3  }
0x3a: {  	_ = 	snop  }
0x3b: {  	_ = 	snop  }
0x3c: {  	p2 =	seq.s32 s10, $0x1;
	s10 =	sld [smem:$0x3FAD]  }
0x3d: {  	_ =	shalt  }
0x3e: {  	_ =	shalt  }
0x3f: {  	_ =	shalt  }
0x40: {  	_ =	shalt  }
0x41: {  	_ =	shalt  }
0x42: {  	_ =	shalt  }
0x43: {  	_ =	shalt  }
0x44: {  	_ =	shalt  }
0x45: {  	_ =	shalt  }
0x46: {  	_ =	shalt  }
0x47: {  	_ =	shalt  }
0x48: {  	_ =	shalt  }
0x49: {  	_ =	shalt  }
0x4a: {  	_ =	shalt  }
0x4b: {  	_ =	shalt  }
0x4c: {  	_ =	shalt  }
0x4d: {  	_ =	shalt  }
0x4e: {  	_ =	shalt  }
0x4f: {  	_ =	shalt  }
0x50: {  	_ =	shalt  }
0x51: {  	_ =	shalt  }
0x52: {  	_ =	shalt  }
0x53: {  	_ =	shalt  }
0x54: {  	_ =	shalt  }
0x55: {  	_ =	shalt  }
0x56: {  	_ =	shalt  }
0x57: {  	_ =	shalt  }
0x58: {  	_ =	shalt  }
0x59: {  	_ =	shalt  }
0x5a: {  	_ =	shalt  }
0x5b: {  	_ =	shalt  }
0x5c: {  	_ =	shalt  }
0x5d: {  	_ =	shalt  }
0x5e: {  	_ =	shalt  }
0x5f: {  	_ =	shalt  }
0x60: {  	_ =	shalt  }
0x61: {  	_ =	shalt  }
0x62: {  	_ =	shalt  }
0x63: {  	_ =	shalt  }
0x64: {  	_ =	shalt  }
0x65: {  	_ =	shalt  }
0x66: {  	_ =	shalt  }
0x67: {  	_ =	shalt  }
0x68: {  	_ =	shalt  }
0x69: {  	_ =	shalt  }
0x6a: {  	_ =	shalt  }
0x6b: {  	_ =	shalt  }
0x6c: {  	_ =	shalt  }
0x6d: {  	_ =	shalt  }
0x6e: {  	_ =	shalt  }
0x6f: {  	_ =	shalt  }
0x70: {  	_ =	shalt  }
0x71: {  	_ =	shalt  }
0x72: {  	_ =	shalt  }
0x73: {  	_ =	shalt  }
0x74: {  	_ =	shalt  }
0x75: {  	_ =	shalt  }
0x76: {  	_ =	shalt  }
0x77: {  	_ =	shalt  }
0x78: {  	_ =	shalt  }
0x79: {  	_ =	shalt  }
0x7a: {  	_ =	shalt  }
0x7b: {  	_ =	shalt  }
0x7c: {  	_ =	shalt  }
0x7d: {  	_ =	shalt  }
0x7e: {  	_ =	shalt  }
0x7f: {  	_ =	shalt  }
0x80: {  	_ =	shalt  }
0x81: {  	_ =	shalt  }
0x82: {  	_ =	shalt  }
0x83: {  	_ =	shalt  }
0x84: {  	_ =	shalt  }
0x85: {  	_ =	shalt  }
0x86: {  	_ =	shalt  }
0x87: {  	_ =	shalt  }
.Lfunc_end0:
.L_simem_size_0:
called_computation.2_lowered:
.L_overlay_start_0:
0x88: {  	s2 =	sld [smem:$0x3FD9]  }
0x89: {  	s3 =	sld [smem:$0x3FFE];
	_ =	sdelay $0x1  }
0x8a: {  	s1 =	srdreg.scid  }
0x8b: {  	s0 =	sand.u32 $0x1, s1  }
0x8c: {  	s17 =	sshll.u32 s0, $0xA;
	s2 =	sadd.s32 s3, s2  }
0x8d: {  	s2 =	sadd.s32 s2, s17  }
0x8e: {  	[smem:$0x3FB9] =	sst s2  }
0x8f: {  	_ = 	snop  }
0x90: {  	s2 =	sld [smem:$0x3FD0];
	(tm) =	ssettm $0x1  }
0x91: {  	s18 =	sld [smem:$0x3FFB];
	_ =	sdelay $0x3  }
0x92: {  	_ =	strace s18  }
0x93: {  	s3 =	sld [smem:$0x3FFC];
	_ =	sdelay $0x3  }
0x94: {  	_ =	strace s3  }
0x95: {  	s3 =	sld [smem:$0x3FFD];
	_ =	sdelay $0x3  }
0x96: {  	_ =	strace s3  }
0x97: {  	_ =	strace $0x8FFFFFFF  }
0x98: {  	s19 =	sld [smem:$0x3FDB];
	_ =	sdelay $0x1  }
0x99: {  	s4 =	simm.s32 $_scs_section_size  }
0x9a: {  	s5 =	simm.s32 $_size__tile_overlayer_lowered;
	s6 =	simm.s32 $_tile_overlayer_lowered  }
0x9b: {  	s22 =	simm.s32 $0x1BFF;
	s21 =	sshll.u32 s6, $0x1;
	s3 =	sadd.s32 s4, s19  }
0x9c: {  	s7 =	simm.s32 $0x0;
	s20 =	sshll.u32 s5, $0x1;
	s5 =	sadd.s32 s21, s3  }
0x9d: {  	[timem:s7], [sflag:s22] =	dma.local [hbm:s5], s20  }
0x9e: {  	_ =	swait.ge [sflag:s22], s20  }
0x9f: {  	s4 =	ssub.s32 $0x0, s20;
	[sflag:s22] =	ssyncset.done $0x0  }
0xa0: {  	[sflag:s22] =	ssyncadd.s32 s4;
	_ =	sdelay $0x1  }
0xa1: {  	s23 =	simm.s32 $0x1B8B  }
0xa2: {  	_ =	swait.ge [sflag:s23], $0x1  }
0xa3: {  	[sflag:s23] =	ssyncset.done $0x0  }
0xa4: {  	s25 =	simm.s32 $0x1B8E;
	s24 =	sld [smem:$0x3FFE];
	[sflag:s23] =	ssyncadd.s32 $0xFFFFFFFF  }
0xa5: {  	s26 =	simm.s32 $execute0_lowered;
	[smem:$0x3FD2] =	sst s25  }
0xa6: {  	s5 =	sshll.u32 s26, $0x1;
	_ =	strace $0x8000004C;
	[dreg:$0x1] =	wrdreg $0xFFFFFFFF  }
0xa7: {  	s28 =	simm.s32 $_size_execute0_lowered;
	s3 =	sadd.s32 s3, s5;
	[dreg:$0x0] =	wrdreg $0x0  }
0xa8: {  	s5 =	sshll.u32 s28, $0x1;
	[dreg:$0x2] =	wrdreg s3  }
0xa9: {  	[dreg:$0x3] =	wrdreg s5  }
0xaa: {  	[dreg:$0x4] =	wrdreg $0xC0  }
0xab: {  	_ =	task [dreg:s7], $0x5FFFF  }
0xac: {  	[dreg:$0x1] =	wrdreg $0xFFFFFFFF  }
0xad: {  	[dreg:$0x0] =	wrdreg $0x60  }
0xae: {  	[dreg:$0x2] =	wrdreg s24  }
0xaf: {  	[dreg:$0x3] =	wrdreg s2  }
0xb0: {  	[dreg:$0x4] =	wrdreg $0x79000  }
0xb1: {  	[dreg:$0x5] =	wrdreg $0x9  }
0xb2: {  	_ =	task.clear_ibuf [dreg:s7], $0x6FFFF;
	_ =	strace $0x9000004C  }
0xb3: {  	s29 =	simm.s32 $0x9;
	_ =	strace $0x8000004E  }
0xb4: {  	_ =	swait.ge [sflag:s29], $0x1  }
0xb5: {  	[sflag:s29] =	ssyncadd.s32 $0xFFFFFFFF  }
0xb6: {  	_ =	strace $0x9000004E  }
0xb7: {  	_ =	sfence  }
0xb8: {  	s30 =	sld [smem:$0x0];
	_ =	sdelay $0x2  }
0xb9: {  	s31 =	sshll.u32 s1, $0xD;
	s1 =	sshrl.u32 s1, $0x2  }
0xba: {  	s3 =	sand.u32 $0x4000, s31;
	s1 =	sadd.s32 s1, s30  }
0xbb: {  	s0 =	sor.u32 s3, s0;
	s1 =	sshll.u32 s1, $0x11  }
0xbc: {  	s0 =	sor.u32 s1, s0  }
0xbd: {  	s0 =	sadd.s32 $0x8F2B, s0  }
0xbe: {  	[sflag:s0] =	ssyncadd.remote.s32 $0x1  }
0xbf: {  	_ =	sfence.sel $0xFFFF  }
0xc0: {  	[dreg:$0x0] =	wrdreg $0xFFFFFFFF;
	(pc) =	sbr.abs _section_cstart, $3  }
0xc1: {  	[dreg:$0x1] =	wrdreg $0xFFFFFFFF  }
0xc2: {  	_ =	task.clear_ibuf [dreg:s7], $0x2FFFF;
	_ =	strace $0x9FFFFFFF  }
0xc3: {  	(tm) =	ssettm $0x7FFFFFFF  }
tec
execute0_lowered:
.L_overlay_start_1:
0x0: {  	(tag) =	ssettag $0x1  }
0x1: {  	s10 =	rddreg [dreg:$0x0]  }
0x2: {  	s1 =	rddreg [dreg:$0x1]  }
0x3: {  	s3 =	rddreg [dreg:$0x2]  }
0x4: {  	s0 =	rddreg [dreg:$0x3]  }
0x5: {  	s4 =	simm.s32 $0x0;
	s5 =	srdreg.scid;
	s2 =	stileid.u32  }
0x6: {  	s17 =	simm.s32 $0x80;
	s18 =	simm.s32 $0x100;
	s19 =	simm.s32 $0x50  }
0x7: {  	s20 =	simm.s32 $0x2900;
	s21 =	simm.s32 $0x5100;
	s22 =	simm.s32 $0x1  }
0x8: {  	s23 =	simm.s32 $0x2;
	s24 =	simm.s32 $0x0;
	[smem:$0x7FF] =	sst s4  }
0x9: {  	s11 =	sand.u32 $0x1, s5;
	s12 =	smul.u32 $0x2800, s2;
	s5 =	sadd.s32 $0x4F2000, s10  }
0xa: {  	s6 =	sadd.s32 $0x524000, s10;
	s7 =	sadd.s32 $0x4FCE00, s10;
	s8 =	sadd.s32 $0x12800, s10  }
0xb: {  	s9 =	sadd.s32 $0x10000, s10;
	s15 =	smul.u32 $0x50000, s2;
	s31 =	sshll.u32 s2, $0x6  }
0xc: {  	s13 =	smul.u32 $0x28000, s11;
	s26 =	ssub.s32 $0x2, s11;
	s11 =	sshll.u32 s11, $0x4  }
0xd: {  	_ =	strace $0x8000004D;
	s28 =	sshrl.u32 s26, $0x1;
	s29 =	sor.u32 s2, s11  }
0xe: {  	s30 =	sshrl.u32 s15, $0x2;
	s11 =	sor.u32 $0x1C03, s31;
	s12 =	sadd.s32 s12, s13  }
0xf: {  	s16 =	ssub.s32 s26, s28;
	s15 =	sadd.s32 s30, s3;
	s14 =	sadd.s32 s12, s10  }
0x10: {  	s10 =	sadd.s32 $0xA06000, s10;
	s12 =	smul.u32 $0x2710, s29;
	s15 =	sshrl.u32 s15, $0x3  }
0x11: {  	s13 =	sadd.s32 $0x65A00, s14;
	s14 =	smax.u32 s16, $0x1;
	s16 =	simm.s32 $0x3  }
.LBB2_1:
0x12: {  	[spmem:s15], [sflag:s11] =	dma.local [hbm:s9], $0x2800  }
0x13: {  	_ =	swait.ge [sflag:s16], $0x2800  }
0x14: {  	[sflag:s16] =	ssyncset.done $0x0  }
0x15: {  	[sflag:s16] =	ssyncadd.s32 $0xFFFFD800  }
0x16: {  	s25 =	simm.s32 $0x0;
	[bflag:$0x0] =	sbarrier.arrive $0xFFFF  }
.LBB2_2:
0x17: {  	s26 =	smul.u32 $0x50, s25;
	_ =	sdelay $0x1  }
0x18: {  	s26 =	sadd.s32 s12, s26  }
0x19: {  	s28 =	sshrl.u32 s26, $0x3  }
0x1a: {  	s30 =	simm.s32 $0x0;
	s29 =	sadd.s32 s5, s28  }
0x1b: {  	[tilespmem:s30], [sflag:$0x3] =	stream.linear.gather [hbm4b:s29+s30], $0x50, $0x38;
	[tilespmem:$0x1B900] =	vst v63  }
0x1c: {  	_ =	swait.ge [sflag:s16], $0x50  }
0x1d: {  	[sflag:s16] =	ssyncset.done $0x0  }
0x1e: {  	s28 =	sadd.s32 s1, s28;
	[sflag:s16] =	ssyncadd.s32 $0xFFFFFFB0  }
0x1f: {  	[tilespmem:s17], [sflag:$0x3] =	stream.linear.gather [hbm4b:s28+s30], $0x50, $0x38;
	[tilespmem:$0x1B900] =	vst v63  }
0x20: {  	_ =	swait.ge [sflag:s16], $0x50  }
0x21: {  	s26 =	sshll.u32 s26, $0x4;
	[sflag:s16] =	ssyncset.done $0x0  }
0x22: {  	s28 =	sadd.s32 s6, s26;
	[sflag:s16] =	ssyncadd.s32 $0xFFFFFFB0  }
0x23: {  	[tilespmem:s18], [sflag:$0x3] =	stream.linear.gather [hbm4b:s28+s30], $0x2800, $0x38;
	[tilespmem:$0x1B900] =	vst v63  }
0x24: {  	_ =	swait.ge [sflag:s16], $0x2800  }
0x25: {  	[sflag:s16] =	ssyncset.done $0x0  }
0x26: {  	[sflag:s16] =	ssyncadd.s32 $0xFFFFD800  }
0x27: {  	[tilespmem:s20], [sflag:$0x1] =	stream.indirect.gather [hbm4b:s7+s19], $0x80, s30, s19, $0xb8;
	[tilespmem:$0x1B900] =	vst v63  }
0x28: {  	_ = 	snop  }
0x29: {  	[tilespmem:s21], [sflag:$0x2] =	stream.indirect.gather [hbm4b:s8+s19], $0x80, s17, s19, $0xb8;
	[tilespmem:$0x1B900] =	vst v63  }
0x2a: {  	_ = 	snop  }
0x2b: {  	[spmem:s3] =	stream.indirect.scatter.add.f32 [tilespmem:s18], [sflag:$0x3], $0x80, s17, s19, $0xb8;
	[tilespmem:$0x1B900] =	vst v63  }
0x2c: {  	_ =	swait.ge [sflag:s16], $0x2800  }
0x2d: {  	[sflag:s16] =	ssyncset.done $0x0  }
0x2e: {  	[sflag:s16] =	ssyncadd.s32 $0xFFFFD800  }
0x2f: {  	_ =	swait.ge [sflag:s22], $0x2800  }
0x30: {  	[sflag:s22] =	ssyncset.done $0x0  }
0x31: {  	[sflag:s22] =	ssyncadd.s32 $0xFFFFD800  }
0x32: {  	[spmem:s3] =	stream.indirect.scatter.add.f32 [tilespmem:s20], [sflag:$0x3], $0x80, s17, s19, $0xb8;
	[tilespmem:$0x1B900] =	vst v63  }
0x33: {  	_ =	swait.ge [sflag:s16], $0x2800  }
0x34: {  	[sflag:s16] =	ssyncset.done $0x0  }
0x35: {  	[sflag:s16] =	ssyncadd.s32 $0xFFFFD800  }
0x36: {  	_ =	swait.ge [sflag:s23], $0x2800  }
0x37: {  	[sflag:s23] =	ssyncset.done $0x0  }
0x38: {  	[sflag:s23] =	ssyncadd.s32 $0xFFFFD800  }
0x39: {  	[spmem:s3] =	stream.indirect.scatter.add.f32 [tilespmem:s21], [sflag:$0x3], $0x80, s17, s19, $0xb8;
	[tilespmem:$0x1B900] =	vst v63  }
0x3a: {  	_ =	swait.ge [sflag:s16], $0x2800  }
0x3b: {  	[sflag:s16] =	ssyncset.done $0x0  }
0x3c: {  	s28 =	simm.s32 $0x0;
	[sflag:s16] =	ssyncadd.s32 $0xFFFFD800  }
0x3d: {  	v2 =	vld [tilespmem:s28+$0x5140]  }
0x3e: {  	v0 =	vld [tilespmem:s28+$0x5150]  }
0x3f: {  	v3 =	vld [tilespmem:s28+$0x2940]  }
0x40: {  	v1 =	vld [tilespmem:s28+$0x2950]  }
0x41: {  	v6 =	vld [tilespmem:s28+$0x140]  }
0x42: {  	v7 =	vld [tilespmem:s28+$0x150]  }
0x43: {  	v5 =	vld [tilespmem:s28+$0x160]  }
0x44: {  	v4 =	vld [tilespmem:s28+$0x170]  }
0x45: {  	v10 =	vld [tilespmem:s28+$0x100]  }
0x46: {  	v9 =	vld [tilespmem:s28+$0x110]  }
0x47: {  	s29 =	simm.s32 $0x200;
	v8 =	vld [tilespmem:s28+$0x120]  }
.LBB2_3:
0x48: {  	p0 =	sne.s32 s29, $0x9E00;
	v11 =	vld [tilespmem:s28+$0x130]  }
0x49: {  	v12 =	vld [tilespmem:s28+$0x2960]  }
0x4a: {  	v6 =	vadd.f32 v6, v10;
	v10 =	vld [tilespmem:s28+$0x2970]  }
0x4b: {  	v7 =	vadd.f32 v7, v9;
	v9 =	vld [tilespmem:s28+$0x5160]  }
0x4c: {  	s30 =	sshra.s32 s29, $0x2;
	v3 =	vadd.f32 v3, v6;
	v5 =	vadd.f32 v5, v8;
	v8 =	vld [tilespmem:s28+$0x5170]  }
0x4d: {  	v13 =	vld [tilespmem:s30+$0x5140];
	v1 =	vadd.f32 v1, v7;
	v4 =	vadd.f32 v4, v11  }
0x4e: {  	v11 =	vld [tilespmem:s30+$0x5150];
	v2 =	vadd.f32 v2, v3;
	v5 =	vadd.f32 v12, v5  }
0x4f: {  	v3 =	vld [tilespmem:s30+$0x2940];
	v0 =	vadd.f32 v0, v1;
	v4 =	vadd.f32 v10, v4  }
0x50: {  	v1 =	vld [tilespmem:s30+$0x2950];
	[tilespmem:s28+$0x100] =	vst v2;
	v5 =	vadd.f32 v9, v5  }
0x51: {  	v6 =	vld [tilespmem:s30+$0x140];
	[tilespmem:s28+$0x110] =	vst v0;
	v4 =	vadd.f32 v8, v4  }
0x52: {  	v7 =	vld [tilespmem:s30+$0x150];
	[tilespmem:s28+$0x120] =	vst v5;
	v2 =	vmov v13  }
.Ltmp0:
0x53: {  	v5 =	vld [tilespmem:s30+$0x160];
	[tilespmem:s28+$0x130] =	vst v4;
	v0 =	vmov v11;
	s28 =	smov.u32 s30;
	(pc) =	sbr.rel @p0 .LBB2_3-.Ltmp0, $4  }
0x54: {  	v4 =	vld [tilespmem:s28+$0x170]  }
0x55: {  	v10 =	vld [tilespmem:s28+$0x100]  }
0x56: {  	v9 =	vld [tilespmem:s28+$0x110]  }
0x57: {  	s29 =	sadd.s32 $0x200, s29;
	v8 =	vld [tilespmem:s28+$0x120]  }
0x58: {  	v11 =	vld [tilespmem:s28+$0x130]  }
0x59: {  	v12 =	vld [tilespmem:s28+$0x2960]  }
0x5a: {  	v57 =	vld [tilespmem:s28+$0x2970];
	v6 =	vadd.f32 v6, v10  }
0x5b: {  	v58 =	vld [tilespmem:s28+$0x5160];
	v7 =	vadd.f32 v7, v9  }
0x5c: {  	v59 =	vld [tilespmem:s28+$0x5170];
	v3 =	vadd.f32 v3, v6;
	v5 =	vadd.f32 v5, v8  }
0x5d: {  	v1 =	vadd.f32 v1, v7;
	v4 =	vadd.f32 v4, v11  }
0x5e: {  	v2 =	vadd.f32 v2, v3;
	v60 =	vadd.f32 v12, v5  }
0x5f: {  	v0 =	vadd.f32 v0, v1;
	v61 =	vadd.f32 v57, v4  }
0x60: {  	[tilespmem:s28+$0x100] =	vst v2;
	v62 =	vadd.f32 v58, v60  }
0x61: {  	s25 =	sadd.s32 $0x1, s25;
	[tilespmem:s28+$0x110] =	vst v0;
	v63 =	vadd.f32 v59, v61  }
0x62: {  	p0 =	sne.s32 s25, $0x7D;
	[tilespmem:s28+$0x120] =	vst v62  }
.Ltmp1:
0x63: {  	s26 =	sadd.s32 s10, s26;
	[tilespmem:s28+$0x130] =	vst v63;
	(pc) =	sbr.rel @p0 .LBB2_2-.Ltmp1, $4  }
0x64: {  	[hbm4b:s26+s4] =	stream.linear.scatter [tilespmem:s18], [sflag:$0x3], $0x2800, $0x38;
	[tilespmem:$0x1B900] =	vst v63  }
0x65: {  	_ =	swait.ge [sflag:s16], $0x2800  }
0x66: {  	[sflag:s16] =	ssyncset.done $0x0  }
0x67: {  	[sflag:s16] =	ssyncadd.s32 $0xFFFFD800  }
0x68: {  	s24 =	sadd.s32 $0x1, s24  }
0x69: {  	p0 =	sne.s32 s24, s14  }
.Ltmp2:
0x6a: {  	[bflag:$0x0] =	sbarrier.arrive $0xFFFF;
	(pc) =	sbr.rel @p0 .LBB2_1-.Ltmp2, $4  }
0x6b: {  	[hbm:s13], [sflag:s11] =	dma.local [spmem:s15], $0x2800  }
0x6c: {  	_ =	swait.ge [sflag:s16], $0x2800  }
0x6d: {  	[sflag:s16] =	ssyncset.done $0x0  }
0x6e: {  	[sflag:s16] =	ssyncadd.s32 $0xFFFFD800  }
0x6f: {  	_ =	sfence.sel $0x180000  }
0x70: {  	[bflag:$0x0] =	sbarrier.arrive $0xFFFF  }
0x71: {  	p0 =	sne.s32 s2, $0x0;
	_ =	strace $0x9000004D  }
0x72: {  	s0 =	sadd.s32 @!p0 $0x100000, s0;
	[bflag:$0x2] =	sbarrier.arrive $0xFFFF  }
0x73: {  	[sflag:s0] =	ssyncadd.tile.s32 @!p0 $0x1;
	_ =	shalt  }
.Lfunc_end2:
_tile_overlayer_lowered:
.L_overlay_start_2:
0x74: {  	(tag) =	ssettag $0x2  }
0x75: {  	s0 =	rddreg [dreg:$0x0];
	s2 =	stileid.u32  }
0x76: {  	s1 =	rddreg [dreg:$0x1];
	p0 =	sne.s32 s2, $0x0  }
0x77: {  	s3 =	rddreg [dreg:$0x2];
	[bflag:$0x3] =	sbarrier.arrive $0xFFFF;
	s2 =	simm.s32 @!p0 $0x1C03  }
0x78: {  	[timem:s3], [sflag:s2] =	dma.local @!p0 [hbm:s0], s1  }
0x79: {  	s0 =	simm.s32 @!p0 $0x3  }
0x7a: {  	_ =	swait.ge @!p0 [sflag:s0], s1  }
0x7b: {  	s1 =	ssub.s32 @!p0 $0x0, s1;
	[sflag:s0] =	ssyncset.done @!p0 $0x0  }
0x7c: {  	[sflag:s0] =	ssyncadd.s32 @!p0 s1  }
0x7d: {  	[bflag:$0x3] =	sbarrier.arrive $0xFFFF  }
0x7e: {  	_ =	shalt  }

// kernel: kernel.27.cloned.1.call-start
scs
__scs_entry_jumppad:
0x0: {  	(pc) =	sbr.rel $0x88, $3  }
0x1: {  	(tag) =	ssettag $0x0;
	lr =	simm.s32 $0x1  }
0x2: {  	[smem:$0x3F92] =	sst lr;
	_ =	strace $0xD0000000  }
0x3: {  	_ = 	snop  }
0x4: {  	_ = 	snop  }
0x5: {  	_ = 	snop  }
0x6: {  	_ = 	snop  }
0x7: {  	_ = 	snop  }
__scs_overlays_trampoline_lowered:
0x8: {  	[smem:$0x3FA1] =	sst s0  }
0x9: {  	[smem:$0x3FA2] =	sst s1  }
0xa: {  	[smem:$0x3FA3] =	sst s2  }
0xb: {  	[smem:$0x3FA4] =	sst s3  }
0xc: {  	[smem:$0x3FA5] =	sst s4  }
0xd: {  	[smem:$0x3FA6] =	sst s5  }
0xe: {  	[smem:$0x3FA7] =	sst s6  }
0xf: {  	[smem:$0x3FA8] =	sst s7  }
0x10: {  	[smem:$0x3FA9] =	sst s8  }
0x11: {  	[smem:$0x3FAA] =	sst s9;
	s0 =	simm.s32 @!p0 $0x0  }
0x12: {  	s1 =	sld [smem:$0x3F90];
	s0 =	simm.s32 @p0 $0x1  }
0x13: {  	[smem:$0x3FAB] =	sst s0;
	s0 =	simm.s32 @!p1 $0x0  }
0x14: {  	s2 =	sld [smem:$0x3F8F];
	s0 =	simm.s32 @p1 $0x1  }
0x15: {  	[smem:$0x3FAC] =	sst s0;
	s0 =	simm.s32 @!p2 $0x0  }
0x16: {  	s3 =	sld [smem:$0x3FDB];
	s0 =	simm.s32 @p2 $0x1  }
0x17: {  	s4 =	simm.s32 $0x1BF5;
	[smem:$0x3FAE] =	sst s0  }
0x18: {  	s0 =	sld [smem:$0x3F91];
	_ =	swait.ge [sflag:s4], $0x0  }
0x19: {  	s7 =	sld [smem:$0x3F92]  }
0x1a: {  	s8 =	sadd.s32 $0xFFFFE003, lr  }
0x1b: {  	s9 =	sadd.s32 $0xFFFFFEF7, lr;
	s5 =	simm.s32 $0xFFFFFFFF;
	p2 =	slt.u32 s8, $0xFFFFF086  }
0x1c: {  	p1 =	slt.u32 s9, $0xF7A;
	s5 =	simm.s32 @!p2 $0x0  }
0x1d: {  	s5 =	simm.s32 @p1 $0x1;
	p0 =	seq.s32 s7, s2  }
0x1e: {  	s7 =	smul.u32 @!p0 $0xF7A, s2;
	p2 =	seq.s32 @!p0 s5, $0x0  }
0x1f: {  	s9 =	smul.u32 $0xF7A, s1;
	s8 =	simm.s32 @!p0 $0x1BF5;
	p2 =	por !p2, p0  }
0x20: {  	[sflag:s8] =	ssyncset.s32 @!p0 $0xFFFFF086;
	s6 =	sadd.s32 @!p0 s3, s7;
	s7 =	simm.s32 @!p0 $0x108  }
0x21: {  	s3 =	sadd.s32 s3, s9;
	s6 =	sadd.s32 @!p0 $0x88, s6;
	s7 =	simm.s32 @p2 $0x1082  }
0x22: {  	[simem:s7], [sflag:s8] =	dma.local @!p0 [hbm:s6], $0xF7A  }
0x23: {  	s9 =	sor.u32 $0xD0000000, s2;
	s6 =	simm.s32 $0x108;
	_ =	swait.ge @!p0 [sflag:s8], $0x0  }
0x24: {  	s3 =	sadd.s32 $0x88, s3;
	s6 =	simm.s32 @!p1 $0x1082;
	[sflag:s4] =	ssyncset.s32 $0xFFFFF086  }
0x25: {  	[simem:s6], [sflag:s4] =	dma.local [hbm:s3], $0xF7A  }
0x26: {  	[smem:$0x3F92] =	sst s1;
	(tag) =	ssettag s2;
	_ =	strace s9  }
0x27: {  	s1 =	sld [smem:$0x3FA2]  }
0x28: {  	s2 =	sld [smem:$0x3FA3]  }
0x29: {  	s4 =	sld [smem:$0x3FA5]  }
0x2a: {  	p0 =	seq.s32 s5, $0x0;
	s5 =	sld [smem:$0x3FA6]  }
0x2b: {  	s6 =	sld [smem:$0x3FA7]  }
0x2c: {  	s7 =	sld [smem:$0x3FA8]  }
0x2d: {  	s3 =	simm.s32 $0x108;
	s8 =	sld [smem:$0x3FA9]  }
0x2e: {  	s3 =	simm.s32 @!p0 $0x1082;
	s9 =	sld [smem:$0x3FAA]  }
0x2f: {  	lr =	sadd.s32 s0, s3;
	s0 =	sld [smem:$0x3FA1]  }
0x30: {  	s3 =	sld [smem:$0x3FA4]  }
0x31: {  	[smem:$0x3FAD] =	sst s10  }
0x32: {  	s10 =	sld [smem:$0x3FAB];
	_ =	sdelay $0x3  }
0x33: {  	p0 =	seq.s32 s10, $0x1;
	s10 =	sld [smem:$0x3FAD];
	_ =	sdelay $0x3  }
0x34: {  	[smem:$0x3FAD] =	sst s10  }
0x35: {  	s10 =	sld [smem:$0x3FAC];
	_ =	sdelay $0x3  }
0x36: {  	p1 =	seq.s32 s10, $0x1;
	s10 =	sld [smem:$0x3FAD];
	_ =	sdelay $0x3  }
0x37: {  	[smem:$0x3FAD] =	sst s10  }
0x38: {  	s10 =	sld [smem:$0x3FAE]  }
0x39: {  	_ = 	snop;
	(pc) =	sbr.ind lr, $3  }
0x3a: {  	_ = 	snop  }
0x3b: {  	_ = 	snop  }
0x3c: {  	p2 =	seq.s32 s10, $0x1;
	s10 =	sld [smem:$0x3FAD]  }
0x3d: {  	_ =	shalt  }
0x3e: {  	_ =	shalt  }
0x3f: {  	_ =	shalt  }
0x40: {  	_ =	shalt  }
0x41: {  	_ =	shalt  }
0x42: {  	_ =	shalt  }
0x43: {  	_ =	shalt  }
0x44: {  	_ =	shalt  }
0x45: {  	_ =	shalt  }
0x46: {  	_ =	shalt  }
0x47: {  	_ =	shalt  }
0x48: {  	_ =	shalt  }
0x49: {  	_ =	shalt  }
0x4a: {  	_ =	shalt  }
0x4b: {  	_ =	shalt  }
0x4c: {  	_ =	shalt  }
0x4d: {  	_ =	shalt  }
0x4e: {  	_ =	shalt  }
0x4f: {  	_ =	shalt  }
0x50: {  	_ =	shalt  }
0x51: {  	_ =	shalt  }
0x52: {  	_ =	shalt  }
0x53: {  	_ =	shalt  }
0x54: {  	_ =	shalt  }
0x55: {  	_ =	shalt  }
0x56: {  	_ =	shalt  }
0x57: {  	_ =	shalt  }
0x58: {  	_ =	shalt  }
0x59: {  	_ =	shalt  }
0x5a: {  	_ =	shalt  }
0x5b: {  	_ =	shalt  }
0x5c: {  	_ =	shalt  }
0x5d: {  	_ =	shalt  }
0x5e: {  	_ =	shalt  }
0x5f: {  	_ =	shalt  }
0x60: {  	_ =	shalt  }
0x61: {  	_ =	shalt  }
0x62: {  	_ =	shalt  }
0x63: {  	_ =	shalt  }
0x64: {  	_ =	shalt  }
0x65: {  	_ =	shalt  }
0x66: {  	_ =	shalt  }
0x67: {  	_ =	shalt  }
0x68: {  	_ =	shalt  }
0x69: {  	_ =	shalt  }
0x6a: {  	_ =	shalt  }
0x6b: {  	_ =	shalt  }
0x6c: {  	_ =	shalt  }
0x6d: {  	_ =	shalt  }
0x6e: {  	_ =	shalt  }
0x6f: {  	_ =	shalt  }
0x70: {  	_ =	shalt  }
0x71: {  	_ =	shalt  }
0x72: {  	_ =	shalt  }
0x73: {  	_ =	shalt  }
0x74: {  	_ =	shalt  }
0x75: {  	_ =	shalt  }
0x76: {  	_ =	shalt  }
0x77: {  	_ =	shalt  }
0x78: {  	_ =	shalt  }
0x79: {  	_ =	shalt  }
0x7a: {  	_ =	shalt  }
0x7b: {  	_ =	shalt  }
0x7c: {  	_ =	shalt  }
0x7d: {  	_ =	shalt  }
0x7e: {  	_ =	shalt  }
0x7f: {  	_ =	shalt  }
0x80: {  	_ =	shalt  }
0x81: {  	_ =	shalt  }
0x82: {  	_ =	shalt  }
0x83: {  	_ =	shalt  }
0x84: {  	_ =	shalt  }
0x85: {  	_ =	shalt  }
0x86: {  	_ =	shalt  }
0x87: {  	_ =	shalt  }
.Lfunc_end0:
.L_simem_size_0:
called_computation.3_lowered:
.L_overlay_start_0:
0x88: {  	s2 =	sld [smem:$0x3FD9]  }
0x89: {  	s3 =	sld [smem:$0x3FFE];
	_ =	sdelay $0x1  }
0x8a: {  	s1 =	srdreg.scid  }
0x8b: {  	s0 =	sand.u32 $0x1, s1  }
0x8c: {  	s17 =	sshll.u32 s0, $0xA;
	s2 =	sadd.s32 s3, s2  }
0x8d: {  	s2 =	sadd.s32 s2, s17  }
0x8e: {  	[smem:$0x3FB9] =	sst s2  }
0x8f: {  	_ = 	snop  }
0x90: {  	s2 =	sld [smem:$0x3FD0];
	(tm) =	ssettm $0x1  }
0x91: {  	s18 =	sld [smem:$0x3FFB];
	_ =	sdelay $0x3  }
0x92: {  	_ =	strace s18  }
0x93: {  	s3 =	sld [smem:$0x3FFC];
	_ =	sdelay $0x3  }
0x94: {  	_ =	strace s3  }
0x95: {  	s3 =	sld [smem:$0x3FFD];
	_ =	sdelay $0x3  }
0x96: {  	_ =	strace s3  }
0x97: {  	_ =	strace $0x8FFFFFFF  }
0x98: {  	s19 =	sld [smem:$0x3FDB];
	_ =	sdelay $0x1  }
0x99: {  	s4 =	simm.s32 $_scs_section_size  }
0x9a: {  	s5 =	simm.s32 $_size__tile_overlayer_lowered;
	s6 =	simm.s32 $_tile_overlayer_lowered  }
0x9b: {  	s22 =	simm.s32 $0x1BFF;
	s21 =	sshll.u32 s6, $0x1;
	s3 =	sadd.s32 s4, s19  }
0x9c: {  	s7 =	simm.s32 $0x0;
	s20 =	sshll.u32 s5, $0x1;
	s5 =	sadd.s32 s21, s3  }
0x9d: {  	[timem:s7], [sflag:s22] =	dma.local [hbm:s5], s20  }
0x9e: {  	_ =	swait.ge [sflag:s22], s20  }
0x9f: {  	s4 =	ssub.s32 $0x0, s20;
	[sflag:s22] =	ssyncset.done $0x0  }
0xa0: {  	[sflag:s22] =	ssyncadd.s32 s4;
	_ =	sdelay $0x1  }
0xa1: {  	s23 =	simm.s32 $0x1B8B  }
0xa2: {  	_ =	swait.ge [sflag:s23], $0x1  }
0xa3: {  	[sflag:s23] =	ssyncset.done $0x0  }
0xa4: {  	s25 =	simm.s32 $0x1B8E;
	s24 =	sld [smem:$0x3FFE];
	[sflag:s23] =	ssyncadd.s32 $0xFFFFFFFF  }
0xa5: {  	s26 =	simm.s32 $execute0_lowered;
	[smem:$0x3FD2] =	sst s25  }
0xa6: {  	s5 =	sshll.u32 s26, $0x1;
	_ =	strace $0x8000004F;
	[dreg:$0x1] =	wrdreg $0xFFFFFFFF  }
0xa7: {  	s28 =	simm.s32 $_size_execute0_lowered;
	s3 =	sadd.s32 s3, s5;
	[dreg:$0x0] =	wrdreg $0x0  }
0xa8: {  	s5 =	sshll.u32 s28, $0x1;
	[dreg:$0x2] =	wrdreg s3  }
0xa9: {  	[dreg:$0x3] =	wrdreg s5  }
0xaa: {  	[dreg:$0x4] =	wrdreg $0xC0  }
0xab: {  	_ =	task [dreg:s7], $0x5FFFF  }
0xac: {  	[dreg:$0x1] =	wrdreg $0xFFFFFFFF  }
0xad: {  	[dreg:$0x0] =	wrdreg $0x60  }
0xae: {  	[dreg:$0x2] =	wrdreg s24  }
0xaf: {  	[dreg:$0x3] =	wrdreg s2  }
0xb0: {  	[dreg:$0x4] =	wrdreg $0x79000  }
0xb1: {  	[dreg:$0x5] =	wrdreg $0x9  }
0xb2: {  	_ =	task.clear_ibuf [dreg:s7], $0x6FFFF;
	_ =	strace $0x9000004F  }
0xb3: {  	s29 =	simm.s32 $0x9;
	_ =	strace $0x80000051  }
0xb4: {  	_ =	swait.ge [sflag:s29], $0x1  }
0xb5: {  	[sflag:s29] =	ssyncadd.s32 $0xFFFFFFFF  }
0xb6: {  	_ =	strace $0x90000051  }
0xb7: {  	_ =	sfence  }
0xb8: {  	s30 =	sld [smem:$0x0];
	_ =	sdelay $0x2  }
0xb9: {  	s31 =	sshll.u32 s1, $0xD;
	s1 =	sshrl.u32 s1, $0x2  }
0xba: {  	s3 =	sand.u32 $0x4000, s31;
	s1 =	sadd.s32 s1, s30  }
0xbb: {  	s0 =	sor.u32 s3, s0;
	s1 =	sshll.u32 s1, $0x11  }
0xbc: {  	s0 =	sor.u32 s1, s0  }
0xbd: {  	s0 =	sadd.s32 $0x8F2B, s0  }
0xbe: {  	[sflag:s0] =	ssyncadd.remote.s32 $0x1  }
0xbf: {  	_ =	sfence.sel $0xFFFF  }
0xc0: {  	[dreg:$0x0] =	wrdreg $0xFFFFFFFF;
	(pc) =	sbr.abs _section_cstart, $3  }
0xc1: {  	[dreg:$0x1] =	wrdreg $0xFFFFFFFF  }
0xc2: {  	_ =	task.clear_ibuf [dreg:s7], $0x2FFFF;
	_ =	strace $0x9FFFFFFF  }
0xc3: {  	(tm) =	ssettm $0x7FFFFFFF  }
tec
execute0_lowered:
.L_overlay_start_1:
0x0: {  	(tag) =	ssettag $0x1  }
0x1: {  	s10 =	rddreg [dreg:$0x0]  }
0x2: {  	s1 =	rddreg [dreg:$0x1]  }
0x3: {  	s3 =	rddreg [dreg:$0x2]  }
0x4: {  	s0 =	rddreg [dreg:$0x3]  }
0x5: {  	s4 =	simm.s32 $0x0;
	s5 =	srdreg.scid;
	s2 =	stileid.u32  }
0x6: {  	s17 =	simm.s32 $0x80;
	s18 =	simm.s32 $0x100;
	s19 =	simm.s32 $0x50  }
0x7: {  	s20 =	simm.s32 $0x2900;
	s21 =	simm.s32 $0x5100;
	s22 =	simm.s32 $0x1  }
0x8: {  	s23 =	simm.s32 $0x2;
	s24 =	simm.s32 $0x0;
	[smem:$0x7FF] =	sst s4  }
0x9: {  	s11 =	sand.u32 $0x1, s5;
	s12 =	smul.u32 $0x2800, s2;
	s5 =	sadd.s32 $0x4F2000, s10  }
0xa: {  	s6 =	sadd.s32 $0x4FCE00, s10;
	s7 =	sadd.s32 $0x12800, s10;
	s8 =	sadd.s32 $0x39A00, s10  }
0xb: {  	s9 =	sadd.s32 $0x10000, s10;
	s15 =	smul.u32 $0x50000, s2;
	s31 =	sshll.u32 s2, $0x6  }
0xc: {  	s13 =	smul.u32 $0x28000, s11;
	s26 =	ssub.s32 $0x2, s11;
	s11 =	sshll.u32 s11, $0x4  }
0xd: {  	_ =	strace $0x80000050;
	s28 =	sshrl.u32 s26, $0x1;
	s29 =	sor.u32 s2, s11  }
0xe: {  	s30 =	sshrl.u32 s15, $0x2;
	s11 =	sor.u32 $0x1C03, s31;
	s12 =	sadd.s32 s12, s13  }
0xf: {  	s16 =	ssub.s32 s26, s28;
	s15 =	sadd.s32 s30, s3;
	s14 =	sadd.s32 s12, s10  }
0x10: {  	s10 =	sadd.s32 $0x9DEE00, s10;
	s12 =	smul.u32 $0x2710, s29;
	s15 =	sshrl.u32 s15, $0x3  }
0x11: {  	s13 =	sadd.s32 $0x8CC00, s14;
	s14 =	smax.u32 s16, $0x1;
	s16 =	simm.s32 $0x3  }
.LBB2_1:
0x12: {  	[spmem:s15], [sflag:s11] =	dma.local [hbm:s9], $0x2800  }
0x13: {  	_ =	swait.ge [sflag:s16], $0x2800  }
0x14: {  	[sflag:s16] =	ssyncset.done $0x0  }
0x15: {  	[sflag:s16] =	ssyncadd.s32 $0xFFFFD800  }
0x16: {  	s25 =	simm.s32 $0x0;
	[bflag:$0x0] =	sbarrier.arrive $0xFFFF  }
.LBB2_2:
0x17: {  	s26 =	smul.u32 $0x50, s25;
	_ =	sdelay $0x1  }
0x18: {  	s26 =	sadd.s32 s12, s26  }
0x19: {  	s28 =	sshrl.u32 s26, $0x3  }
0x1a: {  	s30 =	simm.s32 $0x0;
	s29 =	sadd.s32 s5, s28  }
0x1b: {  	[tilespmem:s30], [sflag:$0x3] =	stream.linear.gather [hbm4b:s29+s30], $0x50, $0x38;
	[tilespmem:$0x1B900] =	vst v63  }
0x1c: {  	_ =	swait.ge [sflag:s16], $0x50  }
0x1d: {  	[sflag:s16] =	ssyncset.done $0x0  }
0x1e: {  	s28 =	sadd.s32 s1, s28;
	[sflag:s16] =	ssyncadd.s32 $0xFFFFFFB0  }
0x1f: {  	[tilespmem:s17], [sflag:$0x3] =	stream.linear.gather [hbm4b:s28+s30], $0x50, $0x38;
	[tilespmem:$0x1B900] =	vst v63  }
0x20: {  	_ =	swait.ge [sflag:s16], $0x50  }
0x21: {  	s26 =	sshll.u32 s26, $0x4;
	[sflag:s16] =	ssyncset.done $0x0  }
0x22: {  	s28 =	sadd.s32 s6, s26;
	[sflag:s16] =	ssyncadd.s32 $0xFFFFFFB0  }
0x23: {  	[tilespmem:s18], [sflag:$0x3] =	stream.linear.gather [hbm4b:s28+s30], $0x2800, $0x38;
	[tilespmem:$0x1B900] =	vst v63  }
0x24: {  	_ =	swait.ge [sflag:s16], $0x2800  }
0x25: {  	[sflag:s16] =	ssyncset.done $0x0  }
0x26: {  	[sflag:s16] =	ssyncadd.s32 $0xFFFFD800  }
0x27: {  	[tilespmem:s20], [sflag:$0x1] =	stream.indirect.gather [hbm4b:s7+s19], $0x80, s30, s19, $0xb8;
	[tilespmem:$0x1B900] =	vst v63  }
0x28: {  	_ = 	snop  }
0x29: {  	[tilespmem:s21], [sflag:$0x2] =	stream.indirect.gather [hbm4b:s8+s19], $0x80, s17, s19, $0xb8;
	[tilespmem:$0x1B900] =	vst v63  }
0x2a: {  	_ = 	snop  }
0x2b: {  	[spmem:s3] =	stream.indirect.scatter.add.f32 [tilespmem:s18], [sflag:$0x3], $0x80, s17, s19, $0xb8;
	[tilespmem:$0x1B900] =	vst v63  }
0x2c: {  	_ =	swait.ge [sflag:s16], $0x2800  }
0x2d: {  	[sflag:s16] =	ssyncset.done $0x0  }
0x2e: {  	[sflag:s16] =	ssyncadd.s32 $0xFFFFD800  }
0x2f: {  	_ =	swait.ge [sflag:s22], $0x2800  }
0x30: {  	[sflag:s22] =	ssyncset.done $0x0  }
0x31: {  	[sflag:s22] =	ssyncadd.s32 $0xFFFFD800  }
0x32: {  	[spmem:s3] =	stream.indirect.scatter.add.f32 [tilespmem:s20], [sflag:$0x3], $0x80, s17, s19, $0xb8;
	[tilespmem:$0x1B900] =	vst v63  }
0x33: {  	_ =	swait.ge [sflag:s16], $0x2800  }
0x34: {  	[sflag:s16] =	ssyncset.done $0x0  }
0x35: {  	[sflag:s16] =	ssyncadd.s32 $0xFFFFD800  }
0x36: {  	_ =	swait.ge [sflag:s23], $0x2800  }
0x37: {  	[sflag:s23] =	ssyncset.done $0x0  }
0x38: {  	[sflag:s23] =	ssyncadd.s32 $0xFFFFD800  }
0x39: {  	[spmem:s3] =	stream.indirect.scatter.add.f32 [tilespmem:s21], [sflag:$0x3], $0x80, s17, s19, $0xb8;
	[tilespmem:$0x1B900] =	vst v63  }
0x3a: {  	_ =	swait.ge [sflag:s16], $0x2800  }
0x3b: {  	[sflag:s16] =	ssyncset.done $0x0  }
0x3c: {  	s28 =	simm.s32 $0x0;
	[sflag:s16] =	ssyncadd.s32 $0xFFFFD800  }
0x3d: {  	v2 =	vld [tilespmem:s28+$0x5140]  }
0x3e: {  	v0 =	vld [tilespmem:s28+$0x5150]  }
0x3f: {  	v3 =	vld [tilespmem:s28+$0x2940]  }
0x40: {  	v1 =	vld [tilespmem:s28+$0x2950]  }
0x41: {  	v6 =	vld [tilespmem:s28+$0x140]  }
0x42: {  	v7 =	vld [tilespmem:s28+$0x150]  }
0x43: {  	v5 =	vld [tilespmem:s28+$0x160]  }
0x44: {  	v4 =	vld [tilespmem:s28+$0x170]  }
0x45: {  	v10 =	vld [tilespmem:s28+$0x100]  }
0x46: {  	v9 =	vld [tilespmem:s28+$0x110]  }
0x47: {  	s29 =	simm.s32 $0x200;
	v8 =	vld [tilespmem:s28+$0x120]  }
.LBB2_3:
0x48: {  	p0 =	sne.s32 s29, $0x9E00;
	v11 =	vld [tilespmem:s28+$0x130]  }
0x49: {  	v12 =	vld [tilespmem:s28+$0x2960]  }
0x4a: {  	v6 =	vadd.f32 v6, v10;
	v10 =	vld [tilespmem:s28+$0x2970]  }
0x4b: {  	v7 =	vadd.f32 v7, v9;
	v9 =	vld [tilespmem:s28+$0x5160]  }
0x4c: {  	s30 =	sshra.s32 s29, $0x2;
	v3 =	vadd.f32 v3, v6;
	v5 =	vadd.f32 v5, v8;
	v8 =	vld [tilespmem:s28+$0x5170]  }
0x4d: {  	v13 =	vld [tilespmem:s30+$0x5140];
	v1 =	vadd.f32 v1, v7;
	v4 =	vadd.f32 v4, v11  }
0x4e: {  	v11 =	vld [tilespmem:s30+$0x5150];
	v2 =	vadd.f32 v2, v3;
	v5 =	vadd.f32 v12, v5  }
0x4f: {  	v3 =	vld [tilespmem:s30+$0x2940];
	v0 =	vadd.f32 v0, v1;
	v4 =	vadd.f32 v10, v4  }
0x50: {  	v1 =	vld [tilespmem:s30+$0x2950];
	[tilespmem:s28+$0x100] =	vst v2;
	v5 =	vadd.f32 v9, v5  }
0x51: {  	v6 =	vld [tilespmem:s30+$0x140];
	[tilespmem:s28+$0x110] =	vst v0;
	v4 =	vadd.f32 v8, v4  }
0x52: {  	v7 =	vld [tilespmem:s30+$0x150];
	[tilespmem:s28+$0x120] =	vst v5;
	v2 =	vmov v13  }
.Ltmp0:
0x53: {  	v5 =	vld [tilespmem:s30+$0x160];
	[tilespmem:s28+$0x130] =	vst v4;
	v0 =	vmov v11;
	s28 =	smov.u32 s30;
	(pc) =	sbr.rel @p0 .LBB2_3-.Ltmp0, $4  }
0x54: {  	v4 =	vld [tilespmem:s28+$0x170]  }
0x55: {  	v10 =	vld [tilespmem:s28+$0x100]  }
0x56: {  	v9 =	vld [tilespmem:s28+$0x110]  }
0x57: {  	s29 =	sadd.s32 $0x200, s29;
	v8 =	vld [tilespmem:s28+$0x120]  }
0x58: {  	v11 =	vld [tilespmem:s28+$0x130]  }
0x59: {  	v12 =	vld [tilespmem:s28+$0x2960]  }
0x5a: {  	v57 =	vld [tilespmem:s28+$0x2970];
	v6 =	vadd.f32 v6, v10  }
0x5b: {  	v58 =	vld [tilespmem:s28+$0x5160];
	v7 =	vadd.f32 v7, v9  }
0x5c: {  	v59 =	vld [tilespmem:s28+$0x5170];
	v3 =	vadd.f32 v3, v6;
	v5 =	vadd.f32 v5, v8  }
0x5d: {  	v1 =	vadd.f32 v1, v7;
	v4 =	vadd.f32 v4, v11  }
0x5e: {  	v2 =	vadd.f32 v2, v3;
	v60 =	vadd.f32 v12, v5  }
0x5f: {  	v0 =	vadd.f32 v0, v1;
	v61 =	vadd.f32 v57, v4  }
0x60: {  	[tilespmem:s28+$0x100] =	vst v2;
	v62 =	vadd.f32 v58, v60  }
0x61: {  	s25 =	sadd.s32 $0x1, s25;
	[tilespmem:s28+$0x110] =	vst v0;
	v63 =	vadd.f32 v59, v61  }
0x62: {  	p0 =	sne.s32 s25, $0x7D;
	[tilespmem:s28+$0x120] =	vst v62  }
.Ltmp1:
0x63: {  	s26 =	sadd.s32 s10, s26;
	[tilespmem:s28+$0x130] =	vst v63;
	(pc) =	sbr.rel @p0 .LBB2_2-.Ltmp1, $4  }
0x64: {  	[hbm4b:s26+s4] =	stream.linear.scatter [tilespmem:s18], [sflag:$0x3], $0x2800, $0x38;
	[tilespmem:$0x1B900] =	vst v63  }
0x65: {  	_ =	swait.ge [sflag:s16], $0x2800  }
0x66: {  	[sflag:s16] =	ssyncset.done $0x0  }
0x67: {  	[sflag:s16] =	ssyncadd.s32 $0xFFFFD800  }
0x68: {  	s24 =	sadd.s32 $0x1, s24  }
0x69: {  	p0 =	sne.s32 s24, s14  }
.Ltmp2:
0x6a: {  	[bflag:$0x0] =	sbarrier.arrive $0xFFFF;
	(pc) =	sbr.rel @p0 .LBB2_1-.Ltmp2, $4  }
0x6b: {  	[hbm:s13], [sflag:s11] =	dma.local [spmem:s15], $0x2800  }
0x6c: {  	_ =	swait.ge [sflag:s16], $0x2800  }
0x6d: {  	[sflag:s16] =	ssyncset.done $0x0  }
0x6e: {  	[sflag:s16] =	ssyncadd.s32 $0xFFFFD800  }
0x6f: {  	_ =	sfence.sel $0x180000  }
0x70: {  	[bflag:$0x0] =	sbarrier.arrive $0xFFFF  }
0x71: {  	p0 =	sne.s32 s2, $0x0;
	_ =	strace $0x90000050  }
0x72: {  	s0 =	sadd.s32 @!p0 $0x100000, s0;
	[bflag:$0x2] =	sbarrier.arrive $0xFFFF  }
0x73: {  	[sflag:s0] =	ssyncadd.tile.s32 @!p0 $0x1;
	_ =	shalt  }
.Lfunc_end2:
_tile_overlayer_lowered:
.L_overlay_start_2:
0x74: {  	(tag) =	ssettag $0x2  }
0x75: {  	s0 =	rddreg [dreg:$0x0];
	s2 =	stileid.u32  }
0x76: {  	s1 =	rddreg [dreg:$0x1];
	p0 =	sne.s32 s2, $0x0  }
0x77: {  	s3 =	rddreg [dreg:$0x2];
	[bflag:$0x3] =	sbarrier.arrive $0xFFFF;
	s2 =	simm.s32 @!p0 $0x1C03  }
0x78: {  	[timem:s3], [sflag:s2] =	dma.local @!p0 [hbm:s0], s1  }
0x79: {  	s0 =	simm.s32 @!p0 $0x3  }
0x7a: {  	_ =	swait.ge @!p0 [sflag:s0], s1  }
0x7b: {  	s1 =	ssub.s32 @!p0 $0x0, s1;
	[sflag:s0] =	ssyncset.done @!p0 $0x0  }
0x7c: {  	[sflag:s0] =	ssyncadd.s32 @!p0 s1  }
0x7d: {  	[bflag:$0x3] =	sbarrier.arrive $0xFFFF  }
0x7e: {  	_ =	shalt  }

// kernel: kernel.30.cloned.1.call-start
scs
__scs_entry_jumppad:
0x0: {  	(pc) =	sbr.rel $0x88, $3  }
0x1: {  	(tag) =	ssettag $0x0;
	lr =	simm.s32 $0x1  }
0x2: {  	[smem:$0x3F92] =	sst lr;
	_ =	strace $0xD0000000  }
0x3: {  	_ = 	snop  }
0x4: {  	_ = 	snop  }
0x5: {  	_ = 	snop  }
0x6: {  	_ = 	snop  }
0x7: {  	_ = 	snop  }
__scs_overlays_trampoline_lowered:
0x8: {  	[smem:$0x3FA1] =	sst s0  }
0x9: {  	[smem:$0x3FA2] =	sst s1  }
0xa: {  	[smem:$0x3FA3] =	sst s2  }
0xb: {  	[smem:$0x3FA4] =	sst s3  }
0xc: {  	[smem:$0x3FA5] =	sst s4  }
0xd: {  	[smem:$0x3FA6] =	sst s5  }
0xe: {  	[smem:$0x3FA7] =	sst s6  }
0xf: {  	[smem:$0x3FA8] =	sst s7  }
0x10: {  	[smem:$0x3FA9] =	sst s8  }
0x11: {  	[smem:$0x3FAA] =	sst s9;
	s0 =	simm.s32 @!p0 $0x0  }
0x12: {  	s1 =	sld [smem:$0x3F90];
	s0 =	simm.s32 @p0 $0x1  }
0x13: {  	[smem:$0x3FAB] =	sst s0;
	s0 =	simm.s32 @!p1 $0x0  }
0x14: {  	s2 =	sld [smem:$0x3F8F];
	s0 =	simm.s32 @p1 $0x1  }
0x15: {  	[smem:$0x3FAC] =	sst s0;
	s0 =	simm.s32 @!p2 $0x0  }
0x16: {  	s3 =	sld [smem:$0x3FDB];
	s0 =	simm.s32 @p2 $0x1  }
0x17: {  	s4 =	simm.s32 $0x1BF5;
	[smem:$0x3FAE] =	sst s0  }
0x18: {  	s0 =	sld [smem:$0x3F91];
	_ =	swait.ge [sflag:s4], $0x0  }
0x19: {  	s7 =	sld [smem:$0x3F92]  }
0x1a: {  	s8 =	sadd.s32 $0xFFFFE003, lr  }
0x1b: {  	s9 =	sadd.s32 $0xFFFFFEF7, lr;
	s5 =	simm.s32 $0xFFFFFFFF;
	p2 =	slt.u32 s8, $0xFFFFF086  }
0x1c: {  	p1 =	slt.u32 s9, $0xF7A;
	s5 =	simm.s32 @!p2 $0x0  }
0x1d: {  	s5 =	simm.s32 @p1 $0x1;
	p0 =	seq.s32 s7, s2  }
0x1e: {  	s7 =	smul.u32 @!p0 $0xF7A, s2;
	p2 =	seq.s32 @!p0 s5, $0x0  }
0x1f: {  	s9 =	smul.u32 $0xF7A, s1;
	s8 =	simm.s32 @!p0 $0x1BF5;
	p2 =	por !p2, p0  }
0x20: {  	[sflag:s8] =	ssyncset.s32 @!p0 $0xFFFFF086;
	s6 =	sadd.s32 @!p0 s3, s7;
	s7 =	simm.s32 @!p0 $0x108  }
0x21: {  	s3 =	sadd.s32 s3, s9;
	s6 =	sadd.s32 @!p0 $0x88, s6;
	s7 =	simm.s32 @p2 $0x1082  }
0x22: {  	[simem:s7], [sflag:s8] =	dma.local @!p0 [hbm:s6], $0xF7A  }
0x23: {  	s9 =	sor.u32 $0xD0000000, s2;
	s6 =	simm.s32 $0x108;
	_ =	swait.ge @!p0 [sflag:s8], $0x0  }
0x24: {  	s3 =	sadd.s32 $0x88, s3;
	s6 =	simm.s32 @!p1 $0x1082;
	[sflag:s4] =	ssyncset.s32 $0xFFFFF086  }
0x25: {  	[simem:s6], [sflag:s4] =	dma.local [hbm:s3], $0xF7A  }
0x26: {  	[smem:$0x3F92] =	sst s1;
	(tag) =	ssettag s2;
	_ =	strace s9  }
0x27: {  	s1 =	sld [smem:$0x3FA2]  }
0x28: {  	s2 =	sld [smem:$0x3FA3]  }
0x29: {  	s4 =	sld [smem:$0x3FA5]  }
0x2a: {  	p0 =	seq.s32 s5, $0x0;
	s5 =	sld [smem:$0x3FA6]  }
0x2b: {  	s6 =	sld [smem:$0x3FA7]  }
0x2c: {  	s7 =	sld [smem:$0x3FA8]  }
0x2d: {  	s3 =	simm.s32 $0x108;
	s8 =	sld [smem:$0x3FA9]  }
0x2e: {  	s3 =	simm.s32 @!p0 $0x1082;
	s9 =	sld [smem:$0x3FAA]  }
0x2f: {  	lr =	sadd.s32 s0, s3;
	s0 =	sld [smem:$0x3FA1]  }
0x30: {  	s3 =	sld [smem:$0x3FA4]  }
0x31: {  	[smem:$0x3FAD] =	sst s10  }
0x32: {  	s10 =	sld [smem:$0x3FAB];
	_ =	sdelay $0x3  }
0x33: {  	p0 =	seq.s32 s10, $0x1;
	s10 =	sld [smem:$0x3FAD];
	_ =	sdelay $0x3  }
0x34: {  	[smem:$0x3FAD] =	sst s10  }
0x35: {  	s10 =	sld [smem:$0x3FAC];
	_ =	sdelay $0x3  }
0x36: {  	p1 =	seq.s32 s10, $0x1;
	s10 =	sld [smem:$0x3FAD];
	_ =	sdelay $0x3  }
0x37: {  	[smem:$0x3FAD] =	sst s10  }
0x38: {  	s10 =	sld [smem:$0x3FAE]  }
0x39: {  	_ = 	snop;
	(pc) =	sbr.ind lr, $3  }
0x3a: {  	_ = 	snop  }
0x3b: {  	_ = 	snop  }
0x3c: {  	p2 =	seq.s32 s10, $0x1;
	s10 =	sld [smem:$0x3FAD]  }
0x3d: {  	_ =	shalt  }
0x3e: {  	_ =	shalt  }
0x3f: {  	_ =	shalt  }
0x40: {  	_ =	shalt  }
0x41: {  	_ =	shalt  }
0x42: {  	_ =	shalt  }
0x43: {  	_ =	shalt  }
0x44: {  	_ =	shalt  }
0x45: {  	_ =	shalt  }
0x46: {  	_ =	shalt  }
0x47: {  	_ =	shalt  }
0x48: {  	_ =	shalt  }
0x49: {  	_ =	shalt  }
0x4a: {  	_ =	shalt  }
0x4b: {  	_ =	shalt  }
0x4c: {  	_ =	shalt  }
0x4d: {  	_ =	shalt  }
0x4e: {  	_ =	shalt  }
0x4f: {  	_ =	shalt  }
0x50: {  	_ =	shalt  }
0x51: {  	_ =	shalt  }
0x52: {  	_ =	shalt  }
0x53: {  	_ =	shalt  }
0x54: {  	_ =	shalt  }
0x55: {  	_ =	shalt  }
0x56: {  	_ =	shalt  }
0x57: {  	_ =	shalt  }
0x58: {  	_ =	shalt  }
0x59: {  	_ =	shalt  }
0x5a: {  	_ =	shalt  }
0x5b: {  	_ =	shalt  }
0x5c: {  	_ =	shalt  }
0x5d: {  	_ =	shalt  }
0x5e: {  	_ =	shalt  }
0x5f: {  	_ =	shalt  }
0x60: {  	_ =	shalt  }
0x61: {  	_ =	shalt  }
0x62: {  	_ =	shalt  }
0x63: {  	_ =	shalt  }
0x64: {  	_ =	shalt  }
0x65: {  	_ =	shalt  }
0x66: {  	_ =	shalt  }
0x67: {  	_ =	shalt  }
0x68: {  	_ =	shalt  }
0x69: {  	_ =	shalt  }
0x6a: {  	_ =	shalt  }
0x6b: {  	_ =	shalt  }
0x6c: {  	_ =	shalt  }
0x6d: {  	_ =	shalt  }
0x6e: {  	_ =	shalt  }
0x6f: {  	_ =	shalt  }
0x70: {  	_ =	shalt  }
0x71: {  	_ =	shalt  }
0x72: {  	_ =	shalt  }
0x73: {  	_ =	shalt  }
0x74: {  	_ =	shalt  }
0x75: {  	_ =	shalt  }
0x76: {  	_ =	shalt  }
0x77: {  	_ =	shalt  }
0x78: {  	_ =	shalt  }
0x79: {  	_ =	shalt  }
0x7a: {  	_ =	shalt  }
0x7b: {  	_ =	shalt  }
0x7c: {  	_ =	shalt  }
0x7d: {  	_ =	shalt  }
0x7e: {  	_ =	shalt  }
0x7f: {  	_ =	shalt  }
0x80: {  	_ =	shalt  }
0x81: {  	_ =	shalt  }
0x82: {  	_ =	shalt  }
0x83: {  	_ =	shalt  }
0x84: {  	_ =	shalt  }
0x85: {  	_ =	shalt  }
0x86: {  	_ =	shalt  }
0x87: {  	_ =	shalt  }
.Lfunc_end0:
.L_simem_size_0:
called_computation.4_lowered:
.L_overlay_start_0:
0x88: {  	s2 =	sld [smem:$0x3FD9]  }
0x89: {  	s3 =	sld [smem:$0x3FFE];
	_ =	sdelay $0x1  }
0x8a: {  	s1 =	srdreg.scid  }
0x8b: {  	s0 =	sand.u32 $0x1, s1  }
0x8c: {  	s17 =	sshll.u32 s0, $0xA;
	s2 =	sadd.s32 s3, s2  }
0x8d: {  	s2 =	sadd.s32 s2, s17  }
0x8e: {  	[smem:$0x3FB9] =	sst s2  }
0x8f: {  	_ = 	snop  }
0x90: {  	s2 =	sld [smem:$0x3FD0];
	(tm) =	ssettm $0x1  }
0x91: {  	s18 =	sld [smem:$0x3FFB];
	_ =	sdelay $0x3  }
0x92: {  	_ =	strace s18  }
0x93: {  	s3 =	sld [smem:$0x3FFC];
	_ =	sdelay $0x3  }
0x94: {  	_ =	strace s3  }
0x95: {  	s3 =	sld [smem:$0x3FFD];
	_ =	sdelay $0x3  }
0x96: {  	_ =	strace s3  }
0x97: {  	_ =	strace $0x8FFFFFFF  }
0x98: {  	s19 =	sld [smem:$0x3FDB];
	_ =	sdelay $0x1  }
0x99: {  	s4 =	simm.s32 $_scs_section_size  }
0x9a: {  	s5 =	simm.s32 $_size__tile_overlayer_lowered;
	s6 =	simm.s32 $_tile_overlayer_lowered  }
0x9b: {  	s22 =	simm.s32 $0x1BFF;
	s21 =	sshll.u32 s6, $0x1;
	s3 =	sadd.s32 s4, s19  }
0x9c: {  	s7 =	simm.s32 $0x0;
	s20 =	sshll.u32 s5, $0x1;
	s5 =	sadd.s32 s21, s3  }
0x9d: {  	[timem:s7], [sflag:s22] =	dma.local [hbm:s5], s20  }
0x9e: {  	_ =	swait.ge [sflag:s22], s20  }
0x9f: {  	s4 =	ssub.s32 $0x0, s20;
	[sflag:s22] =	ssyncset.done $0x0  }
0xa0: {  	[sflag:s22] =	ssyncadd.s32 s4;
	_ =	sdelay $0x1  }
0xa1: {  	s23 =	simm.s32 $0x1B8B  }
0xa2: {  	_ =	swait.ge [sflag:s23], $0x1  }
0xa3: {  	[sflag:s23] =	ssyncset.done $0x0  }
0xa4: {  	s25 =	simm.s32 $0x1B8E;
	s24 =	sld [smem:$0x3FFE];
	[sflag:s23] =	ssyncadd.s32 $0xFFFFFFFF  }
0xa5: {  	s26 =	simm.s32 $execute0_lowered;
	[smem:$0x3FD2] =	sst s25  }
0xa6: {  	s5 =	sshll.u32 s26, $0x1;
	_ =	strace $0x80000052;
	[dreg:$0x1] =	wrdreg $0xFFFFFFFF  }
0xa7: {  	s28 =	simm.s32 $_size_execute0_lowered;
	s3 =	sadd.s32 s3, s5;
	[dreg:$0x0] =	wrdreg $0x0  }
0xa8: {  	s5 =	sshll.u32 s28, $0x1;
	[dreg:$0x2] =	wrdreg s3  }
0xa9: {  	[dreg:$0x3] =	wrdreg s5  }
0xaa: {  	[dreg:$0x4] =	wrdreg $0xC0  }
0xab: {  	_ =	task [dreg:s7], $0x5FFFF  }
0xac: {  	[dreg:$0x1] =	wrdreg $0xFFFFFFFF  }
0xad: {  	[dreg:$0x0] =	wrdreg $0x60  }
0xae: {  	[dreg:$0x2] =	wrdreg s24  }
0xaf: {  	[dreg:$0x3] =	wrdreg s2  }
0xb0: {  	[dreg:$0x4] =	wrdreg $0x79000  }
0xb1: {  	[dreg:$0x5] =	wrdreg $0x9  }
0xb2: {  	_ =	task.clear_ibuf [dreg:s7], $0x6FFFF;
	_ =	strace $0x90000052  }
0xb3: {  	s29 =	simm.s32 $0x9;
	_ =	strace $0x80000054  }
0xb4: {  	_ =	swait.ge [sflag:s29], $0x1  }
0xb5: {  	[sflag:s29] =	ssyncadd.s32 $0xFFFFFFFF  }
0xb6: {  	_ =	strace $0x90000054  }
0xb7: {  	_ =	sfence  }
0xb8: {  	s30 =	sld [smem:$0x0];
	_ =	sdelay $0x2  }
0xb9: {  	s31 =	sshll.u32 s1, $0xD;
	s1 =	sshrl.u32 s1, $0x2  }
0xba: {  	s3 =	sand.u32 $0x4000, s31;
	s1 =	sadd.s32 s1, s30  }
0xbb: {  	s0 =	sor.u32 s3, s0;
	s1 =	sshll.u32 s1, $0x11  }
0xbc: {  	s0 =	sor.u32 s1, s0  }
0xbd: {  	s0 =	sadd.s32 $0x8F2B, s0  }
0xbe: {  	[sflag:s0] =	ssyncadd.remote.s32 $0x1  }
0xbf: {  	_ =	sfence.sel $0xFFFF  }
0xc0: {  	[dreg:$0x0] =	wrdreg $0xFFFFFFFF;
	(pc) =	sbr.abs _section_cstart, $3  }
0xc1: {  	[dreg:$0x1] =	wrdreg $0xFFFFFFFF  }
0xc2: {  	_ =	task.clear_ibuf [dreg:s7], $0x2FFFF;
	_ =	strace $0x9FFFFFFF  }
0xc3: {  	(tm) =	ssettm $0x7FFFFFFF  }
tec
execute0_lowered:
.L_overlay_start_1:
0x0: {  	(tag) =	ssettag $0x1  }
0x1: {  	s7 =	rddreg [dreg:$0x0]  }
0x2: {  	s0 =	srdreg.scid;
	s11 =	rddreg [dreg:$0x1]  }
0x3: {  	s2 =	rddreg [dreg:$0x2];
	s8 =	sand.u32 $0x1, s0  }
0x4: {  	s0 =	stileid.u32;
	s4 =	smul.u32 $0x27100, s8  }
0x5: {  	s1 =	rddreg [dreg:$0x3];
	s3 =	simm.s32 $0x0;
	s5 =	smul.u32 $0x2710, s0  }
0x6: {  	s17 =	simm.s32 $0x50;
	s18 =	simm.s32 $0x2900;
	s26 =	smul.u32 $0x271000, s8  }
0x7: {  	s19 =	simm.s32 $0x5100;
	s20 =	simm.s32 $0x1;
	s9 =	smul.u32 $0x2800, s0  }
0x8: {  	s21 =	simm.s32 $0x2;
	s22 =	simm.s32 $0x0;
	s14 =	smul.u32 $0x28000, s8  }
0x9: {  	[smem:$0x7FF] =	sst s3;
	s6 =	sadd.s32 $0x10000, s7;
	s28 =	smul.u32 $0x50000, s0  }
0xa: {  	_ =	strace $0x80000053;
	s8 =	ssub.s32 $0x2, s8;
	s15 =	smul.u32 $0x27100, s0  }
0xb: {  	s31 =	sshll.u32 s0, $0x6;
	s29 =	sshrl.u32 s8, $0x1;
	s4 =	sadd.s32 s5, s4  }
0xc: {  	s10 =	sadd.s32 s26, s7;
	s5 =	sadd.s32 $0x39A00, s7;
	s9 =	sadd.s32 s9, s14  }
0xd: {  	s16 =	ssub.s32 s8, s29;
	s30 =	sshrl.u32 s28, $0x2;
	s12 =	sshrl.u32 s4, $0x3  }
0xe: {  	s4 =	sadd.s32 $0x12800, s7;
	s9 =	sadd.s32 s9, s7;
	s14 =	sadd.s32 s30, s2  }
0xf: {  	s10 =	sadd.s32 s15, s10;
	s15 =	simm.s32 $0x80;
	s13 =	sadd.s32 s12, s7  }
0x10: {  	s7 =	sor.u32 $0x1C03, s31;
	s8 =	sadd.s32 $0x8CC00, s9;
	s9 =	smax.u32 s16, $0x1  }
0x11: {  	s10 =	sadd.s32 $0x4FBE00, s10;
	s11 =	sadd.s32 s12, s11;
	s16 =	simm.s32 $0x100  }
0x12: {  	s12 =	sadd.s32 $0x4F2000, s13;
	s13 =	sshrl.u32 s14, $0x3;
	s14 =	simm.s32 $0x3  }
.LBB2_1:
0x13: {  	[spmem:s13], [sflag:s7] =	dma.local [hbm:s6], $0x2800  }
0x14: {  	_ =	swait.ge [sflag:s14], $0x2800  }
0x15: {  	[sflag:s14] =	ssyncset.done $0x0  }
0x16: {  	[sflag:s14] =	ssyncadd.s32 $0xFFFFD800  }
0x17: {  	s23 =	sadd.s32 $0x0, s12;
	[bflag:$0x0] =	sbarrier.arrive $0xFFFF  }
0x18: {  	[tilespmem:s3], [sflag:$0x3] =	stream.linear.gather [hbm4b:s23+s3], $0x50, $0x38;
	[tilespmem:$0x1B900] =	vst v63  }
0x19: {  	_ =	swait.ge [sflag:s14], $0x50  }
0x1a: {  	[sflag:s14] =	ssyncset.done $0x0  }
0x1b: {  	s31 =	sadd.s32 $0x0, s11;
	[sflag:s14] =	ssyncadd.s32 $0xFFFFFFB0  }
0x1c: {  	[tilespmem:s15], [sflag:$0x3] =	stream.linear.gather [hbm4b:s31+s3], $0x50, $0x38;
	[tilespmem:$0x1B900] =	vst v63  }
0x1d: {  	_ =	swait.ge [sflag:s14], $0x50  }
0x1e: {  	[sflag:s14] =	ssyncset.done $0x0  }
0x1f: {  	[sflag:s14] =	ssyncadd.s32 $0xFFFFFFB0  }
0x20: {  	[tilespmem:s16], [sflag:$0x3] =	stream.linear.gather [hbm4b:s10+s3], $0x2800, $0x38;
	[tilespmem:$0x1B900] =	vst v63  }
0x21: {  	_ =	swait.ge [sflag:s14], $0x2800  }
0x22: {  	[sflag:s14] =	ssyncset.done $0x0  }
0x23: {  	[sflag:s14] =	ssyncadd.s32 $0xFFFFD800  }
0x24: {  	[tilespmem:s18], [sflag:$0x1] =	stream.indirect.gather [hbm4b:s4+s17], $0x80, s3, s17, $0xb8;
	[tilespmem:$0x1B900] =	vst v63  }
0x25: {  	_ = 	snop  }
0x26: {  	[tilespmem:s19], [sflag:$0x2] =	stream.indirect.gather [hbm4b:s5+s17], $0x80, s15, s17, $0xb8;
	[tilespmem:$0x1B900] =	vst v63  }
0x27: {  	_ = 	snop  }
0x28: {  	[spmem:s2] =	stream.indirect.scatter.add.f32 [tilespmem:s16], [sflag:$0x3], $0x80, s15, s17, $0xb8;
	[tilespmem:$0x1B900] =	vst v63  }
0x29: {  	_ =	swait.ge [sflag:s14], $0x2800  }
0x2a: {  	[sflag:s14] =	ssyncset.done $0x0  }
0x2b: {  	[sflag:s14] =	ssyncadd.s32 $0xFFFFD800  }
0x2c: {  	_ =	swait.ge [sflag:s20], $0x2800  }
0x2d: {  	[sflag:s20] =	ssyncset.done $0x0  }
0x2e: {  	[sflag:s20] =	ssyncadd.s32 $0xFFFFD800  }
0x2f: {  	[spmem:s2] =	stream.indirect.scatter.add.f32 [tilespmem:s18], [sflag:$0x3], $0x80, s15, s17, $0xb8;
	[tilespmem:$0x1B900] =	vst v63  }
0x30: {  	_ =	swait.ge [sflag:s14], $0x2800  }
0x31: {  	[sflag:s14] =	ssyncset.done $0x0  }
0x32: {  	[sflag:s14] =	ssyncadd.s32 $0xFFFFD800  }
0x33: {  	_ =	swait.ge [sflag:s21], $0x2800  }
0x34: {  	[sflag:s21] =	ssyncset.done $0x0  }
0x35: {  	[sflag:s21] =	ssyncadd.s32 $0xFFFFD800  }
0x36: {  	[spmem:s2] =	stream.indirect.scatter.add.f32 [tilespmem:s19], [sflag:$0x3], $0x80, s15, s17, $0xb8;
	[tilespmem:$0x1B900] =	vst v63  }
0x37: {  	s24 =	simm.s32 $0xA;
	_ =	swait.ge [sflag:s14], $0x2800  }
0x38: {  	s26 =	simm.s32 $0x14;
	s23 =	sadd.s32 $0x500, s10;
	[sflag:s14] =	ssyncset.done $0x0  }
.LBB2_2:
0x39: {  	s28 =	sadd.s32 s24, s12  }
0x3a: {  	[sflag:s14] =	ssyncadd.s32 $0xFFFFD800;
	s29 =	smov.u32 s26;
	s25 =	sadd.s32 $0xA, s26  }
0x3b: {  	[tilespmem:s3], [sflag:$0x3] =	stream.linear.gather [hbm4b:s28+s3], $0x50, $0x38;
	[tilespmem:$0x1B900] =	vst v63  }
0x3c: {  	p0 =	sne.s32 s26, $0x4D8;
	_ =	swait.ge [sflag:s14], $0x50  }
0x3d: {  	[sflag:s14] =	ssyncset.done $0x0  }
0x3e: {  	s26 =	sadd.s32 s24, s11;
	s24 =	smov.u32 s29;
	[sflag:s14] =	ssyncadd.s32 $0xFFFFFFB0  }
0x3f: {  	[tilespmem:s15], [sflag:$0x3] =	stream.linear.gather [hbm4b:s26+s3], $0x50, $0x38;
	[tilespmem:$0x1B900] =	vst v63  }
0x40: {  	_ =	swait.ge [sflag:s14], $0x50  }
0x41: {  	[sflag:s14] =	ssyncset.done $0x0  }
0x42: {  	[sflag:s14] =	ssyncadd.s32 $0xFFFFFFB0  }
0x43: {  	[tilespmem:s16], [sflag:$0x3] =	stream.linear.gather [hbm4b:s23+s3], $0x2800, $0x38;
	[tilespmem:$0x1B900] =	vst v63  }
0x44: {  	_ =	swait.ge [sflag:s14], $0x2800  }
0x45: {  	[sflag:s14] =	ssyncset.done $0x0  }
0x46: {  	[sflag:s14] =	ssyncadd.s32 $0xFFFFD800  }
0x47: {  	[tilespmem:s18], [sflag:$0x1] =	stream.indirect.gather [hbm4b:s4+s17], $0x80, s3, s17, $0xb8;
	[tilespmem:$0x1B900] =	vst v63  }
0x48: {  	_ = 	snop  }
0x49: {  	[tilespmem:s19], [sflag:$0x2] =	stream.indirect.gather [hbm4b:s5+s17], $0x80, s15, s17, $0xb8;
	[tilespmem:$0x1B900] =	vst v63  }
0x4a: {  	_ = 	snop  }
0x4b: {  	[spmem:s2] =	stream.indirect.scatter.add.f32 [tilespmem:s16], [sflag:$0x3], $0x80, s15, s17, $0xb8;
	[tilespmem:$0x1B900] =	vst v63  }
0x4c: {  	_ =	swait.ge [sflag:s14], $0x2800  }
0x4d: {  	[sflag:s14] =	ssyncset.done $0x0  }
0x4e: {  	[sflag:s14] =	ssyncadd.s32 $0xFFFFD800  }
0x4f: {  	_ =	swait.ge [sflag:s20], $0x2800  }
0x50: {  	[sflag:s20] =	ssyncset.done $0x0  }
0x51: {  	[sflag:s20] =	ssyncadd.s32 $0xFFFFD800  }
0x52: {  	[spmem:s2] =	stream.indirect.scatter.add.f32 [tilespmem:s18], [sflag:$0x3], $0x80, s15, s17, $0xb8;
	[tilespmem:$0x1B900] =	vst v63  }
0x53: {  	_ =	swait.ge [sflag:s14], $0x2800  }
0x54: {  	[sflag:s14] =	ssyncset.done $0x0  }
0x55: {  	[sflag:s14] =	ssyncadd.s32 $0xFFFFD800  }
0x56: {  	_ =	swait.ge [sflag:s21], $0x2800  }
.Ltmp0:
0x57: {  	[sflag:s21] =	ssyncset.done $0x0;
	(pc) =	sbr.rel @p0 .LBB2_2-.Ltmp0, $4  }
0x58: {  	[sflag:s21] =	ssyncadd.s32 $0xFFFFD800  }
0x59: {  	[spmem:s2] =	stream.indirect.scatter.add.f32 [tilespmem:s19], [sflag:$0x3], $0x80, s15, s17, $0xb8;
	[tilespmem:$0x1B900] =	vst v63  }
0x5a: {  	_ =	swait.ge [sflag:s14], $0x2800  }
0x5b: {  	s26 =	smov.u32 s25;
	s23 =	sadd.s32 $0x500, s23;
	[sflag:s14] =	ssyncset.done $0x0  }
0x5c: {  	s25 =	sadd.s32 s24, s12;
	[sflag:s14] =	ssyncadd.s32 $0xFFFFD800  }
0x5d: {  	[tilespmem:s3], [sflag:$0x3] =	stream.linear.gather [hbm4b:s25+s3], $0x50, $0x38;
	[tilespmem:$0x1B900] =	vst v63  }
0x5e: {  	_ =	swait.ge [sflag:s14], $0x50  }
0x5f: {  	[sflag:s14] =	ssyncset.done $0x0  }
0x60: {  	s31 =	sadd.s32 s24, s11;
	[sflag:s14] =	ssyncadd.s32 $0xFFFFFFB0  }
0x61: {  	[tilespmem:s15], [sflag:$0x3] =	stream.linear.gather [hbm4b:s31+s3], $0x50, $0x38;
	[tilespmem:$0x1B900] =	vst v63  }
0x62: {  	_ =	swait.ge [sflag:s14], $0x50  }
0x63: {  	[sflag:s14] =	ssyncset.done $0x0  }
0x64: {  	[sflag:s14] =	ssyncadd.s32 $0xFFFFFFB0  }
0x65: {  	[tilespmem:s16], [sflag:$0x3] =	stream.linear.gather [hbm4b:s23+s3], $0x2800, $0x38;
	[tilespmem:$0x1B900] =	vst v63  }
0x66: {  	_ =	swait.ge [sflag:s14], $0x2800  }
0x67: {  	[sflag:s14] =	ssyncset.done $0x0  }
0x68: {  	[sflag:s14] =	ssyncadd.s32 $0xFFFFD800  }
0x69: {  	[tilespmem:s18], [sflag:$0x1] =	stream.indirect.gather [hbm4b:s4+s17], $0x80, s3, s17, $0xb8;
	[tilespmem:$0x1B900] =	vst v63  }
0x6a: {  	_ = 	snop  }
0x6b: {  	[tilespmem:s19], [sflag:$0x2] =	stream.indirect.gather [hbm4b:s5+s17], $0x80, s15, s17, $0xb8;
	[tilespmem:$0x1B900] =	vst v63  }
0x6c: {  	_ = 	snop  }
0x6d: {  	[spmem:s2] =	stream.indirect.scatter.add.f32 [tilespmem:s16], [sflag:$0x3], $0x80, s15, s17, $0xb8;
	[tilespmem:$0x1B900] =	vst v63  }
0x6e: {  	_ =	swait.ge [sflag:s14], $0x2800  }
0x6f: {  	[sflag:s14] =	ssyncset.done $0x0  }
0x70: {  	[sflag:s14] =	ssyncadd.s32 $0xFFFFD800  }
0x71: {  	_ =	swait.ge [sflag:s20], $0x2800  }
0x72: {  	[sflag:s20] =	ssyncset.done $0x0  }
0x73: {  	[sflag:s20] =	ssyncadd.s32 $0xFFFFD800  }
0x74: {  	[spmem:s2] =	stream.indirect.scatter.add.f32 [tilespmem:s18], [sflag:$0x3], $0x80, s15, s17, $0xb8;
	[tilespmem:$0x1B900] =	vst v63  }
0x75: {  	_ =	swait.ge [sflag:s14], $0x2800  }
0x76: {  	[sflag:s14] =	ssyncset.done $0x0  }
0x77: {  	[sflag:s14] =	ssyncadd.s32 $0xFFFFD800  }
0x78: {  	_ =	swait.ge [sflag:s21], $0x2800  }
0x79: {  	[sflag:s21] =	ssyncset.done $0x0  }
0x7a: {  	[sflag:s21] =	ssyncadd.s32 $0xFFFFD800  }
0x7b: {  	[spmem:s2] =	stream.indirect.scatter.add.f32 [tilespmem:s19], [sflag:$0x3], $0x80, s15, s17, $0xb8;
	[tilespmem:$0x1B900] =	vst v63  }
0x7c: {  	_ =	swait.ge [sflag:s14], $0x2800  }
0x7d: {  	s22 =	sadd.s32 $0x1, s22;
	[sflag:s14] =	ssyncset.done $0x0  }
0x7e: {  	p0 =	sne.s32 s22, s9;
	[sflag:s14] =	ssyncadd.s32 $0xFFFFD800  }
.Ltmp1:
0x7f: {  	[bflag:$0x0] =	sbarrier.arrive $0xFFFF;
	(pc) =	sbr.rel @p0 .LBB2_1-.Ltmp1, $4  }
0x80: {  	[hbm:s8], [sflag:s7] =	dma.local [spmem:s13], $0x2800  }
0x81: {  	_ =	swait.ge [sflag:s14], $0x2800  }
0x82: {  	[sflag:s14] =	ssyncset.done $0x0  }
0x83: {  	[sflag:s14] =	ssyncadd.s32 $0xFFFFD800  }
0x84: {  	_ =	sfence.sel $0x180000  }
0x85: {  	[bflag:$0x0] =	sbarrier.arrive $0xFFFF  }
0x86: {  	p0 =	sne.s32 s0, $0x0;
	_ =	strace $0x90000053  }
0x87: {  	s0 =	sadd.s32 @!p0 $0x100000, s1;
	[bflag:$0x2] =	sbarrier.arrive $0xFFFF  }
0x88: {  	[sflag:s0] =	ssyncadd.tile.s32 @!p0 $0x1;
	_ =	shalt  }
.Lfunc_end2:
_tile_overlayer_lowered:
.L_overlay_start_2:
0x89: {  	(tag) =	ssettag $0x2  }
0x8a: {  	s0 =	rddreg [dreg:$0x0];
	s2 =	stileid.u32  }
0x8b: {  	s1 =	rddreg [dreg:$0x1];
	p0 =	sne.s32 s2, $0x0  }
0x8c: {  	s3 =	rddreg [dreg:$0x2];
	[bflag:$0x3] =	sbarrier.arrive $0xFFFF;
	s2 =	simm.s32 @!p0 $0x1C03  }
0x8d: {  	[timem:s3], [sflag:s2] =	dma.local @!p0 [hbm:s0], s1  }
0x8e: {  	s0 =	simm.s32 @!p0 $0x3  }
0x8f: {  	_ =	swait.ge @!p0 [sflag:s0], s1  }
0x90: {  	s1 =	ssub.s32 @!p0 $0x0, s1;
	[sflag:s0] =	ssyncset.done @!p0 $0x0  }
0x91: {  	[sflag:s0] =	ssyncadd.s32 @!p0 s1  }
0x92: {  	[bflag:$0x3] =	sbarrier.arrive $0xFFFF  }
0x93: {  	_ =	shalt  }

</sc_bundles>
